<compile_context>
chip_gen: v7x
topology: tpu7x:2x2x1
jax: 0.10.2.dev20260603
libtpu: 0.0.44.dev20260713+nightly
codegen_flags: <defaults>
</compile_context>

<pallas_src>
import functools

import jax
import jax.numpy as jnp
from jax import lax
from jax.experimental import pallas as pl
from jax.experimental.pallas import tpu as pltpu
from jax.experimental.pallas import tpu_sc as plsc

N_FIELDS = 26
VOCAB = 100000
DIM = 16
BATCH = 4096
HIST = 20

NC = 2
NS = 16
NW = NC * NS
NB = BATCH // NW
ROWS = NB * HIST
CHUNK = 128
NCHUNK = ROWS // CHUNK


def _sc_call(idx_flat, tables_flat):
    mesh = plsc.VectorSubcoreMesh(
        core_axis_name="c", subcore_axis_name="s", num_cores=NC, num_subcores=NS
    )

    @functools.partial(
        pl.kernel,
        out_type=jax.ShapeDtypeStruct((BATCH, N_FIELDS * DIM), jnp.float32),
        mesh=mesh,
        scratch_types=[
            pltpu.VMEM((ROWS,), jnp.int32),
            pltpu.VMEM((NCHUNK, CHUNK), jnp.int32),
            pltpu.VMEM((ROWS, DIM), jnp.float32),
            pltpu.VMEM((NB, N_FIELDS * DIM), jnp.float32),
            pltpu.SemaphoreType.DMA,
        ],
        compiler_params=pltpu.CompilerParams(use_tc_tiling_on_sc=False),
    )
    def k(idx_hbm, tab_hbm, out_hbm, idx_v, gidx_v, gbuf, oblk, sem):
        wid = lax.axis_index("s") * NC + lax.axis_index("c")
        base = wid * NB

        @pl.loop(0, N_FIELDS)
        def per_field(f):
            off = f * (BATCH * HIST) + base * HIST
            pltpu.sync_copy(idx_hbm.at[pl.ds(off, ROWS)], idx_v)
            fbase = f * VOCAB
            for c in range(NCHUNK):
                for j in range(CHUNK // 16):
                    v = idx_v[pl.ds(c * CHUNK + j * 16, 16)]
                    gidx_v[c, pl.ds(j * 16, 16)] = v + fbase
            copies = [
                pltpu.async_copy(
                    tab_hbm.at[gidx_v.at[c]],
                    gbuf.at[pl.ds(c * CHUNK, CHUNK)],
                    sem,
                )
                for c in range(NCHUNK)
            ]
            for cp in copies:
                cp.wait()
            col = f * DIM

            @pl.loop(0, NB)
            def per_b(b):
                r0 = b * HIST
                v = gbuf[r0, :]
                for h in range(1, HIST):
                    v = v + gbuf[r0 + h, :]
                oblk[b, pl.ds(col, DIM)] = v * (1.0 / HIST)

        pltpu.sync_copy(oblk, out_hbm.at[pl.ds(base, NB)])

    return k(idx_flat, tables_flat)


def kernel(indices, num_x, tables):
    idx_flat = indices.astype(jnp.int32).reshape(-1)
    tables_flat = tables.reshape(N_FIELDS * VOCAB, DIM)
    emb = _sc_call(idx_flat, tables_flat)
    return jnp.concatenate([emb, num_x.astype(jnp.float32)], axis=1)

# --- scband reference (transcript-rebuilt; emitter-appended) ---
"""Pipeline reference for scband-dense-features-23665269801381 (READ-ONLY COPY).

The authoritative reference and input builder live on the scoring server;
editing this copy changes nothing except your own understanding.
"""

import jax, jax.numpy as jnp
import numpy as np

N_FIELDS = 26
VOCAB = 100000
DIM = 16
BATCH = 4096
HIST = 20


def setup_inputs(seed: int = 0) -> dict:
    key = jax.random.key(seed)
    k1, k2, k3 = jax.random.split(key, 3)
    indices = jax.random.randint(k1, (N_FIELDS, BATCH, HIST), 0, VOCAB, dtype=jnp.int64 if jax.config.jax_enable_x64 else jnp.int32)
    num_x = jax.random.normal(k2, (BATCH, 1), dtype=jnp.float32)
    # one glorot-ish embedding table per categorical feature, stacked
    tables = jax.random.normal(k3, (N_FIELDS, VOCAB, DIM), dtype=jnp.float32) * 0.05
    return {"indices": indices, "num_x": num_x, "tables": tables}


def reference(indices, num_x, tables):
    # Faithful translation of DenseFeatures.call with 26 multi-hot embedding
    # columns (combiner='mean') followed by one numeric column (columns are
    # sorted by name: cat_0..cat_25 < num_0), aggregation='concat'.
    features = []
    for f in range(N_FIELDS):
        x = indices[f]                       # [B, HIST]
        emb = jnp.take(tables[f], x, axis=0)  # gather -> [B, HIST, DIM]
        mask_array = (x >= 0).astype(emb.dtype)  # [B, HIST]
        mask = mask_array[..., None]
        emb = emb * mask
        emb = jnp.sum(emb, axis=1)           # [B, DIM]
        # combiner == 'mean' -> divide_no_nan by row lengths
        row_lengths = jnp.sum(mask_array, axis=1)[:, None]  # [B, 1]
        safe = jnp.where(row_lengths > 0, row_lengths, 1.0)
        emb = jnp.where(row_lengths > 0, emb / safe, 0.0)
        features.append(emb)
    # numeric column (shape[0] == 1 path: passed through as-is)
    features.append(num_x)
    return jnp.concatenate(features, axis=1)  # [B, 26*16 + 1]

if __name__ == "__main__":
    import jax
    _d = setup_inputs()
    print(jax.jit(kernel)(*tuple(_d.values())))

</pallas_src>

<mosaic_0001>
#map = affine_map<(d0, d1) -> (0)>
#map1 = affine_map<(d0, d1) -> (0, 0)>
module attributes {stable_mosaic.version = 14 : i64} {
  func.func @k(%arg0: i32, %arg1: i32, %arg2: memref<2129920xi32, #tpu.memory_space<hbm>>, %arg3: memref<2600000x16xf32, #tpu.memory_space<hbm>>, %arg4: memref<4096x416xf32, #tpu.memory_space<hbm>>, %arg5: memref<2560xi32, #tpu.memory_space<vmem>>, %arg6: memref<20x128xi32, #tpu.memory_space<vmem>>, %arg7: memref<2560x16xf32, #tpu.memory_space<vmem>>, %arg8: memref<128x416xf32, #tpu.memory_space<vmem>>, %arg9: memref<!tpu.dma_semaphore, #tpu.memory_space<semaphore_mem>>) attributes {dimension_semantics = [#tpu.dimension_semantics<core_parallel>, #tpu.dimension_semantics<subcore_parallel>], iteration_bounds = array<i64: 2, 16>, scalar_prefetch = 0 : i64, scratch_operands = 5 : i64, tpu.core_type = #tpu.core_type<sc_vector_subcore>, window_params = [{transform_indices = #map}, {transform_indices = #map1}, {transform_indices = #map1}]} {
    %mul3A = arith.constant 2 : i32
    %mul3A_0 = arith.muli %arg1, %mul3A : i32
    %add3A = arith.addi %mul3A_0, %arg0 : i32
    %mul3A_1 = arith.constant 128 : i32
    %mul3A_2 = arith.muli %add3A, %mul3A_1 : i32
    %scan3A = arith.constant 0 : i32
    %scan3A_3 = arith.constant 26 : i32
    %scan3A_4 = arith.addi %scan3A, %scan3A_3 : i32
    %scan3A_5 = arith.constant 1 : i32
    scf.for %scan3A_7 = %scan3A to %scan3A_4 step %scan3A_5  : i32 {
      %mul3A_8 = arith.constant 1 : i32
      %mul3A_9 = arith.muli %scan3A_7, %mul3A_8 : i32
      %add3A_10 = arith.constant 0 : i32
      %add3A_11 = arith.addi %add3A_10, %mul3A_9 : i32
      %mul3A_12 = arith.constant 81920 : i32
      %mul3A_13 = arith.muli %add3A_11, %mul3A_12 : i32
      %mul3A_14 = arith.constant 20 : i32
      %mul3A_15 = arith.muli %mul3A_2, %mul3A_14 : i32
      %add3A_16 = arith.addi %mul3A_13, %mul3A_15 : i32
      "tpu.region"() ({
        %run_scoped3A = tpu.sem_alloc : memref<!tpu.dma_semaphore, #tpu.memory_space<semaphore_mem>>
        %dma_start3A_2182 = tpu.memref_slice %arg2[%add3A_16] : memref<2129920xi32, #tpu.memory_space<hbm>> -> memref<2560xi32, #tpu.memory_space<hbm>>
        %dma_start3A_2183 = tpu.memref_slice %arg2[%add3A_16] : memref<2129920xi32, #tpu.memory_space<hbm>> -> memref<2560xi32, #tpu.memory_space<hbm>>
        tpu.enqueue_dma source(%dma_start3A_2183 : memref<2560xi32, #tpu.memory_space<hbm>>) target(%arg5 : memref<2560xi32, #tpu.memory_space<vmem>>) target_semaphore(%run_scoped3A : memref<!tpu.dma_semaphore, #tpu.memory_space<semaphore_mem>>)
        %dma_wait3A_2184 = tpu.memref_slice %arg2[%add3A_16] : memref<2129920xi32, #tpu.memory_space<hbm>> -> memref<2560xi32, #tpu.memory_space<hbm>>
        %dma_wait3A_2185 = tpu.memref_slice %arg2[%add3A_16] : memref<2129920xi32, #tpu.memory_space<hbm>> -> memref<2560xi32, #tpu.memory_space<hbm>>
        tpu.wait_dma2 semaphore(%run_scoped3A : memref<!tpu.dma_semaphore, #tpu.memory_space<semaphore_mem>>) src(%dma_wait3A_2185 : memref<2560xi32, #tpu.memory_space<hbm>>) dst(%arg5 : memref<2560xi32, #tpu.memory_space<vmem>>)
        tpu.yield
      }) : () -> ()
      %mul3A_17 = arith.constant 100000 : i32
      %mul3A_18 = arith.muli %add3A_11, %mul3A_17 : i32
      %get3A = arith.constant 0 : index
      %get3A_19 = tpu.vector_load %arg5[%get3A] {strides = array<i32>} : memref<2560xi32, #tpu.memory_space<vmem>>, vector<16xi32>,
      %get3A_20 = vector.shape_cast %get3A_19 : vector<16xi32> to vector<16xi32>
      %add3A_21 = vector.broadcast %mul3A_18 : i32 to vector<16xi32>
      %add3A_22 = arith.addi %get3A_20, %add3A_21 : vector<16xi32>
      %swap3A = arith.constant 0 : i32
      %swap3A_23 = arith.index_cast %swap3A : i32 to index
      %swap3A_24 = arith.constant 0 : index
      %swap3A_25 = tpu.vector_load %arg6[%swap3A_23, %swap3A_24] {strides = array<i32>} : memref<20x128xi32, #tpu.memory_space<vmem>>, vector<1x16xi32>,
      %swap3A_26 = vector.shape_cast %swap3A_25 : vector<1x16xi32> to vector<16xi32>
      %swap3A_27 = vector.shape_cast %add3A_22 : vector<16xi32> to vector<1x16xi32>
      tpu.vector_store %arg6[%swap3A_23, %swap3A_24], %swap3A_27 {strides = array<i32>} : memref<20x128xi32, #tpu.memory_space<vmem>>, vector<1x16xi32>,
      %get3A_28 = arith.constant 16 : index
      %get3A_29 = tpu.vector_load %arg5[%get3A_28] {strides = array<i32>} : memref<2560xi32, #tpu.memory_space<vmem>>, vector<16xi32>,
      %get3A_30 = vector.shape_cast %get3A_29 : vector<16xi32> to vector<16xi32>
      %add3A_31 = vector.broadcast %mul3A_18 : i32 to vector<16xi32>
      %add3A_32 = arith.addi %get3A_30, %add3A_31 : vector<16xi32>
      %swap3A_33 = arith.constant 0 : i32
      %swap3A_34 = arith.index_cast %swap3A_33 : i32 to index
      %swap3A_35 = arith.constant 16 : index
      %swap3A_36 = tpu.vector_load %arg6[%swap3A_34, %swap3A_35] {strides = array<i32>} : memref<20x128xi32, #tpu.memory_space<vmem>>, vector<1x16xi32>,
      %swap3A_37 = vector.shape_cast %swap3A_36 : vector<1x16xi32> to vector<16xi32>
      %swap3A_38 = vector.shape_cast %add3A_32 : vector<16xi32> to vector<1x16xi32>
      tpu.vector_store %arg6[%swap3A_34, %swap3A_35], %swap3A_38 {strides = array<i32>} : memref<20x128xi32, #tpu.memory_space<vmem>>, vector<1x16xi32>,
      %get3A_39 = arith.constant 32 : index
      %get3A_40 = tpu.vector_load %arg5[%get3A_39] {strides = array<i32>} : memref<2560xi32, #tpu.memory_space<vmem>>, vector<16xi32>,
      %get3A_41 = vector.shape_cast %get3A_40 : vector<16xi32> to vector<16xi32>
      %add3A_42 = vector.broadcast %mul3A_18 : i32 to vector<16xi32>
      %add3A_43 = arith.addi %get3A_41, %add3A_42 : vector<16xi32>
      %swap3A_44 = arith.constant 0 : i32
      %swap3A_45 = arith.index_cast %swap3A_44 : i32 to index
      %swap3A_46 = arith.constant 32 : index
      %swap3A_47 = tpu.vector_load %arg6[%swap3A_45, %swap3A_46] {strides = array<i32>} : memref<20x128xi32, #tpu.memory_space<vmem>>, vector<1x16xi32>,
      %swap3A_48 = vector.shape_cast %swap3A_47 : vector<1x16xi32> to vector<16xi32>
      %swap3A_49 = vector.shape_cast %add3A_43 : vector<16xi32> to vector<1x16xi32>
      tpu.vector_store %arg6[%swap3A_45, %swap3A_46], %swap3A_49 {strides = array<i32>} : memref<20x128xi32, #tpu.memory_space<vmem>>, vector<1x16xi32>,
      %get3A_50 = arith.constant 48 : index
      %get3A_51 = tpu.vector_load %arg5[%get3A_50] {strides = array<i32>} : memref<2560xi32, #tpu.memory_space<vmem>>, vector<16xi32>,
      %get3A_52 = vector.shape_cast %get3A_51 : vector<16xi32> to vector<16xi32>
      %add3A_53 = vector.broadcast %mul3A_18 : i32 to vector<16xi32>
      %add3A_54 = arith.addi %get3A_52, %add3A_53 : vector<16xi32>
      %swap3A_55 = arith.constant 0 : i32
      %swap3A_56 = arith.index_cast %swap3A_55 : i32 to index
      %swap3A_57 = arith.constant 48 : index
      %swap3A_58 = tpu.vector_load %arg6[%swap3A_56, %swap3A_57] {strides = array<i32>} : memref<20x128xi32, #tpu.memory_space<vmem>>, vector<1x16xi32>,
      %swap3A_59 = vector.shape_cast %swap3A_58 : vector<1x16xi32> to vector<16xi32>
      %swap3A_60 = vector.shape_cast %add3A_54 : vector<16xi32> to vector<1x16xi32>
      tpu.vector_store %arg6[%swap3A_56, %swap3A_57], %swap3A_60 {strides = array<i32>} : memref<20x128xi32, #tpu.memory_space<vmem>>, vector<1x16xi32>,
      %get3A_61 = arith.constant 64 : index
      %get3A_62 = tpu.vector_load %arg5[%get3A_61] {strides = array<i32>} : memref<2560xi32, #tpu.memory_space<vmem>>, vector<16xi32>,
      %get3A_63 = vector.shape_cast %get3A_62 : vector<16xi32> to vector<16xi32>
      %add3A_64 = vector.broadcast %mul3A_18 : i32 to vector<16xi32>
      %add3A_65 = arith.addi %get3A_63, %add3A_64 : vector<16xi32>
      %swap3A_66 = arith.constant 0 : i32
      %swap3A_67 = arith.index_cast %swap3A_66 : i32 to index
      %swap3A_68 = arith.constant 64 : index
      %swap3A_69 = tpu.vector_load %arg6[%swap3A_67, %swap3A_68] {strides = array<i32>} : memref<20x128xi32, #tpu.memory_space<vmem>>, vector<1x16xi32>,
      %swap3A_70 = vector.shape_cast %swap3A_69 : vector<1x16xi32> to vector<16xi32>
      %swap3A_71 = vector.shape_cast %add3A_65 : vector<16xi32> to vector<1x16xi32>
      tpu.vector_store %arg6[%swap3A_67, %swap3A_68], %swap3A_71 {strides = array<i32>} : memref<20x128xi32, #tpu.memory_space<vmem>>, vector<1x16xi32>,
      %get3A_72 = arith.constant 80 : index
      %get3A_73 = tpu.vector_load %arg5[%get3A_72] {strides = array<i32>} : memref<2560xi32, #tpu.memory_space<vmem>>, vector<16xi32>,
      %get3A_74 = vector.shape_cast %get3A_73 : vector<16xi32> to vector<16xi32>
      %add3A_75 = vector.broadcast %mul3A_18 : i32 to vector<16xi32>
      %add3A_76 = arith.addi %get3A_74, %add3A_75 : vector<16xi32>
      %swap3A_77 = arith.constant 0 : i32
      %swap3A_78 = arith.index_cast %swap3A_77 : i32 to index
      %swap3A_79 = arith.constant 80 : index
      %swap3A_80 = tpu.vector_load %arg6[%swap3A_78, %swap3A_79] {strides = array<i32>} : memref<20x128xi32, #tpu.memory_space<vmem>>, vector<1x16xi32>,
      %swap3A_81 = vector.shape_cast %swap3A_80 : vector<1x16xi32> to vector<16xi32>
      %swap3A_82 = vector.shape_cast %add3A_76 : vector<16xi32> to vector<1x16xi32>
      tpu.vector_store %arg6[%swap3A_78, %swap3A_79], %swap3A_82 {strides = array<i32>} : memref<20x128xi32, #tpu.memory_space<vmem>>, vector<1x16xi32>,
      %get3A_83 = arith.constant 96 : index
      %get3A_84 = tpu.vector_load %arg5[%get3A_83] {strides = array<i32>} : memref<2560xi32, #tpu.memory_space<vmem>>, vector<16xi32>,
      %get3A_85 = vector.shape_cast %get3A_84 : vector<16xi32> to vector<16xi32>
      %add3A_86 = vector.broadcast %mul3A_18 : i32 to vector<16xi32>
      %add3A_87 = arith.addi %get3A_85, %add3A_86 : vector<16xi32>
      %swap3A_88 = arith.constant 0 : i32
      %swap3A_89 = arith.index_cast %swap3A_88 : i32 to index
      %swap3A_90 = arith.constant 96 : index
      %swap3A_91 = tpu.vector_load %arg6[%swap3A_89, %swap3A_90] {strides = array<i32>} : memref<20x128xi32, #tpu.memory_space<vmem>>, vector<1x16xi32>,
      %swap3A_92 = vector.shape_cast %swap3A_91 : vector<1x16xi32> to vector<16xi32>
      %swap3A_93 = vector.shape_cast %add3A_87 : vector<16xi32> to vector<1x16xi32>
      tpu.vector_store %arg6[%swap3A_89, %swap3A_90], %swap3A_93 {strides = array<i32>} : memref<20x128xi32, #tpu.memory_space<vmem>>, vector<1x16xi32>,
      %get3A_94 = arith.constant 112 : index
      %get3A_95 = tpu.vector_load %arg5[%get3A_94] {strides = array<i32>} : memref<2560xi32, #tpu.memory_space<vmem>>, vector<16xi32>,
      %get3A_96 = vector.shape_cast %get3A_95 : vector<16xi32> to vector<16xi32>
      %add3A_97 = vector.broadcast %mul3A_18 : i32 to vector<16xi32>
      %add3A_98 = arith.addi %get3A_96, %add3A_97 : vector<16xi32>
      %swap3A_99 = arith.constant 0 : i32
      %swap3A_100 = arith.index_cast %swap3A_99 : i32 to index
      %swap3A_101 = arith.constant 112 : index
      %swap3A_102 = tpu.vector_load %arg6[%swap3A_100, %swap3A_101] {strides = array<i32>} : memref<20x128xi32, #tpu.memory_space<vmem>>, vector<1x16xi32>,
      %swap3A_103 = vector.shape_cast %swap3A_102 : vector<1x16xi32> to vector<16xi32>
      %swap3A_104 = vector.shape_cast %add3A_98 : vector<16xi32> to vector<1x16xi32>
      tpu.vector_store %arg6[%swap3A_100, %swap3A_101], %swap3A_104 {strides = array<i32>} : memref<20x128xi32, #tpu.memory_space<vmem>>, vector<1x16xi32>,
      %get3A_105 = arith.constant 128 : index
      %get3A_106 = tpu.vector_load %arg5[%get3A_105] {strides = array<i32>} : memref<2560xi32, #tpu.memory_space<vmem>>, vector<16xi32>,
      %get3A_107 = vector.shape_cast %get3A_106 : vector<16xi32> to vector<16xi32>
      %add3A_108 = vector.broadcast %mul3A_18 : i32 to vector<16xi32>
      %add3A_109 = arith.addi %get3A_107, %add3A_108 : vector<16xi32>
      %swap3A_110 = arith.constant 1 : i32
      %swap3A_111 = arith.index_cast %swap3A_110 : i32 to index
      %swap3A_112 = arith.constant 0 : index
      %swap3A_113 = tpu.vector_load %arg6[%swap3A_111, %swap3A_112] {strides = array<i32>} : memref<20x128xi32, #tpu.memory_space<vmem>>, vector<1x16xi32>,
      %swap3A_114 = vector.shape_cast %swap3A_113 : vector<1x16xi32> to vector<16xi32>
      %swap3A_115 = vector.shape_cast %add3A_109 : vector<16xi32> to vector<1x16xi32>
      tpu.vector_store %arg6[%swap3A_111, %swap3A_112], %swap3A_115 {strides = array<i32>} : memref<20x128xi32, #tpu.memory_space<vmem>>, vector<1x16xi32>,
      %get3A_116 = arith.constant 144 : index
      %get3A_117 = tpu.vector_load %arg5[%get3A_116] {strides = array<i32>} : memref<2560xi32, #tpu.memory_space<vmem>>, vector<16xi32>,
      %get3A_118 = vector.shape_cast %get3A_117 : vector<16xi32> to vector<16xi32>
      %add3A_119 = vector.broadcast %mul3A_18 : i32 to vector<16xi32>
      %add3A_120 = arith.addi %get3A_118, %add3A_119 : vector<16xi32>
      %swap3A_121 = arith.constant 1 : i32
      %swap3A_122 = arith.index_cast %swap3A_121 : i32 to index
      %swap3A_123 = arith.constant 16 : index
      %swap3A_124 = tpu.vector_load %arg6[%swap3A_122, %swap3A_123] {strides = array<i32>} : memref<20x128xi32, #tpu.memory_space<vmem>>, vector<1x16xi32>,
      %swap3A_125 = vector.shape_cast %swap3A_124 : vector<1x16xi32> to vector<16xi32>
      %swap3A_126 = vector.shape_cast %add3A_120 : vector<16xi32> to vector<1x16xi32>
      tpu.vector_store %arg6[%swap3A_122, %swap3A_123], %swap3A_126 {strides = array<i32>} : memref<20x128xi32, #tpu.memory_space<vmem>>, vector<1x16xi32>,
      %get3A_127 = arith.constant 160 : index
      %get3A_128 = tpu.vector_load %arg5[%get3A_127] {strides = array<i32>} : memref<2560xi32, #tpu.memory_space<vmem>>, vector<16xi32>,
      %get3A_129 = vector.shape_cast %get3A_128 : vector<16xi32> to vector<16xi32>
      %add3A_130 = vector.broadcast %mul3A_18 : i32 to vector<16xi32>
      %add3A_131 = arith.addi %get3A_129, %add3A_130 : vector<16xi32>
      %swap3A_132 = arith.constant 1 : i32
      %swap3A_133 = arith.index_cast %swap3A_132 : i32 to index
      %swap3A_134 = arith.constant 32 : index
      %swap3A_135 = tpu.vector_load %arg6[%swap3A_133, %swap3A_134] {strides = array<i32>} : memref<20x128xi32, #tpu.memory_space<vmem>>, vector<1x16xi32>,
      %swap3A_136 = vector.shape_cast %swap3A_135 : vector<1x16xi32> to vector<16xi32>
      %swap3A_137 = vector.shape_cast %add3A_131 : vector<16xi32> to vector<1x16xi32>
      tpu.vector_store %arg6[%swap3A_133, %swap3A_134], %swap3A_137 {strides = array<i32>} : memref<20x128xi32, #tpu.memory_space<vmem>>, vector<1x16xi32>,
      %get3A_138 = arith.constant 176 : index
      %get3A_139 = tpu.vector_load %arg5[%get3A_138] {strides = array<i32>} : memref<2560xi32, #tpu.memory_space<vmem>>, vector<16xi32>,
      %get3A_140 = vector.shape_cast %get3A_139 : vector<16xi32> to vector<16xi32>
      %add3A_141 = vector.broadcast %mul3A_18 : i32 to vector<16xi32>
      %add3A_142 = arith.addi %get3A_140, %add3A_141 : vector<16xi32>
      %swap3A_143 = arith.constant 1 : i32
      %swap3A_144 = arith.index_cast %swap3A_143 : i32 to index
      %swap3A_145 = arith.constant 48 : index
      %swap3A_146 = tpu.vector_load %arg6[%swap3A_144, %swap3A_145] {strides = array<i32>} : memref<20x128xi32, #tpu.memory_space<vmem>>, vector<1x16xi32>,
      %swap3A_147 = vector.shape_cast %swap3A_146 : vector<1x16xi32> to vector<16xi32>
      %swap3A_148 = vector.shape_cast %add3A_142 : vector<16xi32> to vector<1x16xi32>
      tpu.vector_store %arg6[%swap3A_144, %swap3A_145], %swap3A_148 {strides = array<i32>} : memref<20x128xi32, #tpu.memory_space<vmem>>, vector<1x16xi32>,
      %get3A_149 = arith.constant 192 : index
      %get3A_150 = tpu.vector_load %arg5[%get3A_149] {strides = array<i32>} : memref<2560xi32, #tpu.memory_space<vmem>>, vector<16xi32>,
      %get3A_151 = vector.shape_cast %get3A_150 : vector<16xi32> to vector<16xi32>
      %add3A_152 = vector.broadcast %mul3A_18 : i32 to vector<16xi32>
      %add3A_153 = arith.addi %get3A_151, %add3A_152 : vector<16xi32>
      %swap3A_154 = arith.constant 1 : i32
      %swap3A_155 = arith.index_cast %swap3A_154 : i32 to index
      %swap3A_156 = arith.constant 64 : index
      %swap3A_157 = tpu.vector_load %arg6[%swap3A_155, %swap3A_156] {strides = array<i32>} : memref<20x128xi32, #tpu.memory_space<vmem>>, vector<1x16xi32>,
      %swap3A_158 = vector.shape_cast %swap3A_157 : vector<1x16xi32> to vector<16xi32>
      %swap3A_159 = vector.shape_cast %add3A_153 : vector<16xi32> to vector<1x16xi32>
      tpu.vector_store %arg6[%swap3A_155, %swap3A_156], %swap3A_159 {strides = array<i32>} : memref<20x128xi32, #tpu.memory_space<vmem>>, vector<1x16xi32>,
      %get3A_160 = arith.constant 208 : index
      %get3A_161 = tpu.vector_load %arg5[%get3A_160] {strides = array<i32>} : memref<2560xi32, #tpu.memory_space<vmem>>, vector<16xi32>,
      %get3A_162 = vector.shape_cast %get3A_161 : vector<16xi32> to vector<16xi32>
      %add3A_163 = vector.broadcast %mul3A_18 : i32 to vector<16xi32>
      %add3A_164 = arith.addi %get3A_162, %add3A_163 : vector<16xi32>
      %swap3A_165 = arith.constant 1 : i32
      %swap3A_166 = arith.index_cast %swap3A_165 : i32 to index
      %swap3A_167 = arith.constant 80 : index
      %swap3A_168 = tpu.vector_load %arg6[%swap3A_166, %swap3A_167] {strides = array<i32>} : memref<20x128xi32, #tpu.memory_space<vmem>>, vector<1x16xi32>,
      %swap3A_169 = vector.shape_cast %swap3A_168 : vector<1x16xi32> to vector<16xi32>
      %swap3A_170 = vector.shape_cast %add3A_164 : vector<16xi32> to vector<1x16xi32>
      tpu.vector_store %arg6[%swap3A_166, %swap3A_167], %swap3A_170 {strides = array<i32>} : memref<20x128xi32, #tpu.memory_space<vmem>>, vector<1x16xi32>,
      %get3A_171 = arith.constant 224 : index
      %get3A_172 = tpu.vector_load %arg5[%get3A_171] {strides = array<i32>} : memref<2560xi32, #tpu.memory_space<vmem>>, vector<16xi32>,
      %get3A_173 = vector.shape_cast %get3A_172 : vector<16xi32> to vector<16xi32>
      %add3A_174 = vector.broadcast %mul3A_18 : i32 to vector<16xi32>
      %add3A_175 = arith.addi %get3A_173, %add3A_174 : vector<16xi32>
      %swap3A_176 = arith.constant 1 : i32
      %swap3A_177 = arith.index_cast %swap3A_176 : i32 to index
      %swap3A_178 = arith.constant 96 : index
      %swap3A_179 = tpu.vector_load %arg6[%swap3A_177, %swap3A_178] {strides = array<i32>} : memref<20x128xi32, #tpu.memory_space<vmem>>, vector<1x16xi32>,
      %swap3A_180 = vector.shape_cast %swap3A_179 : vector<1x16xi32> to vector<16xi32>
      %swap3A_181 = vector.shape_cast %add3A_175 : vector<16xi32> to vector<1x16xi32>
      tpu.vector_store %arg6[%swap3A_177, %swap3A_178], %swap3A_181 {strides = array<i32>} : memref<20x128xi32, #tpu.memory_space<vmem>>, vector<1x16xi32>,
      %get3A_182 = arith.constant 240 : index
      %get3A_183 = tpu.vector_load %arg5[%get3A_182] {strides = array<i32>} : memref<2560xi32, #tpu.memory_space<vmem>>, vector<16xi32>,
      %get3A_184 = vector.shape_cast %get3A_183 : vector<16xi32> to vector<16xi32>
      %add3A_185 = vector.broadcast %mul3A_18 : i32 to vector<16xi32>
      %add3A_186 = arith.addi %get3A_184, %add3A_185 : vector<16xi32>
      %swap3A_187 = arith.constant 1 : i32
      %swap3A_188 = arith.index_cast %swap3A_187 : i32 to index
      %swap3A_189 = arith.constant 112 : index
      %swap3A_190 = tpu.vector_load %arg6[%swap3A_188, %swap3A_189] {strides = array<i32>} : memref<20x128xi32, #tpu.memory_space<vmem>>, vector<1x16xi32>,
      %swap3A_191 = vector.shape_cast %swap3A_190 : vector<1x16xi32> to vector<16xi32>
      %swap3A_192 = vector.shape_cast %add3A_186 : vector<16xi32> to vector<1x16xi32>
      tpu.vector_store %arg6[%swap3A_188, %swap3A_189], %swap3A_192 {strides = array<i32>} : memref<20x128xi32, #tpu.memory_space<vmem>>, vector<1x16xi32>,
      %get3A_193 = arith.constant 256 : index
      %get3A_194 = tpu.vector_load %arg5[%get3A_193] {strides = array<i32>} : memref<2560xi32, #tpu.memory_space<vmem>>, vector<16xi32>,
      %get3A_195 = vector.shape_cast %get3A_194 : vector<16xi32> to vector<16xi32>
      %add3A_196 = vector.broadcast %mul3A_18 : i32 to vector<16xi32>
      %add3A_197 = arith.addi %get3A_195, %add3A_196 : vector<16xi32>
      %swap3A_198 = arith.constant 2 : i32
      %swap3A_199 = arith.index_cast %swap3A_198 : i32 to index
      %swap3A_200 = arith.constant 0 : index
      %swap3A_201 = tpu.vector_load %arg6[%swap3A_199, %swap3A_200] {strides = array<i32>} : memref<20x128xi32, #tpu.memory_space<vmem>>, vector<1x16xi32>,
      %swap3A_202 = vector.shape_cast %swap3A_201 : vector<1x16xi32> to vector<16xi32>
      %swap3A_203 = vector.shape_cast %add3A_197 : vector<16xi32> to vector<1x16xi32>
      tpu.vector_store %arg6[%swap3A_199, %swap3A_200], %swap3A_203 {strides = array<i32>} : memref<20x128xi32, #tpu.memory_space<vmem>>, vector<1x16xi32>,
      %get3A_204 = arith.constant 272 : index
      %get3A_205 = tpu.vector_load %arg5[%get3A_204] {strides = array<i32>} : memref<2560xi32, #tpu.memory_space<vmem>>, vector<16xi32>,
      %get3A_206 = vector.shape_cast %get3A_205 : vector<16xi32> to vector<16xi32>
      %add3A_207 = vector.broadcast %mul3A_18 : i32 to vector<16xi32>
      %add3A_208 = arith.addi %get3A_206, %add3A_207 : vector<16xi32>
      %swap3A_209 = arith.constant 2 : i32
      %swap3A_210 = arith.index_cast %swap3A_209 : i32 to index
      %swap3A_211 = arith.constant 16 : index
      %swap3A_212 = tpu.vector_load %arg6[%swap3A_210, %swap3A_211] {strides = array<i32>} : memref<20x128xi32, #tpu.memory_space<vmem>>, vector<1x16xi32>,
      %swap3A_213 = vector.shape_cast %swap3A_212 : vector<1x16xi32> to vector<16xi32>
      %swap3A_214 = vector.shape_cast %add3A_208 : vector<16xi32> to vector<1x16xi32>
      tpu.vector_store %arg6[%swap3A_210, %swap3A_211], %swap3A_214 {strides = array<i32>} : memref<20x128xi32, #tpu.memory_space<vmem>>, vector<1x16xi32>,
      %get3A_215 = arith.constant 288 : index
      %get3A_216 = tpu.vector_load %arg5[%get3A_215] {strides = array<i32>} : memref<2560xi32, #tpu.memory_space<vmem>>, vector<16xi32>,
      %get3A_217 = vector.shape_cast %get3A_216 : vector<16xi32> to vector<16xi32>
      %add3A_218 = vector.broadcast %mul3A_18 : i32 to vector<16xi32>
      %add3A_219 = arith.addi %get3A_217, %add3A_218 : vector<16xi32>
      %swap3A_220 = arith.constant 2 : i32
      %swap3A_221 = arith.index_cast %swap3A_220 : i32 to index
      %swap3A_222 = arith.constant 32 : index
      %swap3A_223 = tpu.vector_load %arg6[%swap3A_221, %swap3A_222] {strides = array<i32>} : memref<20x128xi32, #tpu.memory_space<vmem>>, vector<1x16xi32>,
      %swap3A_224 = vector.shape_cast %swap3A_223 : vector<1x16xi32> to vector<16xi32>
      %swap3A_225 = vector.shape_cast %add3A_219 : vector<16xi32> to vector<1x16xi32>
      tpu.vector_store %arg6[%swap3A_221, %swap3A_222], %swap3A_225 {strides = array<i32>} : memref<20x128xi32, #tpu.memory_space<vmem>>, vector<1x16xi32>,
      %get3A_226 = arith.constant 304 : index
      %get3A_227 = tpu.vector_load %arg5[%get3A_226] {strides = array<i32>} : memref<2560xi32, #tpu.memory_space<vmem>>, vector<16xi32>,
      %get3A_228 = vector.shape_cast %get3A_227 : vector<16xi32> to vector<16xi32>
      %add3A_229 = vector.broadcast %mul3A_18 : i32 to vector<16xi32>
      %add3A_230 = arith.addi %get3A_228, %add3A_229 : vector<16xi32>
      %swap3A_231 = arith.constant 2 : i32
      %swap3A_232 = arith.index_cast %swap3A_231 : i32 to index
      %swap3A_233 = arith.constant 48 : index
      %swap3A_234 = tpu.vector_load %arg6[%swap3A_232, %swap3A_233] {strides = array<i32>} : memref<20x128xi32, #tpu.memory_space<vmem>>, vector<1x16xi32>,
      %swap3A_235 = vector.shape_cast %swap3A_234 : vector<1x16xi32> to vector<16xi32>
      %swap3A_236 = vector.shape_cast %add3A_230 : vector<16xi32> to vector<1x16xi32>
      tpu.vector_store %arg6[%swap3A_232, %swap3A_233], %swap3A_236 {strides = array<i32>} : memref<20x128xi32, #tpu.memory_space<vmem>>, vector<1x16xi32>,
      %get3A_237 = arith.constant 320 : index
      %get3A_238 = tpu.vector_load %arg5[%get3A_237] {strides = array<i32>} : memref<2560xi32, #tpu.memory_space<vmem>>, vector<16xi32>,
      %get3A_239 = vector.shape_cast %get3A_238 : vector<16xi32> to vector<16xi32>
      %add3A_240 = vector.broadcast %mul3A_18 : i32 to vector<16xi32>
      %add3A_241 = arith.addi %get3A_239, %add3A_240 : vector<16xi32>
      %swap3A_242 = arith.constant 2 : i32
      %swap3A_243 = arith.index_cast %swap3A_242 : i32 to index
      %swap3A_244 = arith.constant 64 : index
      %swap3A_245 = tpu.vector_load %arg6[%swap3A_243, %swap3A_244] {strides = array<i32>} : memref<20x128xi32, #tpu.memory_space<vmem>>, vector<1x16xi32>,
      %swap3A_246 = vector.shape_cast %swap3A_245 : vector<1x16xi32> to vector<16xi32>
      %swap3A_247 = vector.shape_cast %add3A_241 : vector<16xi32> to vector<1x16xi32>
      tpu.vector_store %arg6[%swap3A_243, %swap3A_244], %swap3A_247 {strides = array<i32>} : memref<20x128xi32, #tpu.memory_space<vmem>>, vector<1x16xi32>,
      %get3A_248 = arith.constant 336 : index
      %get3A_249 = tpu.vector_load %arg5[%get3A_248] {strides = array<i32>} : memref<2560xi32, #tpu.memory_space<vmem>>, vector<16xi32>,
      %get3A_250 = vector.shape_cast %get3A_249 : vector<16xi32> to vector<16xi32>
      %add3A_251 = vector.broadcast %mul3A_18 : i32 to vector<16xi32>
      %add3A_252 = arith.addi %get3A_250, %add3A_251 : vector<16xi32>
      %swap3A_253 = arith.constant 2 : i32
      %swap3A_254 = arith.index_cast %swap3A_253 : i32 to index
      %swap3A_255 = arith.constant 80 : index
      %swap3A_256 = tpu.vector_load %arg6[%swap3A_254, %swap3A_255] {strides = array<i32>} : memref<20x128xi32, #tpu.memory_space<vmem>>, vector<1x16xi32>,
      %swap3A_257 = vector.shape_cast %swap3A_256 : vector<1x16xi32> to vector<16xi32>
      %swap3A_258 = vector.shape_cast %add3A_252 : vector<16xi32> to vector<1x16xi32>
      tpu.vector_store %arg6[%swap3A_254, %swap3A_255], %swap3A_258 {strides = array<i32>} : memref<20x128xi32, #tpu.memory_space<vmem>>, vector<1x16xi32>,
      %get3A_259 = arith.constant 352 : index
      %get3A_260 = tpu.vector_load %arg5[%get3A_259] {strides = array<i32>} : memref<2560xi32, #tpu.memory_space<vmem>>, vector<16xi32>,
      %get3A_261 = vector.shape_cast %get3A_260 : vector<16xi32> to vector<16xi32>
      %add3A_262 = vector.broadcast %mul3A_18 : i32 to vector<16xi32>
      %add3A_263 = arith.addi %get3A_261, %add3A_262 : vector<16xi32>
      %swap3A_264 = arith.constant 2 : i32
      %swap3A_265 = arith.index_cast %swap3A_264 : i32 to index
      %swap3A_266 = arith.constant 96 : index
      %swap3A_267 = tpu.vector_load %arg6[%swap3A_265, %swap3A_266] {strides = array<i32>} : memref<20x128xi32, #tpu.memory_space<vmem>>, vector<1x16xi32>,
      %swap3A_268 = vector.shape_cast %swap3A_267 : vector<1x16xi32> to vector<16xi32>
      %swap3A_269 = vector.shape_cast %add3A_263 : vector<16xi32> to vector<1x16xi32>
      tpu.vector_store %arg6[%swap3A_265, %swap3A_266], %swap3A_269 {strides = array<i32>} : memref<20x128xi32, #tpu.memory_space<vmem>>, vector<1x16xi32>,
      %get3A_270 = arith.constant 368 : index
      %get3A_271 = tpu.vector_load %arg5[%get3A_270] {strides = array<i32>} : memref<2560xi32, #tpu.memory_space<vmem>>, vector<16xi32>,
      %get3A_272 = vector.shape_cast %get3A_271 : vector<16xi32> to vector<16xi32>
      %add3A_273 = vector.broadcast %mul3A_18 : i32 to vector<16xi32>
      %add3A_274 = arith.addi %get3A_272, %add3A_273 : vector<16xi32>
      %swap3A_275 = arith.constant 2 : i32
      %swap3A_276 = arith.index_cast %swap3A_275 : i32 to index
      %swap3A_277 = arith.constant 112 : index
      %swap3A_278 = tpu.vector_load %arg6[%swap3A_276, %swap3A_277] {strides = array<i32>} : memref<20x128xi32, #tpu.memory_space<vmem>>, vector<1x16xi32>,
      %swap3A_279 = vector.shape_cast %swap3A_278 : vector<1x16xi32> to vector<16xi32>
      %swap3A_280 = vector.shape_cast %add3A_274 : vector<16xi32> to vector<1x16xi32>
      tpu.vector_store %arg6[%swap3A_276, %swap3A_277], %swap3A_280 {strides = array<i32>} : memref<20x128xi32, #tpu.memory_space<vmem>>, vector<1x16xi32>,
      %get3A_281 = arith.constant 384 : index
      %get3A_282 = tpu.vector_load %arg5[%get3A_281] {strides = array<i32>} : memref<2560xi32, #tpu.memory_space<vmem>>, vector<16xi32>,
      %get3A_283 = vector.shape_cast %get3A_282 : vector<16xi32> to vector<16xi32>
      %add3A_284 = vector.broadcast %mul3A_18 : i32 to vector<16xi32>
      %add3A_285 = arith.addi %get3A_283, %add3A_284 : vector<16xi32>
      %swap3A_286 = arith.constant 3 : i32
      %swap3A_287 = arith.index_cast %swap3A_286 : i32 to index
      %swap3A_288 = arith.constant 0 : index
      %swap3A_289 = tpu.vector_load %arg6[%swap3A_287, %swap3A_288] {strides = array<i32>} : memref<20x128xi32, #tpu.memory_space<vmem>>, vector<1x16xi32>,
      %swap3A_290 = vector.shape_cast %swap3A_289 : vector<1x16xi32> to vector<16xi32>
      %swap3A_291 = vector.shape_cast %add3A_285 : vector<16xi32> to vector<1x16xi32>
      tpu.vector_store %arg6[%swap3A_287, %swap3A_288], %swap3A_291 {strides = array<i32>} : memref<20x128xi32, #tpu.memory_space<vmem>>, vector<1x16xi32>,
      %get3A_292 = arith.constant 400 : index
      %get3A_293 = tpu.vector_load %arg5[%get3A_292] {strides = array<i32>} : memref<2560xi32, #tpu.memory_space<vmem>>, vector<16xi32>,
      %get3A_294 = vector.shape_cast %get3A_293 : vector<16xi32> to vector<16xi32>
      %add3A_295 = vector.broadcast %mul3A_18 : i32 to vector<16xi32>
      %add3A_296 = arith.addi %get3A_294, %add3A_295 : vector<16xi32>
      %swap3A_297 = arith.constant 3 : i32
      %swap3A_298 = arith.index_cast %swap3A_297 : i32 to index
      %swap3A_299 = arith.constant 16 : index
      %swap3A_300 = tpu.vector_load %arg6[%swap3A_298, %swap3A_299] {strides = array<i32>} : memref<20x128xi32, #tpu.memory_space<vmem>>, vector<1x16xi32>,
      %swap3A_301 = vector.shape_cast %swap3A_300 : vector<1x16xi32> to vector<16xi32>
      %swap3A_302 = vector.shape_cast %add3A_296 : vector<16xi32> to vector<1x16xi32>
      tpu.vector_store %arg6[%swap3A_298, %swap3A_299], %swap3A_302 {strides = array<i32>} : memref<20x128xi32, #tpu.memory_space<vmem>>, vector<1x16xi32>,
      %get3A_303 = arith.constant 416 : index
      %get3A_304 = tpu.vector_load %arg5[%get3A_303] {strides = array<i32>} : memref<2560xi32, #tpu.memory_space<vmem>>, vector<16xi32>,
      %get3A_305 = vector.shape_cast %get3A_304 : vector<16xi32> to vector<16xi32>
      %add3A_306 = vector.broadcast %mul3A_18 : i32 to vector<16xi32>
      %add3A_307 = arith.addi %get3A_305, %add3A_306 : vector<16xi32>
      %swap3A_308 = arith.constant 3 : i32
      %swap3A_309 = arith.index_cast %swap3A_308 : i32 to index
      %swap3A_310 = arith.constant 32 : index
      %swap3A_311 = tpu.vector_load %arg6[%swap3A_309, %swap3A_310] {strides = array<i32>} : memref<20x128xi32, #tpu.memory_space<vmem>>, vector<1x16xi32>,
      %swap3A_312 = vector.shape_cast %swap3A_311 : vector<1x16xi32> to vector<16xi32>
      %swap3A_313 = vector.shape_cast %add3A_307 : vector<16xi32> to vector<1x16xi32>
      tpu.vector_store %arg6[%swap3A_309, %swap3A_310], %swap3A_313 {strides = array<i32>} : memref<20x128xi32, #tpu.memory_space<vmem>>, vector<1x16xi32>,
      %get3A_314 = arith.constant 432 : index
      %get3A_315 = tpu.vector_load %arg5[%get3A_314] {strides = array<i32>} : memref<2560xi32, #tpu.memory_space<vmem>>, vector<16xi32>,
      %get3A_316 = vector.shape_cast %get3A_315 : vector<16xi32> to vector<16xi32>
      %add3A_317 = vector.broadcast %mul3A_18 : i32 to vector<16xi32>
      %add3A_318 = arith.addi %get3A_316, %add3A_317 : vector<16xi32>
      %swap3A_319 = arith.constant 3 : i32
      %swap3A_320 = arith.index_cast %swap3A_319 : i32 to index
      %swap3A_321 = arith.constant 48 : index
      %swap3A_322 = tpu.vector_load %arg6[%swap3A_320, %swap3A_321] {strides = array<i32>} : memref<20x128xi32, #tpu.memory_space<vmem>>, vector<1x16xi32>,
      %swap3A_323 = vector.shape_cast %swap3A_322 : vector<1x16xi32> to vector<16xi32>
      %swap3A_324 = vector.shape_cast %add3A_318 : vector<16xi32> to vector<1x16xi32>
      tpu.vector_store %arg6[%swap3A_320, %swap3A_321], %swap3A_324 {strides = array<i32>} : memref<20x128xi32, #tpu.memory_space<vmem>>, vector<1x16xi32>,
      %get3A_325 = arith.constant 448 : index
      %get3A_326 = tpu.vector_load %arg5[%get3A_325] {strides = array<i32>} : memref<2560xi32, #tpu.memory_space<vmem>>, vector<16xi32>,
      %get3A_327 = vector.shape_cast %get3A_326 : vector<16xi32> to vector<16xi32>
      %add3A_328 = vector.broadcast %mul3A_18 : i32 to vector<16xi32>
      %add3A_329 = arith.addi %get3A_327, %add3A_328 : vector<16xi32>
      %swap3A_330 = arith.constant 3 : i32
      %swap3A_331 = arith.index_cast %swap3A_330 : i32 to index
      %swap3A_332 = arith.constant 64 : index
      %swap3A_333 = tpu.vector_load %arg6[%swap3A_331, %swap3A_332] {strides = array<i32>} : memref<20x128xi32, #tpu.memory_space<vmem>>, vector<1x16xi32>,
      %swap3A_334 = vector.shape_cast %swap3A_333 : vector<1x16xi32> to vector<16xi32>
      %swap3A_335 = vector.shape_cast %add3A_329 : vector<16xi32> to vector<1x16xi32>
      tpu.vector_store %arg6[%swap3A_331, %swap3A_332], %swap3A_335 {strides = array<i32>} : memref<20x128xi32, #tpu.memory_space<vmem>>, vector<1x16xi32>,
      %get3A_336 = arith.constant 464 : index
      %get3A_337 = tpu.vector_load %arg5[%get3A_336] {strides = array<i32>} : memref<2560xi32, #tpu.memory_space<vmem>>, vector<16xi32>,
      %get3A_338 = vector.shape_cast %get3A_337 : vector<16xi32> to vector<16xi32>
      %add3A_339 = vector.broadcast %mul3A_18 : i32 to vector<16xi32>
      %add3A_340 = arith.addi %get3A_338, %add3A_339 : vector<16xi32>
      %swap3A_341 = arith.constant 3 : i32
      %swap3A_342 = arith.index_cast %swap3A_341 : i32 to index
      %swap3A_343 = arith.constant 80 : index
      %swap3A_344 = tpu.vector_load %arg6[%swap3A_342, %swap3A_343] {strides = array<i32>} : memref<20x128xi32, #tpu.memory_space<vmem>>, vector<1x16xi32>,
      %swap3A_345 = vector.shape_cast %swap3A_344 : vector<1x16xi32> to vector<16xi32>
      %swap3A_346 = vector.shape_cast %add3A_340 : vector<16xi32> to vector<1x16xi32>
      tpu.vector_store %arg6[%swap3A_342, %swap3A_343], %swap3A_346 {strides = array<i32>} : memref<20x128xi32, #tpu.memory_space<vmem>>, vector<1x16xi32>,
      %get3A_347 = arith.constant 480 : index
      %get3A_348 = tpu.vector_load %arg5[%get3A_347] {strides = array<i32>} : memref<2560xi32, #tpu.memory_space<vmem>>, vector<16xi32>,
      %get3A_349 = vector.shape_cast %get3A_348 : vector<16xi32> to vector<16xi32>
      %add3A_350 = vector.broadcast %mul3A_18 : i32 to vector<16xi32>
      %add3A_351 = arith.addi %get3A_349, %add3A_350 : vector<16xi32>
      %swap3A_352 = arith.constant 3 : i32
      %swap3A_353 = arith.index_cast %swap3A_352 : i32 to index
      %swap3A_354 = arith.constant 96 : index
      %swap3A_355 = tpu.vector_load %arg6[%swap3A_353, %swap3A_354] {strides = array<i32>} : memref<20x128xi32, #tpu.memory_space<vmem>>, vector<1x16xi32>,
      %swap3A_356 = vector.shape_cast %swap3A_355 : vector<1x16xi32> to vector<16xi32>
      %swap3A_357 = vector.shape_cast %add3A_351 : vector<16xi32> to vector<1x16xi32>
      tpu.vector_store %arg6[%swap3A_353, %swap3A_354], %swap3A_357 {strides = array<i32>} : memref<20x128xi32, #tpu.memory_space<vmem>>, vector<1x16xi32>,
      %get3A_358 = arith.constant 496 : index
      %get3A_359 = tpu.vector_load %arg5[%get3A_358] {strides = array<i32>} : memref<2560xi32, #tpu.memory_space<vmem>>, vector<16xi32>,
      %get3A_360 = vector.shape_cast %get3A_359 : vector<16xi32> to vector<16xi32>
      %add3A_361 = vector.broadcast %mul3A_18 : i32 to vector<16xi32>
      %add3A_362 = arith.addi %get3A_360, %add3A_361 : vector<16xi32>
      %swap3A_363 = arith.constant 3 : i32
      %swap3A_364 = arith.index_cast %swap3A_363 : i32 to index
      %swap3A_365 = arith.constant 112 : index
      %swap3A_366 = tpu.vector_load %arg6[%swap3A_364, %swap3A_365] {strides = array<i32>} : memref<20x128xi32, #tpu.memory_space<vmem>>, vector<1x16xi32>,
      %swap3A_367 = vector.shape_cast %swap3A_366 : vector<1x16xi32> to vector<16xi32>
      %swap3A_368 = vector.shape_cast %add3A_362 : vector<16xi32> to vector<1x16xi32>
      tpu.vector_store %arg6[%swap3A_364, %swap3A_365], %swap3A_368 {strides = array<i32>} : memref<20x128xi32, #tpu.memory_space<vmem>>, vector<1x16xi32>,
      %get3A_369 = arith.constant 512 : index
      %get3A_370 = tpu.vector_load %arg5[%get3A_369] {strides = array<i32>} : memref<2560xi32, #tpu.memory_space<vmem>>, vector<16xi32>,
      %get3A_371 = vector.shape_cast %get3A_370 : vector<16xi32> to vector<16xi32>
      %add3A_372 = vector.broadcast %mul3A_18 : i32 to vector<16xi32>
      %add3A_373 = arith.addi %get3A_371, %add3A_372 : vector<16xi32>
      %swap3A_374 = arith.constant 4 : i32
      %swap3A_375 = arith.index_cast %swap3A_374 : i32 to index
      %swap3A_376 = arith.constant 0 : index
      %swap3A_377 = tpu.vector_load %arg6[%swap3A_375, %swap3A_376] {strides = array<i32>} : memref<20x128xi32, #tpu.memory_space<vmem>>, vector<1x16xi32>,
      %swap3A_378 = vector.shape_cast %swap3A_377 : vector<1x16xi32> to vector<16xi32>
      %swap3A_379 = vector.shape_cast %add3A_373 : vector<16xi32> to vector<1x16xi32>
      tpu.vector_store %arg6[%swap3A_375, %swap3A_376], %swap3A_379 {strides = array<i32>} : memref<20x128xi32, #tpu.memory_space<vmem>>, vector<1x16xi32>,
      %get3A_380 = arith.constant 528 : index
      %get3A_381 = tpu.vector_load %arg5[%get3A_380] {strides = array<i32>} : memref<2560xi32, #tpu.memory_space<vmem>>, vector<16xi32>,
      %get3A_382 = vector.shape_cast %get3A_381 : vector<16xi32> to vector<16xi32>
      %add3A_383 = vector.broadcast %mul3A_18 : i32 to vector<16xi32>
      %add3A_384 = arith.addi %get3A_382, %add3A_383 : vector<16xi32>
      %swap3A_385 = arith.constant 4 : i32
      %swap3A_386 = arith.index_cast %swap3A_385 : i32 to index
      %swap3A_387 = arith.constant 16 : index
      %swap3A_388 = tpu.vector_load %arg6[%swap3A_386, %swap3A_387] {strides = array<i32>} : memref<20x128xi32, #tpu.memory_space<vmem>>, vector<1x16xi32>,
      %swap3A_389 = vector.shape_cast %swap3A_388 : vector<1x16xi32> to vector<16xi32>
      %swap3A_390 = vector.shape_cast %add3A_384 : vector<16xi32> to vector<1x16xi32>
      tpu.vector_store %arg6[%swap3A_386, %swap3A_387], %swap3A_390 {strides = array<i32>} : memref<20x128xi32, #tpu.memory_space<vmem>>, vector<1x16xi32>,
      %get3A_391 = arith.constant 544 : index
      %get3A_392 = tpu.vector_load %arg5[%get3A_391] {strides = array<i32>} : memref<2560xi32, #tpu.memory_space<vmem>>, vector<16xi32>,
      %get3A_393 = vector.shape_cast %get3A_392 : vector<16xi32> to vector<16xi32>
      %add3A_394 = vector.broadcast %mul3A_18 : i32 to vector<16xi32>
      %add3A_395 = arith.addi %get3A_393, %add3A_394 : vector<16xi32>
      %swap3A_396 = arith.constant 4 : i32
      %swap3A_397 = arith.index_cast %swap3A_396 : i32 to index
      %swap3A_398 = arith.constant 32 : index
      %swap3A_399 = tpu.vector_load %arg6[%swap3A_397, %swap3A_398] {strides = array<i32>} : memref<20x128xi32, #tpu.memory_space<vmem>>, vector<1x16xi32>,
      %swap3A_400 = vector.shape_cast %swap3A_399 : vector<1x16xi32> to vector<16xi32>
      %swap3A_401 = vector.shape_cast %add3A_395 : vector<16xi32> to vector<1x16xi32>
      tpu.vector_store %arg6[%swap3A_397, %swap3A_398], %swap3A_401 {strides = array<i32>} : memref<20x128xi32, #tpu.memory_space<vmem>>, vector<1x16xi32>,
      %get3A_402 = arith.constant 560 : index
      %get3A_403 = tpu.vector_load %arg5[%get3A_402] {strides = array<i32>} : memref<2560xi32, #tpu.memory_space<vmem>>, vector<16xi32>,
      %get3A_404 = vector.shape_cast %get3A_403 : vector<16xi32> to vector<16xi32>
      %add3A_405 = vector.broadcast %mul3A_18 : i32 to vector<16xi32>
      %add3A_406 = arith.addi %get3A_404, %add3A_405 : vector<16xi32>
      %swap3A_407 = arith.constant 4 : i32
      %swap3A_408 = arith.index_cast %swap3A_407 : i32 to index
      %swap3A_409 = arith.constant 48 : index
      %swap3A_410 = tpu.vector_load %arg6[%swap3A_408, %swap3A_409] {strides = array<i32>} : memref<20x128xi32, #tpu.memory_space<vmem>>, vector<1x16xi32>,
      %swap3A_411 = vector.shape_cast %swap3A_410 : vector<1x16xi32> to vector<16xi32>
      %swap3A_412 = vector.shape_cast %add3A_406 : vector<16xi32> to vector<1x16xi32>
      tpu.vector_store %arg6[%swap3A_408, %swap3A_409], %swap3A_412 {strides = array<i32>} : memref<20x128xi32, #tpu.memory_space<vmem>>, vector<1x16xi32>,
      %get3A_413 = arith.constant 576 : index
      %get3A_414 = tpu.vector_load %arg5[%get3A_413] {strides = array<i32>} : memref<2560xi32, #tpu.memory_space<vmem>>, vector<16xi32>,
      %get3A_415 = vector.shape_cast %get3A_414 : vector<16xi32> to vector<16xi32>
      %add3A_416 = vector.broadcast %mul3A_18 : i32 to vector<16xi32>
      %add3A_417 = arith.addi %get3A_415, %add3A_416 : vector<16xi32>
      %swap3A_418 = arith.constant 4 : i32
      %swap3A_419 = arith.index_cast %swap3A_418 : i32 to index
      %swap3A_420 = arith.constant 64 : index
      %swap3A_421 = tpu.vector_load %arg6[%swap3A_419, %swap3A_420] {strides = array<i32>} : memref<20x128xi32, #tpu.memory_space<vmem>>, vector<1x16xi32>,
      %swap3A_422 = vector.shape_cast %swap3A_421 : vector<1x16xi32> to vector<16xi32>
      %swap3A_423 = vector.shape_cast %add3A_417 : vector<16xi32> to vector<1x16xi32>
      tpu.vector_store %arg6[%swap3A_419, %swap3A_420], %swap3A_423 {strides = array<i32>} : memref<20x128xi32, #tpu.memory_space<vmem>>, vector<1x16xi32>,
      %get3A_424 = arith.constant 592 : index
      %get3A_425 = tpu.vector_load %arg5[%get3A_424] {strides = array<i32>} : memref<2560xi32, #tpu.memory_space<vmem>>, vector<16xi32>,
      %get3A_426 = vector.shape_cast %get3A_425 : vector<16xi32> to vector<16xi32>
      %add3A_427 = vector.broadcast %mul3A_18 : i32 to vector<16xi32>
      %add3A_428 = arith.addi %get3A_426, %add3A_427 : vector<16xi32>
      %swap3A_429 = arith.constant 4 : i32
      %swap3A_430 = arith.index_cast %swap3A_429 : i32 to index
      %swap3A_431 = arith.constant 80 : index
      %swap3A_432 = tpu.vector_load %arg6[%swap3A_430, %swap3A_431] {strides = array<i32>} : memref<20x128xi32, #tpu.memory_space<vmem>>, vector<1x16xi32>,
      %swap3A_433 = vector.shape_cast %swap3A_432 : vector<1x16xi32> to vector<16xi32>
      %swap3A_434 = vector.shape_cast %add3A_428 : vector<16xi32> to vector<1x16xi32>
      tpu.vector_store %arg6[%swap3A_430, %swap3A_431], %swap3A_434 {strides = array<i32>} : memref<20x128xi32, #tpu.memory_space<vmem>>, vector<1x16xi32>,
      %get3A_435 = arith.constant 608 : index
      %get3A_436 = tpu.vector_load %arg5[%get3A_435] {strides = array<i32>} : memref<2560xi32, #tpu.memory_space<vmem>>, vector<16xi32>,
      %get3A_437 = vector.shape_cast %get3A_436 : vector<16xi32> to vector<16xi32>
      %add3A_438 = vector.broadcast %mul3A_18 : i32 to vector<16xi32>
      %add3A_439 = arith.addi %get3A_437, %add3A_438 : vector<16xi32>
      %swap3A_440 = arith.constant 4 : i32
      %swap3A_441 = arith.index_cast %swap3A_440 : i32 to index
      %swap3A_442 = arith.constant 96 : index
      %swap3A_443 = tpu.vector_load %arg6[%swap3A_441, %swap3A_442] {strides = array<i32>} : memref<20x128xi32, #tpu.memory_space<vmem>>, vector<1x16xi32>,
      %swap3A_444 = vector.shape_cast %swap3A_443 : vector<1x16xi32> to vector<16xi32>
      %swap3A_445 = vector.shape_cast %add3A_439 : vector<16xi32> to vector<1x16xi32>
      tpu.vector_store %arg6[%swap3A_441, %swap3A_442], %swap3A_445 {strides = array<i32>} : memref<20x128xi32, #tpu.memory_space<vmem>>, vector<1x16xi32>,
      %get3A_446 = arith.constant 624 : index
      %get3A_447 = tpu.vector_load %arg5[%get3A_446] {strides = array<i32>} : memref<2560xi32, #tpu.memory_space<vmem>>, vector<16xi32>,
      %get3A_448 = vector.shape_cast %get3A_447 : vector<16xi32> to vector<16xi32>
      %add3A_449 = vector.broadcast %mul3A_18 : i32 to vector<16xi32>
      %add3A_450 = arith.addi %get3A_448, %add3A_449 : vector<16xi32>
      %swap3A_451 = arith.constant 4 : i32
      %swap3A_452 = arith.index_cast %swap3A_451 : i32 to index
      %swap3A_453 = arith.constant 112 : index
      %swap3A_454 = tpu.vector_load %arg6[%swap3A_452, %swap3A_453] {strides = array<i32>} : memref<20x128xi32, #tpu.memory_space<vmem>>, vector<1x16xi32>,
      %swap3A_455 = vector.shape_cast %swap3A_454 : vector<1x16xi32> to vector<16xi32>
      %swap3A_456 = vector.shape_cast %add3A_450 : vector<16xi32> to vector<1x16xi32>
      tpu.vector_store %arg6[%swap3A_452, %swap3A_453], %swap3A_456 {strides = array<i32>} : memref<20x128xi32, #tpu.memory_space<vmem>>, vector<1x16xi32>,
      %get3A_457 = arith.constant 640 : index
      %get3A_458 = tpu.vector_load %arg5[%get3A_457] {strides = array<i32>} : memref<2560xi32, #tpu.memory_space<vmem>>, vector<16xi32>,
      %get3A_459 = vector.shape_cast %get3A_458 : vector<16xi32> to vector<16xi32>
      %add3A_460 = vector.broadcast %mul3A_18 : i32 to vector<16xi32>
      %add3A_461 = arith.addi %get3A_459, %add3A_460 : vector<16xi32>
      %swap3A_462 = arith.constant 5 : i32
      %swap3A_463 = arith.index_cast %swap3A_462 : i32 to index
      %swap3A_464 = arith.constant 0 : index
      %swap3A_465 = tpu.vector_load %arg6[%swap3A_463, %swap3A_464] {strides = array<i32>} : memref<20x128xi32, #tpu.memory_space<vmem>>, vector<1x16xi32>,
      %swap3A_466 = vector.shape_cast %swap3A_465 : vector<1x16xi32> to vector<16xi32>
      %swap3A_467 = vector.shape_cast %add3A_461 : vector<16xi32> to vector<1x16xi32>
      tpu.vector_store %arg6[%swap3A_463, %swap3A_464], %swap3A_467 {strides = array<i32>} : memref<20x128xi32, #tpu.memory_space<vmem>>, vector<1x16xi32>,
      %get3A_468 = arith.constant 656 : index
      %get3A_469 = tpu.vector_load %arg5[%get3A_468] {strides = array<i32>} : memref<2560xi32, #tpu.memory_space<vmem>>, vector<16xi32>,
      %get3A_470 = vector.shape_cast %get3A_469 : vector<16xi32> to vector<16xi32>
      %add3A_471 = vector.broadcast %mul3A_18 : i32 to vector<16xi32>
      %add3A_472 = arith.addi %get3A_470, %add3A_471 : vector<16xi32>
      %swap3A_473 = arith.constant 5 : i32
      %swap3A_474 = arith.index_cast %swap3A_473 : i32 to index
      %swap3A_475 = arith.constant 16 : index
      %swap3A_476 = tpu.vector_load %arg6[%swap3A_474, %swap3A_475] {strides = array<i32>} : memref<20x128xi32, #tpu.memory_space<vmem>>, vector<1x16xi32>,
      %swap3A_477 = vector.shape_cast %swap3A_476 : vector<1x16xi32> to vector<16xi32>
      %swap3A_478 = vector.shape_cast %add3A_472 : vector<16xi32> to vector<1x16xi32>
      tpu.vector_store %arg6[%swap3A_474, %swap3A_475], %swap3A_478 {strides = array<i32>} : memref<20x128xi32, #tpu.memory_space<vmem>>, vector<1x16xi32>,
      %get3A_479 = arith.constant 672 : index
      %get3A_480 = tpu.vector_load %arg5[%get3A_479] {strides = array<i32>} : memref<2560xi32, #tpu.memory_space<vmem>>, vector<16xi32>,
      %get3A_481 = vector.shape_cast %get3A_480 : vector<16xi32> to vector<16xi32>
      %add3A_482 = vector.broadcast %mul3A_18 : i32 to vector<16xi32>
      %add3A_483 = arith.addi %get3A_481, %add3A_482 : vector<16xi32>
      %swap3A_484 = arith.constant 5 : i32
      %swap3A_485 = arith.index_cast %swap3A_484 : i32 to index
      %swap3A_486 = arith.constant 32 : index
      %swap3A_487 = tpu.vector_load %arg6[%swap3A_485, %swap3A_486] {strides = array<i32>} : memref<20x128xi32, #tpu.memory_space<vmem>>, vector<1x16xi32>,
      %swap3A_488 = vector.shape_cast %swap3A_487 : vector<1x16xi32> to vector<16xi32>
      %swap3A_489 = vector.shape_cast %add3A_483 : vector<16xi32> to vector<1x16xi32>
      tpu.vector_store %arg6[%swap3A_485, %swap3A_486], %swap3A_489 {strides = array<i32>} : memref<20x128xi32, #tpu.memory_space<vmem>>, vector<1x16xi32>,
      %get3A_490 = arith.constant 688 : index
      %get3A_491 = tpu.vector_load %arg5[%get3A_490] {strides = array<i32>} : memref<2560xi32, #tpu.memory_space<vmem>>, vector<16xi32>,
      %get3A_492 = vector.shape_cast %get3A_491 : vector<16xi32> to vector<16xi32>
      %add3A_493 = vector.broadcast %mul3A_18 : i32 to vector<16xi32>
      %add3A_494 = arith.addi %get3A_492, %add3A_493 : vector<16xi32>
      %swap3A_495 = arith.constant 5 : i32
      %swap3A_496 = arith.index_cast %swap3A_495 : i32 to index
      %swap3A_497 = arith.constant 48 : index
      %swap3A_498 = tpu.vector_load %arg6[%swap3A_496, %swap3A_497] {strides = array<i32>} : memref<20x128xi32, #tpu.memory_space<vmem>>, vector<1x16xi32>,
      %swap3A_499 = vector.shape_cast %swap3A_498 : vector<1x16xi32> to vector<16xi32>
      %swap3A_500 = vector.shape_cast %add3A_494 : vector<16xi32> to vector<1x16xi32>
      tpu.vector_store %arg6[%swap3A_496, %swap3A_497], %swap3A_500 {strides = array<i32>} : memref<20x128xi32, #tpu.memory_space<vmem>>, vector<1x16xi32>,
      %get3A_501 = arith.constant 704 : index
      %get3A_502 = tpu.vector_load %arg5[%get3A_501] {strides = array<i32>} : memref<2560xi32, #tpu.memory_space<vmem>>, vector<16xi32>,
      %get3A_503 = vector.shape_cast %get3A_502 : vector<16xi32> to vector<16xi32>
      %add3A_504 = vector.broadcast %mul3A_18 : i32 to vector<16xi32>
      %add3A_505 = arith.addi %get3A_503, %add3A_504 : vector<16xi32>
      %swap3A_506 = arith.constant 5 : i32
      %swap3A_507 = arith.index_cast %swap3A_506 : i32 to index
      %swap3A_508 = arith.constant 64 : index
      %swap3A_509 = tpu.vector_load %arg6[%swap3A_507, %swap3A_508] {strides = array<i32>} : memref<20x128xi32, #tpu.memory_space<vmem>>, vector<1x16xi32>,
      %swap3A_510 = vector.shape_cast %swap3A_509 : vector<1x16xi32> to vector<16xi32>
      %swap3A_511 = vector.shape_cast %add3A_505 : vector<16xi32> to vector<1x16xi32>
      tpu.vector_store %arg6[%swap3A_507, %swap3A_508], %swap3A_511 {strides = array<i32>} : memref<20x128xi32, #tpu.memory_space<vmem>>, vector<1x16xi32>,
      %get3A_512 = arith.constant 720 : index
      %get3A_513 = tpu.vector_load %arg5[%get3A_512] {strides = array<i32>} : memref<2560xi32, #tpu.memory_space<vmem>>, vector<16xi32>,
      %get3A_514 = vector.shape_cast %get3A_513 : vector<16xi32> to vector<16xi32>
      %add3A_515 = vector.broadcast %mul3A_18 : i32 to vector<16xi32>
      %add3A_516 = arith.addi %get3A_514, %add3A_515 : vector<16xi32>
      %swap3A_517 = arith.constant 5 : i32
      %swap3A_518 = arith.index_cast %swap3A_517 : i32 to index
      %swap3A_519 = arith.constant 80 : index
      %swap3A_520 = tpu.vector_load %arg6[%swap3A_518, %swap3A_519] {strides = array<i32>} : memref<20x128xi32, #tpu.memory_space<vmem>>, vector<1x16xi32>,
      %swap3A_521 = vector.shape_cast %swap3A_520 : vector<1x16xi32> to vector<16xi32>
      %swap3A_522 = vector.shape_cast %add3A_516 : vector<16xi32> to vector<1x16xi32>
      tpu.vector_store %arg6[%swap3A_518, %swap3A_519], %swap3A_522 {strides = array<i32>} : memref<20x128xi32, #tpu.memory_space<vmem>>, vector<1x16xi32>,
      %get3A_523 = arith.constant 736 : index
      %get3A_524 = tpu.vector_load %arg5[%get3A_523] {strides = array<i32>} : memref<2560xi32, #tpu.memory_space<vmem>>, vector<16xi32>,
      %get3A_525 = vector.shape_cast %get3A_524 : vector<16xi32> to vector<16xi32>
      %add3A_526 = vector.broadcast %mul3A_18 : i32 to vector<16xi32>
      %add3A_527 = arith.addi %get3A_525, %add3A_526 : vector<16xi32>
      %swap3A_528 = arith.constant 5 : i32
      %swap3A_529 = arith.index_cast %swap3A_528 : i32 to index
      %swap3A_530 = arith.constant 96 : index
      %swap3A_531 = tpu.vector_load %arg6[%swap3A_529, %swap3A_530] {strides = array<i32>} : memref<20x128xi32, #tpu.memory_space<vmem>>, vector<1x16xi32>,
      %swap3A_532 = vector.shape_cast %swap3A_531 : vector<1x16xi32> to vector<16xi32>
      %swap3A_533 = vector.shape_cast %add3A_527 : vector<16xi32> to vector<1x16xi32>
      tpu.vector_store %arg6[%swap3A_529, %swap3A_530], %swap3A_533 {strides = array<i32>} : memref<20x128xi32, #tpu.memory_space<vmem>>, vector<1x16xi32>,
      %get3A_534 = arith.constant 752 : index
      %get3A_535 = tpu.vector_load %arg5[%get3A_534] {strides = array<i32>} : memref<2560xi32, #tpu.memory_space<vmem>>, vector<16xi32>,
      %get3A_536 = vector.shape_cast %get3A_535 : vector<16xi32> to vector<16xi32>
      %add3A_537 = vector.broadcast %mul3A_18 : i32 to vector<16xi32>
      %add3A_538 = arith.addi %get3A_536, %add3A_537 : vector<16xi32>
      %swap3A_539 = arith.constant 5 : i32
      %swap3A_540 = arith.index_cast %swap3A_539 : i32 to index
      %swap3A_541 = arith.constant 112 : index
      %swap3A_542 = tpu.vector_load %arg6[%swap3A_540, %swap3A_541] {strides = array<i32>} : memref<20x128xi32, #tpu.memory_space<vmem>>, vector<1x16xi32>,
      %swap3A_543 = vector.shape_cast %swap3A_542 : vector<1x16xi32> to vector<16xi32>
      %swap3A_544 = vector.shape_cast %add3A_538 : vector<16xi32> to vector<1x16xi32>
      tpu.vector_store %arg6[%swap3A_540, %swap3A_541], %swap3A_544 {strides = array<i32>} : memref<20x128xi32, #tpu.memory_space<vmem>>, vector<1x16xi32>,
      %get3A_545 = arith.constant 768 : index
      %get3A_546 = tpu.vector_load %arg5[%get3A_545] {strides = array<i32>} : memref<2560xi32, #tpu.memory_space<vmem>>, vector<16xi32>,
      %get3A_547 = vector.shape_cast %get3A_546 : vector<16xi32> to vector<16xi32>
      %add3A_548 = vector.broadcast %mul3A_18 : i32 to vector<16xi32>
      %add3A_549 = arith.addi %get3A_547, %add3A_548 : vector<16xi32>
      %swap3A_550 = arith.constant 6 : i32
      %swap3A_551 = arith.index_cast %swap3A_550 : i32 to index
      %swap3A_552 = arith.constant 0 : index
      %swap3A_553 = tpu.vector_load %arg6[%swap3A_551, %swap3A_552] {strides = array<i32>} : memref<20x128xi32, #tpu.memory_space<vmem>>, vector<1x16xi32>,
      %swap3A_554 = vector.shape_cast %swap3A_553 : vector<1x16xi32> to vector<16xi32>
      %swap3A_555 = vector.shape_cast %add3A_549 : vector<16xi32> to vector<1x16xi32>
      tpu.vector_store %arg6[%swap3A_551, %swap3A_552], %swap3A_555 {strides = array<i32>} : memref<20x128xi32, #tpu.memory_space<vmem>>, vector<1x16xi32>,
      %get3A_556 = arith.constant 784 : index
      %get3A_557 = tpu.vector_load %arg5[%get3A_556] {strides = array<i32>} : memref<2560xi32, #tpu.memory_space<vmem>>, vector<16xi32>,
      %get3A_558 = vector.shape_cast %get3A_557 : vector<16xi32> to vector<16xi32>
      %add3A_559 = vector.broadcast %mul3A_18 : i32 to vector<16xi32>
      %add3A_560 = arith.addi %get3A_558, %add3A_559 : vector<16xi32>
      %swap3A_561 = arith.constant 6 : i32
      %swap3A_562 = arith.index_cast %swap3A_561 : i32 to index
      %swap3A_563 = arith.constant 16 : index
      %swap3A_564 = tpu.vector_load %arg6[%swap3A_562, %swap3A_563] {strides = array<i32>} : memref<20x128xi32, #tpu.memory_space<vmem>>, vector<1x16xi32>,
      %swap3A_565 = vector.shape_cast %swap3A_564 : vector<1x16xi32> to vector<16xi32>
      %swap3A_566 = vector.shape_cast %add3A_560 : vector<16xi32> to vector<1x16xi32>
      tpu.vector_store %arg6[%swap3A_562, %swap3A_563], %swap3A_566 {strides = array<i32>} : memref<20x128xi32, #tpu.memory_space<vmem>>, vector<1x16xi32>,
      %get3A_567 = arith.constant 800 : index
      %get3A_568 = tpu.vector_load %arg5[%get3A_567] {strides = array<i32>} : memref<2560xi32, #tpu.memory_space<vmem>>, vector<16xi32>,
      %get3A_569 = vector.shape_cast %get3A_568 : vector<16xi32> to vector<16xi32>
      %add3A_570 = vector.broadcast %mul3A_18 : i32 to vector<16xi32>
      %add3A_571 = arith.addi %get3A_569, %add3A_570 : vector<16xi32>
      %swap3A_572 = arith.constant 6 : i32
      %swap3A_573 = arith.index_cast %swap3A_572 : i32 to index
      %swap3A_574 = arith.constant 32 : index
      %swap3A_575 = tpu.vector_load %arg6[%swap3A_573, %swap3A_574] {strides = array<i32>} : memref<20x128xi32, #tpu.memory_space<vmem>>, vector<1x16xi32>,
      %swap3A_576 = vector.shape_cast %swap3A_575 : vector<1x16xi32> to vector<16xi32>
      %swap3A_577 = vector.shape_cast %add3A_571 : vector<16xi32> to vector<1x16xi32>
      tpu.vector_store %arg6[%swap3A_573, %swap3A_574], %swap3A_577 {strides = array<i32>} : memref<20x128xi32, #tpu.memory_space<vmem>>, vector<1x16xi32>,
      %get3A_578 = arith.constant 816 : index
      %get3A_579 = tpu.vector_load %arg5[%get3A_578] {strides = array<i32>} : memref<2560xi32, #tpu.memory_space<vmem>>, vector<16xi32>,
      %get3A_580 = vector.shape_cast %get3A_579 : vector<16xi32> to vector<16xi32>
      %add3A_581 = vector.broadcast %mul3A_18 : i32 to vector<16xi32>
      %add3A_582 = arith.addi %get3A_580, %add3A_581 : vector<16xi32>
      %swap3A_583 = arith.constant 6 : i32
      %swap3A_584 = arith.index_cast %swap3A_583 : i32 to index
      %swap3A_585 = arith.constant 48 : index
      %swap3A_586 = tpu.vector_load %arg6[%swap3A_584, %swap3A_585] {strides = array<i32>} : memref<20x128xi32, #tpu.memory_space<vmem>>, vector<1x16xi32>,
      %swap3A_587 = vector.shape_cast %swap3A_586 : vector<1x16xi32> to vector<16xi32>
      %swap3A_588 = vector.shape_cast %add3A_582 : vector<16xi32> to vector<1x16xi32>
      tpu.vector_store %arg6[%swap3A_584, %swap3A_585], %swap3A_588 {strides = array<i32>} : memref<20x128xi32, #tpu.memory_space<vmem>>, vector<1x16xi32>,
      %get3A_589 = arith.constant 832 : index
      %get3A_590 = tpu.vector_load %arg5[%get3A_589] {strides = array<i32>} : memref<2560xi32, #tpu.memory_space<vmem>>, vector<16xi32>,
      %get3A_591 = vector.shape_cast %get3A_590 : vector<16xi32> to vector<16xi32>
      %add3A_592 = vector.broadcast %mul3A_18 : i32 to vector<16xi32>
      %add3A_593 = arith.addi %get3A_591, %add3A_592 : vector<16xi32>
      %swap3A_594 = arith.constant 6 : i32
      %swap3A_595 = arith.index_cast %swap3A_594 : i32 to index
      %swap3A_596 = arith.constant 64 : index
      %swap3A_597 = tpu.vector_load %arg6[%swap3A_595, %swap3A_596] {strides = array<i32>} : memref<20x128xi32, #tpu.memory_space<vmem>>, vector<1x16xi32>,
      %swap3A_598 = vector.shape_cast %swap3A_597 : vector<1x16xi32> to vector<16xi32>
      %swap3A_599 = vector.shape_cast %add3A_593 : vector<16xi32> to vector<1x16xi32>
      tpu.vector_store %arg6[%swap3A_595, %swap3A_596], %swap3A_599 {strides = array<i32>} : memref<20x128xi32, #tpu.memory_space<vmem>>, vector<1x16xi32>,
      %get3A_600 = arith.constant 848 : index
      %get3A_601 = tpu.vector_load %arg5[%get3A_600] {strides = array<i32>} : memref<2560xi32, #tpu.memory_space<vmem>>, vector<16xi32>,
      %get3A_602 = vector.shape_cast %get3A_601 : vector<16xi32> to vector<16xi32>
      %add3A_603 = vector.broadcast %mul3A_18 : i32 to vector<16xi32>
      %add3A_604 = arith.addi %get3A_602, %add3A_603 : vector<16xi32>
      %swap3A_605 = arith.constant 6 : i32
      %swap3A_606 = arith.index_cast %swap3A_605 : i32 to index
      %swap3A_607 = arith.constant 80 : index
      %swap3A_608 = tpu.vector_load %arg6[%swap3A_606, %swap3A_607] {strides = array<i32>} : memref<20x128xi32, #tpu.memory_space<vmem>>, vector<1x16xi32>,
      %swap3A_609 = vector.shape_cast %swap3A_608 : vector<1x16xi32> to vector<16xi32>
      %swap3A_610 = vector.shape_cast %add3A_604 : vector<16xi32> to vector<1x16xi32>
      tpu.vector_store %arg6[%swap3A_606, %swap3A_607], %swap3A_610 {strides = array<i32>} : memref<20x128xi32, #tpu.memory_space<vmem>>, vector<1x16xi32>,
      %get3A_611 = arith.constant 864 : index
      %get3A_612 = tpu.vector_load %arg5[%get3A_611] {strides = array<i32>} : memref<2560xi32, #tpu.memory_space<vmem>>, vector<16xi32>,
      %get3A_613 = vector.shape_cast %get3A_612 : vector<16xi32> to vector<16xi32>
      %add3A_614 = vector.broadcast %mul3A_18 : i32 to vector<16xi32>
      %add3A_615 = arith.addi %get3A_613, %add3A_614 : vector<16xi32>
      %swap3A_616 = arith.constant 6 : i32
      %swap3A_617 = arith.index_cast %swap3A_616 : i32 to index
      %swap3A_618 = arith.constant 96 : index
      %swap3A_619 = tpu.vector_load %arg6[%swap3A_617, %swap3A_618] {strides = array<i32>} : memref<20x128xi32, #tpu.memory_space<vmem>>, vector<1x16xi32>,
      %swap3A_620 = vector.shape_cast %swap3A_619 : vector<1x16xi32> to vector<16xi32>
      %swap3A_621 = vector.shape_cast %add3A_615 : vector<16xi32> to vector<1x16xi32>
      tpu.vector_store %arg6[%swap3A_617, %swap3A_618], %swap3A_621 {strides = array<i32>} : memref<20x128xi32, #tpu.memory_space<vmem>>, vector<1x16xi32>,
      %get3A_622 = arith.constant 880 : index
      %get3A_623 = tpu.vector_load %arg5[%get3A_622] {strides = array<i32>} : memref<2560xi32, #tpu.memory_space<vmem>>, vector<16xi32>,
      %get3A_624 = vector.shape_cast %get3A_623 : vector<16xi32> to vector<16xi32>
      %add3A_625 = vector.broadcast %mul3A_18 : i32 to vector<16xi32>
      %add3A_626 = arith.addi %get3A_624, %add3A_625 : vector<16xi32>
      %swap3A_627 = arith.constant 6 : i32
      %swap3A_628 = arith.index_cast %swap3A_627 : i32 to index
      %swap3A_629 = arith.constant 112 : index
      %swap3A_630 = tpu.vector_load %arg6[%swap3A_628, %swap3A_629] {strides = array<i32>} : memref<20x128xi32, #tpu.memory_space<vmem>>, vector<1x16xi32>,
      %swap3A_631 = vector.shape_cast %swap3A_630 : vector<1x16xi32> to vector<16xi32>
      %swap3A_632 = vector.shape_cast %add3A_626 : vector<16xi32> to vector<1x16xi32>
      tpu.vector_store %arg6[%swap3A_628, %swap3A_629], %swap3A_632 {strides = array<i32>} : memref<20x128xi32, #tpu.memory_space<vmem>>, vector<1x16xi32>,
      %get3A_633 = arith.constant 896 : index
      %get3A_634 = tpu.vector_load %arg5[%get3A_633] {strides = array<i32>} : memref<2560xi32, #tpu.memory_space<vmem>>, vector<16xi32>,
      %get3A_635 = vector.shape_cast %get3A_634 : vector<16xi32> to vector<16xi32>
      %add3A_636 = vector.broadcast %mul3A_18 : i32 to vector<16xi32>
      %add3A_637 = arith.addi %get3A_635, %add3A_636 : vector<16xi32>
      %swap3A_638 = arith.constant 7 : i32
      %swap3A_639 = arith.index_cast %swap3A_638 : i32 to index
      %swap3A_640 = arith.constant 0 : index
      %swap3A_641 = tpu.vector_load %arg6[%swap3A_639, %swap3A_640] {strides = array<i32>} : memref<20x128xi32, #tpu.memory_space<vmem>>, vector<1x16xi32>,
      %swap3A_642 = vector.shape_cast %swap3A_641 : vector<1x16xi32> to vector<16xi32>
      %swap3A_643 = vector.shape_cast %add3A_637 : vector<16xi32> to vector<1x16xi32>
      tpu.vector_store %arg6[%swap3A_639, %swap3A_640], %swap3A_643 {strides = array<i32>} : memref<20x128xi32, #tpu.memory_space<vmem>>, vector<1x16xi32>,
      %get3A_644 = arith.constant 912 : index
      %get3A_645 = tpu.vector_load %arg5[%get3A_644] {strides = array<i32>} : memref<2560xi32, #tpu.memory_space<vmem>>, vector<16xi32>,
      %get3A_646 = vector.shape_cast %get3A_645 : vector<16xi32> to vector<16xi32>
      %add3A_647 = vector.broadcast %mul3A_18 : i32 to vector<16xi32>
      %add3A_648 = arith.addi %get3A_646, %add3A_647 : vector<16xi32>
      %swap3A_649 = arith.constant 7 : i32
      %swap3A_650 = arith.index_cast %swap3A_649 : i32 to index
      %swap3A_651 = arith.constant 16 : index
      %swap3A_652 = tpu.vector_load %arg6[%swap3A_650, %swap3A_651] {strides = array<i32>} : memref<20x128xi32, #tpu.memory_space<vmem>>, vector<1x16xi32>,
      %swap3A_653 = vector.shape_cast %swap3A_652 : vector<1x16xi32> to vector<16xi32>
      %swap3A_654 = vector.shape_cast %add3A_648 : vector<16xi32> to vector<1x16xi32>
      tpu.vector_store %arg6[%swap3A_650, %swap3A_651], %swap3A_654 {strides = array<i32>} : memref<20x128xi32, #tpu.memory_space<vmem>>, vector<1x16xi32>,
      %get3A_655 = arith.constant 928 : index
      %get3A_656 = tpu.vector_load %arg5[%get3A_655] {strides = array<i32>} : memref<2560xi32, #tpu.memory_space<vmem>>, vector<16xi32>,
      %get3A_657 = vector.shape_cast %get3A_656 : vector<16xi32> to vector<16xi32>
      %add3A_658 = vector.broadcast %mul3A_18 : i32 to vector<16xi32>
      %add3A_659 = arith.addi %get3A_657, %add3A_658 : vector<16xi32>
      %swap3A_660 = arith.constant 7 : i32
      %swap3A_661 = arith.index_cast %swap3A_660 : i32 to index
      %swap3A_662 = arith.constant 32 : index
      %swap3A_663 = tpu.vector_load %arg6[%swap3A_661, %swap3A_662] {strides = array<i32>} : memref<20x128xi32, #tpu.memory_space<vmem>>, vector<1x16xi32>,
      %swap3A_664 = vector.shape_cast %swap3A_663 : vector<1x16xi32> to vector<16xi32>
      %swap3A_665 = vector.shape_cast %add3A_659 : vector<16xi32> to vector<1x16xi32>
      tpu.vector_store %arg6[%swap3A_661, %swap3A_662], %swap3A_665 {strides = array<i32>} : memref<20x128xi32, #tpu.memory_space<vmem>>, vector<1x16xi32>,
      %get3A_666 = arith.constant 944 : index
      %get3A_667 = tpu.vector_load %arg5[%get3A_666] {strides = array<i32>} : memref<2560xi32, #tpu.memory_space<vmem>>, vector<16xi32>,
      %get3A_668 = vector.shape_cast %get3A_667 : vector<16xi32> to vector<16xi32>
      %add3A_669 = vector.broadcast %mul3A_18 : i32 to vector<16xi32>
      %add3A_670 = arith.addi %get3A_668, %add3A_669 : vector<16xi32>
      %swap3A_671 = arith.constant 7 : i32
      %swap3A_672 = arith.index_cast %swap3A_671 : i32 to index
      %swap3A_673 = arith.constant 48 : index
      %swap3A_674 = tpu.vector_load %arg6[%swap3A_672, %swap3A_673] {strides = array<i32>} : memref<20x128xi32, #tpu.memory_space<vmem>>, vector<1x16xi32>,
      %swap3A_675 = vector.shape_cast %swap3A_674 : vector<1x16xi32> to vector<16xi32>
      %swap3A_676 = vector.shape_cast %add3A_670 : vector<16xi32> to vector<1x16xi32>
      tpu.vector_store %arg6[%swap3A_672, %swap3A_673], %swap3A_676 {strides = array<i32>} : memref<20x128xi32, #tpu.memory_space<vmem>>, vector<1x16xi32>,
      %get3A_677 = arith.constant 960 : index
      %get3A_678 = tpu.vector_load %arg5[%get3A_677] {strides = array<i32>} : memref<2560xi32, #tpu.memory_space<vmem>>, vector<16xi32>,
      %get3A_679 = vector.shape_cast %get3A_678 : vector<16xi32> to vector<16xi32>
      %add3A_680 = vector.broadcast %mul3A_18 : i32 to vector<16xi32>
      %add3A_681 = arith.addi %get3A_679, %add3A_680 : vector<16xi32>
      %swap3A_682 = arith.constant 7 : i32
      %swap3A_683 = arith.index_cast %swap3A_682 : i32 to index
      %swap3A_684 = arith.constant 64 : index
      %swap3A_685 = tpu.vector_load %arg6[%swap3A_683, %swap3A_684] {strides = array<i32>} : memref<20x128xi32, #tpu.memory_space<vmem>>, vector<1x16xi32>,
      %swap3A_686 = vector.shape_cast %swap3A_685 : vector<1x16xi32> to vector<16xi32>
      %swap3A_687 = vector.shape_cast %add3A_681 : vector<16xi32> to vector<1x16xi32>
      tpu.vector_store %arg6[%swap3A_683, %swap3A_684], %swap3A_687 {strides = array<i32>} : memref<20x128xi32, #tpu.memory_space<vmem>>, vector<1x16xi32>,
      %get3A_688 = arith.constant 976 : index
      %get3A_689 = tpu.vector_load %arg5[%get3A_688] {strides = array<i32>} : memref<2560xi32, #tpu.memory_space<vmem>>, vector<16xi32>,
      %get3A_690 = vector.shape_cast %get3A_689 : vector<16xi32> to vector<16xi32>
      %add3A_691 = vector.broadcast %mul3A_18 : i32 to vector<16xi32>
      %add3A_692 = arith.addi %get3A_690, %add3A_691 : vector<16xi32>
      %swap3A_693 = arith.constant 7 : i32
      %swap3A_694 = arith.index_cast %swap3A_693 : i32 to index
      %swap3A_695 = arith.constant 80 : index
      %swap3A_696 = tpu.vector_load %arg6[%swap3A_694, %swap3A_695] {strides = array<i32>} : memref<20x128xi32, #tpu.memory_space<vmem>>, vector<1x16xi32>,
      %swap3A_697 = vector.shape_cast %swap3A_696 : vector<1x16xi32> to vector<16xi32>
      %swap3A_698 = vector.shape_cast %add3A_692 : vector<16xi32> to vector<1x16xi32>
      tpu.vector_store %arg6[%swap3A_694, %swap3A_695], %swap3A_698 {strides = array<i32>} : memref<20x128xi32, #tpu.memory_space<vmem>>, vector<1x16xi32>,
      %get3A_699 = arith.constant 992 : index
      %get3A_700 = tpu.vector_load %arg5[%get3A_699] {strides = array<i32>} : memref<2560xi32, #tpu.memory_space<vmem>>, vector<16xi32>,
      %get3A_701 = vector.shape_cast %get3A_700 : vector<16xi32> to vector<16xi32>
      %add3A_702 = vector.broadcast %mul3A_18 : i32 to vector<16xi32>
      %add3A_703 = arith.addi %get3A_701, %add3A_702 : vector<16xi32>
      %swap3A_704 = arith.constant 7 : i32
      %swap3A_705 = arith.index_cast %swap3A_704 : i32 to index
      %swap3A_706 = arith.constant 96 : index
      %swap3A_707 = tpu.vector_load %arg6[%swap3A_705, %swap3A_706] {strides = array<i32>} : memref<20x128xi32, #tpu.memory_space<vmem>>, vector<1x16xi32>,
      %swap3A_708 = vector.shape_cast %swap3A_707 : vector<1x16xi32> to vector<16xi32>
      %swap3A_709 = vector.shape_cast %add3A_703 : vector<16xi32> to vector<1x16xi32>
      tpu.vector_store %arg6[%swap3A_705, %swap3A_706], %swap3A_709 {strides = array<i32>} : memref<20x128xi32, #tpu.memory_space<vmem>>, vector<1x16xi32>,
      %get3A_710 = arith.constant 1008 : index
      %get3A_711 = tpu.vector_load %arg5[%get3A_710] {strides = array<i32>} : memref<2560xi32, #tpu.memory_space<vmem>>, vector<16xi32>,
      %get3A_712 = vector.shape_cast %get3A_711 : vector<16xi32> to vector<16xi32>
      %add3A_713 = vector.broadcast %mul3A_18 : i32 to vector<16xi32>
      %add3A_714 = arith.addi %get3A_712, %add3A_713 : vector<16xi32>
      %swap3A_715 = arith.constant 7 : i32
      %swap3A_716 = arith.index_cast %swap3A_715 : i32 to index
      %swap3A_717 = arith.constant 112 : index
      %swap3A_718 = tpu.vector_load %arg6[%swap3A_716, %swap3A_717] {strides = array<i32>} : memref<20x128xi32, #tpu.memory_space<vmem>>, vector<1x16xi32>,
      %swap3A_719 = vector.shape_cast %swap3A_718 : vector<1x16xi32> to vector<16xi32>
      %swap3A_720 = vector.shape_cast %add3A_714 : vector<16xi32> to vector<1x16xi32>
      tpu.vector_store %arg6[%swap3A_716, %swap3A_717], %swap3A_720 {strides = array<i32>} : memref<20x128xi32, #tpu.memory_space<vmem>>, vector<1x16xi32>,
      %get3A_721 = arith.constant 1024 : index
      %get3A_722 = tpu.vector_load %arg5[%get3A_721] {strides = array<i32>} : memref<2560xi32, #tpu.memory_space<vmem>>, vector<16xi32>,
      %get3A_723 = vector.shape_cast %get3A_722 : vector<16xi32> to vector<16xi32>
      %add3A_724 = vector.broadcast %mul3A_18 : i32 to vector<16xi32>
      %add3A_725 = arith.addi %get3A_723, %add3A_724 : vector<16xi32>
      %swap3A_726 = arith.constant 8 : i32
      %swap3A_727 = arith.index_cast %swap3A_726 : i32 to index
      %swap3A_728 = arith.constant 0 : index
      %swap3A_729 = tpu.vector_load %arg6[%swap3A_727, %swap3A_728] {strides = array<i32>} : memref<20x128xi32, #tpu.memory_space<vmem>>, vector<1x16xi32>,
      %swap3A_730 = vector.shape_cast %swap3A_729 : vector<1x16xi32> to vector<16xi32>
      %swap3A_731 = vector.shape_cast %add3A_725 : vector<16xi32> to vector<1x16xi32>
      tpu.vector_store %arg6[%swap3A_727, %swap3A_728], %swap3A_731 {strides = array<i32>} : memref<20x128xi32, #tpu.memory_space<vmem>>, vector<1x16xi32>,
      %get3A_732 = arith.constant 1040 : index
      %get3A_733 = tpu.vector_load %arg5[%get3A_732] {strides = array<i32>} : memref<2560xi32, #tpu.memory_space<vmem>>, vector<16xi32>,
      %get3A_734 = vector.shape_cast %get3A_733 : vector<16xi32> to vector<16xi32>
      %add3A_735 = vector.broadcast %mul3A_18 : i32 to vector<16xi32>
      %add3A_736 = arith.addi %get3A_734, %add3A_735 : vector<16xi32>
      %swap3A_737 = arith.constant 8 : i32
      %swap3A_738 = arith.index_cast %swap3A_737 : i32 to index
      %swap3A_739 = arith.constant 16 : index
      %swap3A_740 = tpu.vector_load %arg6[%swap3A_738, %swap3A_739] {strides = array<i32>} : memref<20x128xi32, #tpu.memory_space<vmem>>, vector<1x16xi32>,
      %swap3A_741 = vector.shape_cast %swap3A_740 : vector<1x16xi32> to vector<16xi32>
      %swap3A_742 = vector.shape_cast %add3A_736 : vector<16xi32> to vector<1x16xi32>
      tpu.vector_store %arg6[%swap3A_738, %swap3A_739], %swap3A_742 {strides = array<i32>} : memref<20x128xi32, #tpu.memory_space<vmem>>, vector<1x16xi32>,
      %get3A_743 = arith.constant 1056 : index
      %get3A_744 = tpu.vector_load %arg5[%get3A_743] {strides = array<i32>} : memref<2560xi32, #tpu.memory_space<vmem>>, vector<16xi32>,
      %get3A_745 = vector.shape_cast %get3A_744 : vector<16xi32> to vector<16xi32>
      %add3A_746 = vector.broadcast %mul3A_18 : i32 to vector<16xi32>
      %add3A_747 = arith.addi %get3A_745, %add3A_746 : vector<16xi32>
      %swap3A_748 = arith.constant 8 : i32
      %swap3A_749 = arith.index_cast %swap3A_748 : i32 to index
      %swap3A_750 = arith.constant 32 : index
      %swap3A_751 = tpu.vector_load %arg6[%swap3A_749, %swap3A_750] {strides = array<i32>} : memref<20x128xi32, #tpu.memory_space<vmem>>, vector<1x16xi32>,
      %swap3A_752 = vector.shape_cast %swap3A_751 : vector<1x16xi32> to vector<16xi32>
      %swap3A_753 = vector.shape_cast %add3A_747 : vector<16xi32> to vector<1x16xi32>
      tpu.vector_store %arg6[%swap3A_749, %swap3A_750], %swap3A_753 {strides = array<i32>} : memref<20x128xi32, #tpu.memory_space<vmem>>, vector<1x16xi32>,
      %get3A_754 = arith.constant 1072 : index
      %get3A_755 = tpu.vector_load %arg5[%get3A_754] {strides = array<i32>} : memref<2560xi32, #tpu.memory_space<vmem>>, vector<16xi32>,
      %get3A_756 = vector.shape_cast %get3A_755 : vector<16xi32> to vector<16xi32>
      %add3A_757 = vector.broadcast %mul3A_18 : i32 to vector<16xi32>
      %add3A_758 = arith.addi %get3A_756, %add3A_757 : vector<16xi32>
      %swap3A_759 = arith.constant 8 : i32
      %swap3A_760 = arith.index_cast %swap3A_759 : i32 to index
      %swap3A_761 = arith.constant 48 : index
      %swap3A_762 = tpu.vector_load %arg6[%swap3A_760, %swap3A_761] {strides = array<i32>} : memref<20x128xi32, #tpu.memory_space<vmem>>, vector<1x16xi32>,
      %swap3A_763 = vector.shape_cast %swap3A_762 : vector<1x16xi32> to vector<16xi32>
      %swap3A_764 = vector.shape_cast %add3A_758 : vector<16xi32> to vector<1x16xi32>
      tpu.vector_store %arg6[%swap3A_760, %swap3A_761], %swap3A_764 {strides = array<i32>} : memref<20x128xi32, #tpu.memory_space<vmem>>, vector<1x16xi32>,
      %get3A_765 = arith.constant 1088 : index
      %get3A_766 = tpu.vector_load %arg5[%get3A_765] {strides = array<i32>} : memref<2560xi32, #tpu.memory_space<vmem>>, vector<16xi32>,
      %get3A_767 = vector.shape_cast %get3A_766 : vector<16xi32> to vector<16xi32>
      %add3A_768 = vector.broadcast %mul3A_18 : i32 to vector<16xi32>
      %add3A_769 = arith.addi %get3A_767, %add3A_768 : vector<16xi32>
      %swap3A_770 = arith.constant 8 : i32
      %swap3A_771 = arith.index_cast %swap3A_770 : i32 to index
      %swap3A_772 = arith.constant 64 : index
      %swap3A_773 = tpu.vector_load %arg6[%swap3A_771, %swap3A_772] {strides = array<i32>} : memref<20x128xi32, #tpu.memory_space<vmem>>, vector<1x16xi32>,
      %swap3A_774 = vector.shape_cast %swap3A_773 : vector<1x16xi32> to vector<16xi32>
      %swap3A_775 = vector.shape_cast %add3A_769 : vector<16xi32> to vector<1x16xi32>
      tpu.vector_store %arg6[%swap3A_771, %swap3A_772], %swap3A_775 {strides = array<i32>} : memref<20x128xi32, #tpu.memory_space<vmem>>, vector<1x16xi32>,
      %get3A_776 = arith.constant 1104 : index
      %get3A_777 = tpu.vector_load %arg5[%get3A_776] {strides = array<i32>} : memref<2560xi32, #tpu.memory_space<vmem>>, vector<16xi32>,
      %get3A_778 = vector.shape_cast %get3A_777 : vector<16xi32> to vector<16xi32>
      %add3A_779 = vector.broadcast %mul3A_18 : i32 to vector<16xi32>
      %add3A_780 = arith.addi %get3A_778, %add3A_779 : vector<16xi32>
      %swap3A_781 = arith.constant 8 : i32
      %swap3A_782 = arith.index_cast %swap3A_781 : i32 to index
      %swap3A_783 = arith.constant 80 : index
      %swap3A_784 = tpu.vector_load %arg6[%swap3A_782, %swap3A_783] {strides = array<i32>} : memref<20x128xi32, #tpu.memory_space<vmem>>, vector<1x16xi32>,
      %swap3A_785 = vector.shape_cast %swap3A_784 : vector<1x16xi32> to vector<16xi32>
      %swap3A_786 = vector.shape_cast %add3A_780 : vector<16xi32> to vector<1x16xi32>
      tpu.vector_store %arg6[%swap3A_782, %swap3A_783], %swap3A_786 {strides = array<i32>} : memref<20x128xi32, #tpu.memory_space<vmem>>, vector<1x16xi32>,
      %get3A_787 = arith.constant 1120 : index
      %get3A_788 = tpu.vector_load %arg5[%get3A_787] {strides = array<i32>} : memref<2560xi32, #tpu.memory_space<vmem>>, vector<16xi32>,
      %get3A_789 = vector.shape_cast %get3A_788 : vector<16xi32> to vector<16xi32>
      %add3A_790 = vector.broadcast %mul3A_18 : i32 to vector<16xi32>
      %add3A_791 = arith.addi %get3A_789, %add3A_790 : vector<16xi32>
      %swap3A_792 = arith.constant 8 : i32
      %swap3A_793 = arith.index_cast %swap3A_792 : i32 to index
      %swap3A_794 = arith.constant 96 : index
      %swap3A_795 = tpu.vector_load %arg6[%swap3A_793, %swap3A_794] {strides = array<i32>} : memref<20x128xi32, #tpu.memory_space<vmem>>, vector<1x16xi32>,
      %swap3A_796 = vector.shape_cast %swap3A_795 : vector<1x16xi32> to vector<16xi32>
      %swap3A_797 = vector.shape_cast %add3A_791 : vector<16xi32> to vector<1x16xi32>
      tpu.vector_store %arg6[%swap3A_793, %swap3A_794], %swap3A_797 {strides = array<i32>} : memref<20x128xi32, #tpu.memory_space<vmem>>, vector<1x16xi32>,
      %get3A_798 = arith.constant 1136 : index
      %get3A_799 = tpu.vector_load %arg5[%get3A_798] {strides = array<i32>} : memref<2560xi32, #tpu.memory_space<vmem>>, vector<16xi32>,
      %get3A_800 = vector.shape_cast %get3A_799 : vector<16xi32> to vector<16xi32>
      %add3A_801 = vector.broadcast %mul3A_18 : i32 to vector<16xi32>
      %add3A_802 = arith.addi %get3A_800, %add3A_801 : vector<16xi32>
      %swap3A_803 = arith.constant 8 : i32
      %swap3A_804 = arith.index_cast %swap3A_803 : i32 to index
      %swap3A_805 = arith.constant 112 : index
      %swap3A_806 = tpu.vector_load %arg6[%swap3A_804, %swap3A_805] {strides = array<i32>} : memref<20x128xi32, #tpu.memory_space<vmem>>, vector<1x16xi32>,
      %swap3A_807 = vector.shape_cast %swap3A_806 : vector<1x16xi32> to vector<16xi32>
      %swap3A_808 = vector.shape_cast %add3A_802 : vector<16xi32> to vector<1x16xi32>
      tpu.vector_store %arg6[%swap3A_804, %swap3A_805], %swap3A_808 {strides = array<i32>} : memref<20x128xi32, #tpu.memory_space<vmem>>, vector<1x16xi32>,
      %get3A_809 = arith.constant 1152 : index
      %get3A_810 = tpu.vector_load %arg5[%get3A_809] {strides = array<i32>} : memref<2560xi32, #tpu.memory_space<vmem>>, vector<16xi32>,
      %get3A_811 = vector.shape_cast %get3A_810 : vector<16xi32> to vector<16xi32>
      %add3A_812 = vector.broadcast %mul3A_18 : i32 to vector<16xi32>
      %add3A_813 = arith.addi %get3A_811, %add3A_812 : vector<16xi32>
      %swap3A_814 = arith.constant 9 : i32
      %swap3A_815 = arith.index_cast %swap3A_814 : i32 to index
      %swap3A_816 = arith.constant 0 : index
      %swap3A_817 = tpu.vector_load %arg6[%swap3A_815, %swap3A_816] {strides = array<i32>} : memref<20x128xi32, #tpu.memory_space<vmem>>, vector<1x16xi32>,
      %swap3A_818 = vector.shape_cast %swap3A_817 : vector<1x16xi32> to vector<16xi32>
      %swap3A_819 = vector.shape_cast %add3A_813 : vector<16xi32> to vector<1x16xi32>
      tpu.vector_store %arg6[%swap3A_815, %swap3A_816], %swap3A_819 {strides = array<i32>} : memref<20x128xi32, #tpu.memory_space<vmem>>, vector<1x16xi32>,
      %get3A_820 = arith.constant 1168 : index
      %get3A_821 = tpu.vector_load %arg5[%get3A_820] {strides = array<i32>} : memref<2560xi32, #tpu.memory_space<vmem>>, vector<16xi32>,
      %get3A_822 = vector.shape_cast %get3A_821 : vector<16xi32> to vector<16xi32>
      %add3A_823 = vector.broadcast %mul3A_18 : i32 to vector<16xi32>
      %add3A_824 = arith.addi %get3A_822, %add3A_823 : vector<16xi32>
      %swap3A_825 = arith.constant 9 : i32
      %swap3A_826 = arith.index_cast %swap3A_825 : i32 to index
      %swap3A_827 = arith.constant 16 : index
      %swap3A_828 = tpu.vector_load %arg6[%swap3A_826, %swap3A_827] {strides = array<i32>} : memref<20x128xi32, #tpu.memory_space<vmem>>, vector<1x16xi32>,
      %swap3A_829 = vector.shape_cast %swap3A_828 : vector<1x16xi32> to vector<16xi32>
      %swap3A_830 = vector.shape_cast %add3A_824 : vector<16xi32> to vector<1x16xi32>
      tpu.vector_store %arg6[%swap3A_826, %swap3A_827], %swap3A_830 {strides = array<i32>} : memref<20x128xi32, #tpu.memory_space<vmem>>, vector<1x16xi32>,
      %get3A_831 = arith.constant 1184 : index
      %get3A_832 = tpu.vector_load %arg5[%get3A_831] {strides = array<i32>} : memref<2560xi32, #tpu.memory_space<vmem>>, vector<16xi32>,
      %get3A_833 = vector.shape_cast %get3A_832 : vector<16xi32> to vector<16xi32>
      %add3A_834 = vector.broadcast %mul3A_18 : i32 to vector<16xi32>
      %add3A_835 = arith.addi %get3A_833, %add3A_834 : vector<16xi32>
      %swap3A_836 = arith.constant 9 : i32
      %swap3A_837 = arith.index_cast %swap3A_836 : i32 to index
      %swap3A_838 = arith.constant 32 : index
      %swap3A_839 = tpu.vector_load %arg6[%swap3A_837, %swap3A_838] {strides = array<i32>} : memref<20x128xi32, #tpu.memory_space<vmem>>, vector<1x16xi32>,
      %swap3A_840 = vector.shape_cast %swap3A_839 : vector<1x16xi32> to vector<16xi32>
      %swap3A_841 = vector.shape_cast %add3A_835 : vector<16xi32> to vector<1x16xi32>
      tpu.vector_store %arg6[%swap3A_837, %swap3A_838], %swap3A_841 {strides = array<i32>} : memref<20x128xi32, #tpu.memory_space<vmem>>, vector<1x16xi32>,
      %get3A_842 = arith.constant 1200 : index
      %get3A_843 = tpu.vector_load %arg5[%get3A_842] {strides = array<i32>} : memref<2560xi32, #tpu.memory_space<vmem>>, vector<16xi32>,
      %get3A_844 = vector.shape_cast %get3A_843 : vector<16xi32> to vector<16xi32>
      %add3A_845 = vector.broadcast %mul3A_18 : i32 to vector<16xi32>
      %add3A_846 = arith.addi %get3A_844, %add3A_845 : vector<16xi32>
      %swap3A_847 = arith.constant 9 : i32
      %swap3A_848 = arith.index_cast %swap3A_847 : i32 to index
      %swap3A_849 = arith.constant 48 : index
      %swap3A_850 = tpu.vector_load %arg6[%swap3A_848, %swap3A_849] {strides = array<i32>} : memref<20x128xi32, #tpu.memory_space<vmem>>, vector<1x16xi32>,
      %swap3A_851 = vector.shape_cast %swap3A_850 : vector<1x16xi32> to vector<16xi32>
      %swap3A_852 = vector.shape_cast %add3A_846 : vector<16xi32> to vector<1x16xi32>
      tpu.vector_store %arg6[%swap3A_848, %swap3A_849], %swap3A_852 {strides = array<i32>} : memref<20x128xi32, #tpu.memory_space<vmem>>, vector<1x16xi32>,
      %get3A_853 = arith.constant 1216 : index
      %get3A_854 = tpu.vector_load %arg5[%get3A_853] {strides = array<i32>} : memref<2560xi32, #tpu.memory_space<vmem>>, vector<16xi32>,
      %get3A_855 = vector.shape_cast %get3A_854 : vector<16xi32> to vector<16xi32>
      %add3A_856 = vector.broadcast %mul3A_18 : i32 to vector<16xi32>
      %add3A_857 = arith.addi %get3A_855, %add3A_856 : vector<16xi32>
      %swap3A_858 = arith.constant 9 : i32
      %swap3A_859 = arith.index_cast %swap3A_858 : i32 to index
      %swap3A_860 = arith.constant 64 : index
      %swap3A_861 = tpu.vector_load %arg6[%swap3A_859, %swap3A_860] {strides = array<i32>} : memref<20x128xi32, #tpu.memory_space<vmem>>, vector<1x16xi32>,
      %swap3A_862 = vector.shape_cast %swap3A_861 : vector<1x16xi32> to vector<16xi32>
      %swap3A_863 = vector.shape_cast %add3A_857 : vector<16xi32> to vector<1x16xi32>
      tpu.vector_store %arg6[%swap3A_859, %swap3A_860], %swap3A_863 {strides = array<i32>} : memref<20x128xi32, #tpu.memory_space<vmem>>, vector<1x16xi32>,
      %get3A_864 = arith.constant 1232 : index
      %get3A_865 = tpu.vector_load %arg5[%get3A_864] {strides = array<i32>} : memref<2560xi32, #tpu.memory_space<vmem>>, vector<16xi32>,
      %get3A_866 = vector.shape_cast %get3A_865 : vector<16xi32> to vector<16xi32>
      %add3A_867 = vector.broadcast %mul3A_18 : i32 to vector<16xi32>
      %add3A_868 = arith.addi %get3A_866, %add3A_867 : vector<16xi32>
      %swap3A_869 = arith.constant 9 : i32
      %swap3A_870 = arith.index_cast %swap3A_869 : i32 to index
      %swap3A_871 = arith.constant 80 : index
      %swap3A_872 = tpu.vector_load %arg6[%swap3A_870, %swap3A_871] {strides = array<i32>} : memref<20x128xi32, #tpu.memory_space<vmem>>, vector<1x16xi32>,
      %swap3A_873 = vector.shape_cast %swap3A_872 : vector<1x16xi32> to vector<16xi32>
      %swap3A_874 = vector.shape_cast %add3A_868 : vector<16xi32> to vector<1x16xi32>
      tpu.vector_store %arg6[%swap3A_870, %swap3A_871], %swap3A_874 {strides = array<i32>} : memref<20x128xi32, #tpu.memory_space<vmem>>, vector<1x16xi32>,
      %get3A_875 = arith.constant 1248 : index
      %get3A_876 = tpu.vector_load %arg5[%get3A_875] {strides = array<i32>} : memref<2560xi32, #tpu.memory_space<vmem>>, vector<16xi32>,
      %get3A_877 = vector.shape_cast %get3A_876 : vector<16xi32> to vector<16xi32>
      %add3A_878 = vector.broadcast %mul3A_18 : i32 to vector<16xi32>
      %add3A_879 = arith.addi %get3A_877, %add3A_878 : vector<16xi32>
      %swap3A_880 = arith.constant 9 : i32
      %swap3A_881 = arith.index_cast %swap3A_880 : i32 to index
      %swap3A_882 = arith.constant 96 : index
      %swap3A_883 = tpu.vector_load %arg6[%swap3A_881, %swap3A_882] {strides = array<i32>} : memref<20x128xi32, #tpu.memory_space<vmem>>, vector<1x16xi32>,
      %swap3A_884 = vector.shape_cast %swap3A_883 : vector<1x16xi32> to vector<16xi32>
      %swap3A_885 = vector.shape_cast %add3A_879 : vector<16xi32> to vector<1x16xi32>
      tpu.vector_store %arg6[%swap3A_881, %swap3A_882], %swap3A_885 {strides = array<i32>} : memref<20x128xi32, #tpu.memory_space<vmem>>, vector<1x16xi32>,
      %get3A_886 = arith.constant 1264 : index
      %get3A_887 = tpu.vector_load %arg5[%get3A_886] {strides = array<i32>} : memref<2560xi32, #tpu.memory_space<vmem>>, vector<16xi32>,
      %get3A_888 = vector.shape_cast %get3A_887 : vector<16xi32> to vector<16xi32>
      %add3A_889 = vector.broadcast %mul3A_18 : i32 to vector<16xi32>
      %add3A_890 = arith.addi %get3A_888, %add3A_889 : vector<16xi32>
      %swap3A_891 = arith.constant 9 : i32
      %swap3A_892 = arith.index_cast %swap3A_891 : i32 to index
      %swap3A_893 = arith.constant 112 : index
      %swap3A_894 = tpu.vector_load %arg6[%swap3A_892, %swap3A_893] {strides = array<i32>} : memref<20x128xi32, #tpu.memory_space<vmem>>, vector<1x16xi32>,
      %swap3A_895 = vector.shape_cast %swap3A_894 : vector<1x16xi32> to vector<16xi32>
      %swap3A_896 = vector.shape_cast %add3A_890 : vector<16xi32> to vector<1x16xi32>
      tpu.vector_store %arg6[%swap3A_892, %swap3A_893], %swap3A_896 {strides = array<i32>} : memref<20x128xi32, #tpu.memory_space<vmem>>, vector<1x16xi32>,
      %get3A_897 = arith.constant 1280 : index
      %get3A_898 = tpu.vector_load %arg5[%get3A_897] {strides = array<i32>} : memref<2560xi32, #tpu.memory_space<vmem>>, vector<16xi32>,
      %get3A_899 = vector.shape_cast %get3A_898 : vector<16xi32> to vector<16xi32>
      %add3A_900 = vector.broadcast %mul3A_18 : i32 to vector<16xi32>
      %add3A_901 = arith.addi %get3A_899, %add3A_900 : vector<16xi32>
      %swap3A_902 = arith.constant 10 : i32
      %swap3A_903 = arith.index_cast %swap3A_902 : i32 to index
      %swap3A_904 = arith.constant 0 : index
      %swap3A_905 = tpu.vector_load %arg6[%swap3A_903, %swap3A_904] {strides = array<i32>} : memref<20x128xi32, #tpu.memory_space<vmem>>, vector<1x16xi32>,
      %swap3A_906 = vector.shape_cast %swap3A_905 : vector<1x16xi32> to vector<16xi32>
      %swap3A_907 = vector.shape_cast %add3A_901 : vector<16xi32> to vector<1x16xi32>
      tpu.vector_store %arg6[%swap3A_903, %swap3A_904], %swap3A_907 {strides = array<i32>} : memref<20x128xi32, #tpu.memory_space<vmem>>, vector<1x16xi32>,
      %get3A_908 = arith.constant 1296 : index
      %get3A_909 = tpu.vector_load %arg5[%get3A_908] {strides = array<i32>} : memref<2560xi32, #tpu.memory_space<vmem>>, vector<16xi32>,
      %get3A_910 = vector.shape_cast %get3A_909 : vector<16xi32> to vector<16xi32>
      %add3A_911 = vector.broadcast %mul3A_18 : i32 to vector<16xi32>
      %add3A_912 = arith.addi %get3A_910, %add3A_911 : vector<16xi32>
      %swap3A_913 = arith.constant 10 : i32
      %swap3A_914 = arith.index_cast %swap3A_913 : i32 to index
      %swap3A_915 = arith.constant 16 : index
      %swap3A_916 = tpu.vector_load %arg6[%swap3A_914, %swap3A_915] {strides = array<i32>} : memref<20x128xi32, #tpu.memory_space<vmem>>, vector<1x16xi32>,
      %swap3A_917 = vector.shape_cast %swap3A_916 : vector<1x16xi32> to vector<16xi32>
      %swap3A_918 = vector.shape_cast %add3A_912 : vector<16xi32> to vector<1x16xi32>
      tpu.vector_store %arg6[%swap3A_914, %swap3A_915], %swap3A_918 {strides = array<i32>} : memref<20x128xi32, #tpu.memory_space<vmem>>, vector<1x16xi32>,
      %get3A_919 = arith.constant 1312 : index
      %get3A_920 = tpu.vector_load %arg5[%get3A_919] {strides = array<i32>} : memref<2560xi32, #tpu.memory_space<vmem>>, vector<16xi32>,
      %get3A_921 = vector.shape_cast %get3A_920 : vector<16xi32> to vector<16xi32>
      %add3A_922 = vector.broadcast %mul3A_18 : i32 to vector<16xi32>
      %add3A_923 = arith.addi %get3A_921, %add3A_922 : vector<16xi32>
      %swap3A_924 = arith.constant 10 : i32
      %swap3A_925 = arith.index_cast %swap3A_924 : i32 to index
      %swap3A_926 = arith.constant 32 : index
      %swap3A_927 = tpu.vector_load %arg6[%swap3A_925, %swap3A_926] {strides = array<i32>} : memref<20x128xi32, #tpu.memory_space<vmem>>, vector<1x16xi32>,
      %swap3A_928 = vector.shape_cast %swap3A_927 : vector<1x16xi32> to vector<16xi32>
      %swap3A_929 = vector.shape_cast %add3A_923 : vector<16xi32> to vector<1x16xi32>
      tpu.vector_store %arg6[%swap3A_925, %swap3A_926], %swap3A_929 {strides = array<i32>} : memref<20x128xi32, #tpu.memory_space<vmem>>, vector<1x16xi32>,
      %get3A_930 = arith.constant 1328 : index
      %get3A_931 = tpu.vector_load %arg5[%get3A_930] {strides = array<i32>} : memref<2560xi32, #tpu.memory_space<vmem>>, vector<16xi32>,
      %get3A_932 = vector.shape_cast %get3A_931 : vector<16xi32> to vector<16xi32>
      %add3A_933 = vector.broadcast %mul3A_18 : i32 to vector<16xi32>
      %add3A_934 = arith.addi %get3A_932, %add3A_933 : vector<16xi32>
      %swap3A_935 = arith.constant 10 : i32
      %swap3A_936 = arith.index_cast %swap3A_935 : i32 to index
      %swap3A_937 = arith.constant 48 : index
      %swap3A_938 = tpu.vector_load %arg6[%swap3A_936, %swap3A_937] {strides = array<i32>} : memref<20x128xi32, #tpu.memory_space<vmem>>, vector<1x16xi32>,
      %swap3A_939 = vector.shape_cast %swap3A_938 : vector<1x16xi32> to vector<16xi32>
      %swap3A_940 = vector.shape_cast %add3A_934 : vector<16xi32> to vector<1x16xi32>
      tpu.vector_store %arg6[%swap3A_936, %swap3A_937], %swap3A_940 {strides = array<i32>} : memref<20x128xi32, #tpu.memory_space<vmem>>, vector<1x16xi32>,
      %get3A_941 = arith.constant 1344 : index
      %get3A_942 = tpu.vector_load %arg5[%get3A_941] {strides = array<i32>} : memref<2560xi32, #tpu.memory_space<vmem>>, vector<16xi32>,
      %get3A_943 = vector.shape_cast %get3A_942 : vector<16xi32> to vector<16xi32>
      %add3A_944 = vector.broadcast %mul3A_18 : i32 to vector<16xi32>
      %add3A_945 = arith.addi %get3A_943, %add3A_944 : vector<16xi32>
      %swap3A_946 = arith.constant 10 : i32
      %swap3A_947 = arith.index_cast %swap3A_946 : i32 to index
      %swap3A_948 = arith.constant 64 : index
      %swap3A_949 = tpu.vector_load %arg6[%swap3A_947, %swap3A_948] {strides = array<i32>} : memref<20x128xi32, #tpu.memory_space<vmem>>, vector<1x16xi32>,
      %swap3A_950 = vector.shape_cast %swap3A_949 : vector<1x16xi32> to vector<16xi32>
      %swap3A_951 = vector.shape_cast %add3A_945 : vector<16xi32> to vector<1x16xi32>
      tpu.vector_store %arg6[%swap3A_947, %swap3A_948], %swap3A_951 {strides = array<i32>} : memref<20x128xi32, #tpu.memory_space<vmem>>, vector<1x16xi32>,
      %get3A_952 = arith.constant 1360 : index
      %get3A_953 = tpu.vector_load %arg5[%get3A_952] {strides = array<i32>} : memref<2560xi32, #tpu.memory_space<vmem>>, vector<16xi32>,
      %get3A_954 = vector.shape_cast %get3A_953 : vector<16xi32> to vector<16xi32>
      %add3A_955 = vector.broadcast %mul3A_18 : i32 to vector<16xi32>
      %add3A_956 = arith.addi %get3A_954, %add3A_955 : vector<16xi32>
      %swap3A_957 = arith.constant 10 : i32
      %swap3A_958 = arith.index_cast %swap3A_957 : i32 to index
      %swap3A_959 = arith.constant 80 : index
      %swap3A_960 = tpu.vector_load %arg6[%swap3A_958, %swap3A_959] {strides = array<i32>} : memref<20x128xi32, #tpu.memory_space<vmem>>, vector<1x16xi32>,
      %swap3A_961 = vector.shape_cast %swap3A_960 : vector<1x16xi32> to vector<16xi32>
      %swap3A_962 = vector.shape_cast %add3A_956 : vector<16xi32> to vector<1x16xi32>
      tpu.vector_store %arg6[%swap3A_958, %swap3A_959], %swap3A_962 {strides = array<i32>} : memref<20x128xi32, #tpu.memory_space<vmem>>, vector<1x16xi32>,
      %get3A_963 = arith.constant 1376 : index
      %get3A_964 = tpu.vector_load %arg5[%get3A_963] {strides = array<i32>} : memref<2560xi32, #tpu.memory_space<vmem>>, vector<16xi32>,
      %get3A_965 = vector.shape_cast %get3A_964 : vector<16xi32> to vector<16xi32>
      %add3A_966 = vector.broadcast %mul3A_18 : i32 to vector<16xi32>
      %add3A_967 = arith.addi %get3A_965, %add3A_966 : vector<16xi32>
      %swap3A_968 = arith.constant 10 : i32
      %swap3A_969 = arith.index_cast %swap3A_968 : i32 to index
      %swap3A_970 = arith.constant 96 : index
      %swap3A_971 = tpu.vector_load %arg6[%swap3A_969, %swap3A_970] {strides = array<i32>} : memref<20x128xi32, #tpu.memory_space<vmem>>, vector<1x16xi32>,
      %swap3A_972 = vector.shape_cast %swap3A_971 : vector<1x16xi32> to vector<16xi32>
      %swap3A_973 = vector.shape_cast %add3A_967 : vector<16xi32> to vector<1x16xi32>
      tpu.vector_store %arg6[%swap3A_969, %swap3A_970], %swap3A_973 {strides = array<i32>} : memref<20x128xi32, #tpu.memory_space<vmem>>, vector<1x16xi32>,
      %get3A_974 = arith.constant 1392 : index
      %get3A_975 = tpu.vector_load %arg5[%get3A_974] {strides = array<i32>} : memref<2560xi32, #tpu.memory_space<vmem>>, vector<16xi32>,
      %get3A_976 = vector.shape_cast %get3A_975 : vector<16xi32> to vector<16xi32>
      %add3A_977 = vector.broadcast %mul3A_18 : i32 to vector<16xi32>
      %add3A_978 = arith.addi %get3A_976, %add3A_977 : vector<16xi32>
      %swap3A_979 = arith.constant 10 : i32
      %swap3A_980 = arith.index_cast %swap3A_979 : i32 to index
      %swap3A_981 = arith.constant 112 : index
      %swap3A_982 = tpu.vector_load %arg6[%swap3A_980, %swap3A_981] {strides = array<i32>} : memref<20x128xi32, #tpu.memory_space<vmem>>, vector<1x16xi32>,
      %swap3A_983 = vector.shape_cast %swap3A_982 : vector<1x16xi32> to vector<16xi32>
      %swap3A_984 = vector.shape_cast %add3A_978 : vector<16xi32> to vector<1x16xi32>
      tpu.vector_store %arg6[%swap3A_980, %swap3A_981], %swap3A_984 {strides = array<i32>} : memref<20x128xi32, #tpu.memory_space<vmem>>, vector<1x16xi32>,
      %get3A_985 = arith.constant 1408 : index
      %get3A_986 = tpu.vector_load %arg5[%get3A_985] {strides = array<i32>} : memref<2560xi32, #tpu.memory_space<vmem>>, vector<16xi32>,
      %get3A_987 = vector.shape_cast %get3A_986 : vector<16xi32> to vector<16xi32>
      %add3A_988 = vector.broadcast %mul3A_18 : i32 to vector<16xi32>
      %add3A_989 = arith.addi %get3A_987, %add3A_988 : vector<16xi32>
      %swap3A_990 = arith.constant 11 : i32
      %swap3A_991 = arith.index_cast %swap3A_990 : i32 to index
      %swap3A_992 = arith.constant 0 : index
      %swap3A_993 = tpu.vector_load %arg6[%swap3A_991, %swap3A_992] {strides = array<i32>} : memref<20x128xi32, #tpu.memory_space<vmem>>, vector<1x16xi32>,
      %swap3A_994 = vector.shape_cast %swap3A_993 : vector<1x16xi32> to vector<16xi32>
      %swap3A_995 = vector.shape_cast %add3A_989 : vector<16xi32> to vector<1x16xi32>
      tpu.vector_store %arg6[%swap3A_991, %swap3A_992], %swap3A_995 {strides = array<i32>} : memref<20x128xi32, #tpu.memory_space<vmem>>, vector<1x16xi32>,
      %get3A_996 = arith.constant 1424 : index
      %get3A_997 = tpu.vector_load %arg5[%get3A_996] {strides = array<i32>} : memref<2560xi32, #tpu.memory_space<vmem>>, vector<16xi32>,
      %get3A_998 = vector.shape_cast %get3A_997 : vector<16xi32> to vector<16xi32>
      %add3A_999 = vector.broadcast %mul3A_18 : i32 to vector<16xi32>
      %add3A_1000 = arith.addi %get3A_998, %add3A_999 : vector<16xi32>
      %swap3A_1001 = arith.constant 11 : i32
      %swap3A_1002 = arith.index_cast %swap3A_1001 : i32 to index
      %swap3A_1003 = arith.constant 16 : index
      %swap3A_1004 = tpu.vector_load %arg6[%swap3A_1002, %swap3A_1003] {strides = array<i32>} : memref<20x128xi32, #tpu.memory_space<vmem>>, vector<1x16xi32>,
      %swap3A_1005 = vector.shape_cast %swap3A_1004 : vector<1x16xi32> to vector<16xi32>
      %swap3A_1006 = vector.shape_cast %add3A_1000 : vector<16xi32> to vector<1x16xi32>
      tpu.vector_store %arg6[%swap3A_1002, %swap3A_1003], %swap3A_1006 {strides = array<i32>} : memref<20x128xi32, #tpu.memory_space<vmem>>, vector<1x16xi32>,
      %get3A_1007 = arith.constant 1440 : index
      %get3A_1008 = tpu.vector_load %arg5[%get3A_1007] {strides = array<i32>} : memref<2560xi32, #tpu.memory_space<vmem>>, vector<16xi32>,
      %get3A_1009 = vector.shape_cast %get3A_1008 : vector<16xi32> to vector<16xi32>
      %add3A_1010 = vector.broadcast %mul3A_18 : i32 to vector<16xi32>
      %add3A_1011 = arith.addi %get3A_1009, %add3A_1010 : vector<16xi32>
      %swap3A_1012 = arith.constant 11 : i32
      %swap3A_1013 = arith.index_cast %swap3A_1012 : i32 to index
      %swap3A_1014 = arith.constant 32 : index
      %swap3A_1015 = tpu.vector_load %arg6[%swap3A_1013, %swap3A_1014] {strides = array<i32>} : memref<20x128xi32, #tpu.memory_space<vmem>>, vector<1x16xi32>,
      %swap3A_1016 = vector.shape_cast %swap3A_1015 : vector<1x16xi32> to vector<16xi32>
      %swap3A_1017 = vector.shape_cast %add3A_1011 : vector<16xi32> to vector<1x16xi32>
      tpu.vector_store %arg6[%swap3A_1013, %swap3A_1014], %swap3A_1017 {strides = array<i32>} : memref<20x128xi32, #tpu.memory_space<vmem>>, vector<1x16xi32>,
      %get3A_1018 = arith.constant 1456 : index
      %get3A_1019 = tpu.vector_load %arg5[%get3A_1018] {strides = array<i32>} : memref<2560xi32, #tpu.memory_space<vmem>>, vector<16xi32>,
      %get3A_1020 = vector.shape_cast %get3A_1019 : vector<16xi32> to vector<16xi32>
      %add3A_1021 = vector.broadcast %mul3A_18 : i32 to vector<16xi32>
      %add3A_1022 = arith.addi %get3A_1020, %add3A_1021 : vector<16xi32>
      %swap3A_1023 = arith.constant 11 : i32
      %swap3A_1024 = arith.index_cast %swap3A_1023 : i32 to index
      %swap3A_1025 = arith.constant 48 : index
      %swap3A_1026 = tpu.vector_load %arg6[%swap3A_1024, %swap3A_1025] {strides = array<i32>} : memref<20x128xi32, #tpu.memory_space<vmem>>, vector<1x16xi32>,
      %swap3A_1027 = vector.shape_cast %swap3A_1026 : vector<1x16xi32> to vector<16xi32>
      %swap3A_1028 = vector.shape_cast %add3A_1022 : vector<16xi32> to vector<1x16xi32>
      tpu.vector_store %arg6[%swap3A_1024, %swap3A_1025], %swap3A_1028 {strides = array<i32>} : memref<20x128xi32, #tpu.memory_space<vmem>>, vector<1x16xi32>,
      %get3A_1029 = arith.constant 1472 : index
      %get3A_1030 = tpu.vector_load %arg5[%get3A_1029] {strides = array<i32>} : memref<2560xi32, #tpu.memory_space<vmem>>, vector<16xi32>,
      %get3A_1031 = vector.shape_cast %get3A_1030 : vector<16xi32> to vector<16xi32>
      %add3A_1032 = vector.broadcast %mul3A_18 : i32 to vector<16xi32>
      %add3A_1033 = arith.addi %get3A_1031, %add3A_1032 : vector<16xi32>
      %swap3A_1034 = arith.constant 11 : i32
      %swap3A_1035 = arith.index_cast %swap3A_1034 : i32 to index
      %swap3A_1036 = arith.constant 64 : index
      %swap3A_1037 = tpu.vector_load %arg6[%swap3A_1035, %swap3A_1036] {strides = array<i32>} : memref<20x128xi32, #tpu.memory_space<vmem>>, vector<1x16xi32>,
      %swap3A_1038 = vector.shape_cast %swap3A_1037 : vector<1x16xi32> to vector<16xi32>
      %swap3A_1039 = vector.shape_cast %add3A_1033 : vector<16xi32> to vector<1x16xi32>
      tpu.vector_store %arg6[%swap3A_1035, %swap3A_1036], %swap3A_1039 {strides = array<i32>} : memref<20x128xi32, #tpu.memory_space<vmem>>, vector<1x16xi32>,
      %get3A_1040 = arith.constant 1488 : index
      %get3A_1041 = tpu.vector_load %arg5[%get3A_1040] {strides = array<i32>} : memref<2560xi32, #tpu.memory_space<vmem>>, vector<16xi32>,
      %get3A_1042 = vector.shape_cast %get3A_1041 : vector<16xi32> to vector<16xi32>
      %add3A_1043 = vector.broadcast %mul3A_18 : i32 to vector<16xi32>
      %add3A_1044 = arith.addi %get3A_1042, %add3A_1043 : vector<16xi32>
      %swap3A_1045 = arith.constant 11 : i32
      %swap3A_1046 = arith.index_cast %swap3A_1045 : i32 to index
      %swap3A_1047 = arith.constant 80 : index
      %swap3A_1048 = tpu.vector_load %arg6[%swap3A_1046, %swap3A_1047] {strides = array<i32>} : memref<20x128xi32, #tpu.memory_space<vmem>>, vector<1x16xi32>,
      %swap3A_1049 = vector.shape_cast %swap3A_1048 : vector<1x16xi32> to vector<16xi32>
      %swap3A_1050 = vector.shape_cast %add3A_1044 : vector<16xi32> to vector<1x16xi32>
      tpu.vector_store %arg6[%swap3A_1046, %swap3A_1047], %swap3A_1050 {strides = array<i32>} : memref<20x128xi32, #tpu.memory_space<vmem>>, vector<1x16xi32>,
      %get3A_1051 = arith.constant 1504 : index
      %get3A_1052 = tpu.vector_load %arg5[%get3A_1051] {strides = array<i32>} : memref<2560xi32, #tpu.memory_space<vmem>>, vector<16xi32>,
      %get3A_1053 = vector.shape_cast %get3A_1052 : vector<16xi32> to vector<16xi32>
      %add3A_1054 = vector.broadcast %mul3A_18 : i32 to vector<16xi32>
      %add3A_1055 = arith.addi %get3A_1053, %add3A_1054 : vector<16xi32>
      %swap3A_1056 = arith.constant 11 : i32
      %swap3A_1057 = arith.index_cast %swap3A_1056 : i32 to index
      %swap3A_1058 = arith.constant 96 : index
      %swap3A_1059 = tpu.vector_load %arg6[%swap3A_1057, %swap3A_1058] {strides = array<i32>} : memref<20x128xi32, #tpu.memory_space<vmem>>, vector<1x16xi32>,
      %swap3A_1060 = vector.shape_cast %swap3A_1059 : vector<1x16xi32> to vector<16xi32>
      %swap3A_1061 = vector.shape_cast %add3A_1055 : vector<16xi32> to vector<1x16xi32>
      tpu.vector_store %arg6[%swap3A_1057, %swap3A_1058], %swap3A_1061 {strides = array<i32>} : memref<20x128xi32, #tpu.memory_space<vmem>>, vector<1x16xi32>,
      %get3A_1062 = arith.constant 1520 : index
      %get3A_1063 = tpu.vector_load %arg5[%get3A_1062] {strides = array<i32>} : memref<2560xi32, #tpu.memory_space<vmem>>, vector<16xi32>,
      %get3A_1064 = vector.shape_cast %get3A_1063 : vector<16xi32> to vector<16xi32>
      %add3A_1065 = vector.broadcast %mul3A_18 : i32 to vector<16xi32>
      %add3A_1066 = arith.addi %get3A_1064, %add3A_1065 : vector<16xi32>
      %swap3A_1067 = arith.constant 11 : i32
      %swap3A_1068 = arith.index_cast %swap3A_1067 : i32 to index
      %swap3A_1069 = arith.constant 112 : index
      %swap3A_1070 = tpu.vector_load %arg6[%swap3A_1068, %swap3A_1069] {strides = array<i32>} : memref<20x128xi32, #tpu.memory_space<vmem>>, vector<1x16xi32>,
      %swap3A_1071 = vector.shape_cast %swap3A_1070 : vector<1x16xi32> to vector<16xi32>
      %swap3A_1072 = vector.shape_cast %add3A_1066 : vector<16xi32> to vector<1x16xi32>
      tpu.vector_store %arg6[%swap3A_1068, %swap3A_1069], %swap3A_1072 {strides = array<i32>} : memref<20x128xi32, #tpu.memory_space<vmem>>, vector<1x16xi32>,
      %get3A_1073 = arith.constant 1536 : index
      %get3A_1074 = tpu.vector_load %arg5[%get3A_1073] {strides = array<i32>} : memref<2560xi32, #tpu.memory_space<vmem>>, vector<16xi32>,
      %get3A_1075 = vector.shape_cast %get3A_1074 : vector<16xi32> to vector<16xi32>
      %add3A_1076 = vector.broadcast %mul3A_18 : i32 to vector<16xi32>
      %add3A_1077 = arith.addi %get3A_1075, %add3A_1076 : vector<16xi32>
      %swap3A_1078 = arith.constant 12 : i32
      %swap3A_1079 = arith.index_cast %swap3A_1078 : i32 to index
      %swap3A_1080 = arith.constant 0 : index
      %swap3A_1081 = tpu.vector_load %arg6[%swap3A_1079, %swap3A_1080] {strides = array<i32>} : memref<20x128xi32, #tpu.memory_space<vmem>>, vector<1x16xi32>,
      %swap3A_1082 = vector.shape_cast %swap3A_1081 : vector<1x16xi32> to vector<16xi32>
      %swap3A_1083 = vector.shape_cast %add3A_1077 : vector<16xi32> to vector<1x16xi32>
      tpu.vector_store %arg6[%swap3A_1079, %swap3A_1080], %swap3A_1083 {strides = array<i32>} : memref<20x128xi32, #tpu.memory_space<vmem>>, vector<1x16xi32>,
      %get3A_1084 = arith.constant 1552 : index
      %get3A_1085 = tpu.vector_load %arg5[%get3A_1084] {strides = array<i32>} : memref<2560xi32, #tpu.memory_space<vmem>>, vector<16xi32>,
      %get3A_1086 = vector.shape_cast %get3A_1085 : vector<16xi32> to vector<16xi32>
      %add3A_1087 = vector.broadcast %mul3A_18 : i32 to vector<16xi32>
      %add3A_1088 = arith.addi %get3A_1086, %add3A_1087 : vector<16xi32>
      %swap3A_1089 = arith.constant 12 : i32
      %swap3A_1090 = arith.index_cast %swap3A_1089 : i32 to index
      %swap3A_1091 = arith.constant 16 : index
      %swap3A_1092 = tpu.vector_load %arg6[%swap3A_1090, %swap3A_1091] {strides = array<i32>} : memref<20x128xi32, #tpu.memory_space<vmem>>, vector<1x16xi32>,
      %swap3A_1093 = vector.shape_cast %swap3A_1092 : vector<1x16xi32> to vector<16xi32>
      %swap3A_1094 = vector.shape_cast %add3A_1088 : vector<16xi32> to vector<1x16xi32>
      tpu.vector_store %arg6[%swap3A_1090, %swap3A_1091], %swap3A_1094 {strides = array<i32>} : memref<20x128xi32, #tpu.memory_space<vmem>>, vector<1x16xi32>,
      %get3A_1095 = arith.constant 1568 : index
      %get3A_1096 = tpu.vector_load %arg5[%get3A_1095] {strides = array<i32>} : memref<2560xi32, #tpu.memory_space<vmem>>, vector<16xi32>,
      %get3A_1097 = vector.shape_cast %get3A_1096 : vector<16xi32> to vector<16xi32>
      %add3A_1098 = vector.broadcast %mul3A_18 : i32 to vector<16xi32>
      %add3A_1099 = arith.addi %get3A_1097, %add3A_1098 : vector<16xi32>
      %swap3A_1100 = arith.constant 12 : i32
      %swap3A_1101 = arith.index_cast %swap3A_1100 : i32 to index
      %swap3A_1102 = arith.constant 32 : index
      %swap3A_1103 = tpu.vector_load %arg6[%swap3A_1101, %swap3A_1102] {strides = array<i32>} : memref<20x128xi32, #tpu.memory_space<vmem>>, vector<1x16xi32>,
      %swap3A_1104 = vector.shape_cast %swap3A_1103 : vector<1x16xi32> to vector<16xi32>
      %swap3A_1105 = vector.shape_cast %add3A_1099 : vector<16xi32> to vector<1x16xi32>
      tpu.vector_store %arg6[%swap3A_1101, %swap3A_1102], %swap3A_1105 {strides = array<i32>} : memref<20x128xi32, #tpu.memory_space<vmem>>, vector<1x16xi32>,
      %get3A_1106 = arith.constant 1584 : index
      %get3A_1107 = tpu.vector_load %arg5[%get3A_1106] {strides = array<i32>} : memref<2560xi32, #tpu.memory_space<vmem>>, vector<16xi32>,
      %get3A_1108 = vector.shape_cast %get3A_1107 : vector<16xi32> to vector<16xi32>
      %add3A_1109 = vector.broadcast %mul3A_18 : i32 to vector<16xi32>
      %add3A_1110 = arith.addi %get3A_1108, %add3A_1109 : vector<16xi32>
      %swap3A_1111 = arith.constant 12 : i32
      %swap3A_1112 = arith.index_cast %swap3A_1111 : i32 to index
      %swap3A_1113 = arith.constant 48 : index
      %swap3A_1114 = tpu.vector_load %arg6[%swap3A_1112, %swap3A_1113] {strides = array<i32>} : memref<20x128xi32, #tpu.memory_space<vmem>>, vector<1x16xi32>,
      %swap3A_1115 = vector.shape_cast %swap3A_1114 : vector<1x16xi32> to vector<16xi32>
      %swap3A_1116 = vector.shape_cast %add3A_1110 : vector<16xi32> to vector<1x16xi32>
      tpu.vector_store %arg6[%swap3A_1112, %swap3A_1113], %swap3A_1116 {strides = array<i32>} : memref<20x128xi32, #tpu.memory_space<vmem>>, vector<1x16xi32>,
      %get3A_1117 = arith.constant 1600 : index
      %get3A_1118 = tpu.vector_load %arg5[%get3A_1117] {strides = array<i32>} : memref<2560xi32, #tpu.memory_space<vmem>>, vector<16xi32>,
      %get3A_1119 = vector.shape_cast %get3A_1118 : vector<16xi32> to vector<16xi32>
      %add3A_1120 = vector.broadcast %mul3A_18 : i32 to vector<16xi32>
      %add3A_1121 = arith.addi %get3A_1119, %add3A_1120 : vector<16xi32>
      %swap3A_1122 = arith.constant 12 : i32
      %swap3A_1123 = arith.index_cast %swap3A_1122 : i32 to index
      %swap3A_1124 = arith.constant 64 : index
      %swap3A_1125 = tpu.vector_load %arg6[%swap3A_1123, %swap3A_1124] {strides = array<i32>} : memref<20x128xi32, #tpu.memory_space<vmem>>, vector<1x16xi32>,
      %swap3A_1126 = vector.shape_cast %swap3A_1125 : vector<1x16xi32> to vector<16xi32>
      %swap3A_1127 = vector.shape_cast %add3A_1121 : vector<16xi32> to vector<1x16xi32>
      tpu.vector_store %arg6[%swap3A_1123, %swap3A_1124], %swap3A_1127 {strides = array<i32>} : memref<20x128xi32, #tpu.memory_space<vmem>>, vector<1x16xi32>,
      %get3A_1128 = arith.constant 1616 : index
      %get3A_1129 = tpu.vector_load %arg5[%get3A_1128] {strides = array<i32>} : memref<2560xi32, #tpu.memory_space<vmem>>, vector<16xi32>,
      %get3A_1130 = vector.shape_cast %get3A_1129 : vector<16xi32> to vector<16xi32>
      %add3A_1131 = vector.broadcast %mul3A_18 : i32 to vector<16xi32>
      %add3A_1132 = arith.addi %get3A_1130, %add3A_1131 : vector<16xi32>
      %swap3A_1133 = arith.constant 12 : i32
      %swap3A_1134 = arith.index_cast %swap3A_1133 : i32 to index
      %swap3A_1135 = arith.constant 80 : index
      %swap3A_1136 = tpu.vector_load %arg6[%swap3A_1134, %swap3A_1135] {strides = array<i32>} : memref<20x128xi32, #tpu.memory_space<vmem>>, vector<1x16xi32>,
      %swap3A_1137 = vector.shape_cast %swap3A_1136 : vector<1x16xi32> to vector<16xi32>
      %swap3A_1138 = vector.shape_cast %add3A_1132 : vector<16xi32> to vector<1x16xi32>
      tpu.vector_store %arg6[%swap3A_1134, %swap3A_1135], %swap3A_1138 {strides = array<i32>} : memref<20x128xi32, #tpu.memory_space<vmem>>, vector<1x16xi32>,
      %get3A_1139 = arith.constant 1632 : index
      %get3A_1140 = tpu.vector_load %arg5[%get3A_1139] {strides = array<i32>} : memref<2560xi32, #tpu.memory_space<vmem>>, vector<16xi32>,
      %get3A_1141 = vector.shape_cast %get3A_1140 : vector<16xi32> to vector<16xi32>
      %add3A_1142 = vector.broadcast %mul3A_18 : i32 to vector<16xi32>
      %add3A_1143 = arith.addi %get3A_1141, %add3A_1142 : vector<16xi32>
      %swap3A_1144 = arith.constant 12 : i32
      %swap3A_1145 = arith.index_cast %swap3A_1144 : i32 to index
      %swap3A_1146 = arith.constant 96 : index
      %swap3A_1147 = tpu.vector_load %arg6[%swap3A_1145, %swap3A_1146] {strides = array<i32>} : memref<20x128xi32, #tpu.memory_space<vmem>>, vector<1x16xi32>,
      %swap3A_1148 = vector.shape_cast %swap3A_1147 : vector<1x16xi32> to vector<16xi32>
      %swap3A_1149 = vector.shape_cast %add3A_1143 : vector<16xi32> to vector<1x16xi32>
      tpu.vector_store %arg6[%swap3A_1145, %swap3A_1146], %swap3A_1149 {strides = array<i32>} : memref<20x128xi32, #tpu.memory_space<vmem>>, vector<1x16xi32>,
      %get3A_1150 = arith.constant 1648 : index
      %get3A_1151 = tpu.vector_load %arg5[%get3A_1150] {strides = array<i32>} : memref<2560xi32, #tpu.memory_space<vmem>>, vector<16xi32>,
      %get3A_1152 = vector.shape_cast %get3A_1151 : vector<16xi32> to vector<16xi32>
      %add3A_1153 = vector.broadcast %mul3A_18 : i32 to vector<16xi32>
      %add3A_1154 = arith.addi %get3A_1152, %add3A_1153 : vector<16xi32>
      %swap3A_1155 = arith.constant 12 : i32
      %swap3A_1156 = arith.index_cast %swap3A_1155 : i32 to index
      %swap3A_1157 = arith.constant 112 : index
      %swap3A_1158 = tpu.vector_load %arg6[%swap3A_1156, %swap3A_1157] {strides = array<i32>} : memref<20x128xi32, #tpu.memory_space<vmem>>, vector<1x16xi32>,
      %swap3A_1159 = vector.shape_cast %swap3A_1158 : vector<1x16xi32> to vector<16xi32>
      %swap3A_1160 = vector.shape_cast %add3A_1154 : vector<16xi32> to vector<1x16xi32>
      tpu.vector_store %arg6[%swap3A_1156, %swap3A_1157], %swap3A_1160 {strides = array<i32>} : memref<20x128xi32, #tpu.memory_space<vmem>>, vector<1x16xi32>,
      %get3A_1161 = arith.constant 1664 : index
      %get3A_1162 = tpu.vector_load %arg5[%get3A_1161] {strides = array<i32>} : memref<2560xi32, #tpu.memory_space<vmem>>, vector<16xi32>,
      %get3A_1163 = vector.shape_cast %get3A_1162 : vector<16xi32> to vector<16xi32>
      %add3A_1164 = vector.broadcast %mul3A_18 : i32 to vector<16xi32>
      %add3A_1165 = arith.addi %get3A_1163, %add3A_1164 : vector<16xi32>
      %swap3A_1166 = arith.constant 13 : i32
      %swap3A_1167 = arith.index_cast %swap3A_1166 : i32 to index
      %swap3A_1168 = arith.constant 0 : index
      %swap3A_1169 = tpu.vector_load %arg6[%swap3A_1167, %swap3A_1168] {strides = array<i32>} : memref<20x128xi32, #tpu.memory_space<vmem>>, vector<1x16xi32>,
      %swap3A_1170 = vector.shape_cast %swap3A_1169 : vector<1x16xi32> to vector<16xi32>
      %swap3A_1171 = vector.shape_cast %add3A_1165 : vector<16xi32> to vector<1x16xi32>
      tpu.vector_store %arg6[%swap3A_1167, %swap3A_1168], %swap3A_1171 {strides = array<i32>} : memref<20x128xi32, #tpu.memory_space<vmem>>, vector<1x16xi32>,
      %get3A_1172 = arith.constant 1680 : index
      %get3A_1173 = tpu.vector_load %arg5[%get3A_1172] {strides = array<i32>} : memref<2560xi32, #tpu.memory_space<vmem>>, vector<16xi32>,
      %get3A_1174 = vector.shape_cast %get3A_1173 : vector<16xi32> to vector<16xi32>
      %add3A_1175 = vector.broadcast %mul3A_18 : i32 to vector<16xi32>
      %add3A_1176 = arith.addi %get3A_1174, %add3A_1175 : vector<16xi32>
      %swap3A_1177 = arith.constant 13 : i32
      %swap3A_1178 = arith.index_cast %swap3A_1177 : i32 to index
      %swap3A_1179 = arith.constant 16 : index
      %swap3A_1180 = tpu.vector_load %arg6[%swap3A_1178, %swap3A_1179] {strides = array<i32>} : memref<20x128xi32, #tpu.memory_space<vmem>>, vector<1x16xi32>,
      %swap3A_1181 = vector.shape_cast %swap3A_1180 : vector<1x16xi32> to vector<16xi32>
      %swap3A_1182 = vector.shape_cast %add3A_1176 : vector<16xi32> to vector<1x16xi32>
      tpu.vector_store %arg6[%swap3A_1178, %swap3A_1179], %swap3A_1182 {strides = array<i32>} : memref<20x128xi32, #tpu.memory_space<vmem>>, vector<1x16xi32>,
      %get3A_1183 = arith.constant 1696 : index
      %get3A_1184 = tpu.vector_load %arg5[%get3A_1183] {strides = array<i32>} : memref<2560xi32, #tpu.memory_space<vmem>>, vector<16xi32>,
      %get3A_1185 = vector.shape_cast %get3A_1184 : vector<16xi32> to vector<16xi32>
      %add3A_1186 = vector.broadcast %mul3A_18 : i32 to vector<16xi32>
      %add3A_1187 = arith.addi %get3A_1185, %add3A_1186 : vector<16xi32>
      %swap3A_1188 = arith.constant 13 : i32
      %swap3A_1189 = arith.index_cast %swap3A_1188 : i32 to index
      %swap3A_1190 = arith.constant 32 : index
      %swap3A_1191 = tpu.vector_load %arg6[%swap3A_1189, %swap3A_1190] {strides = array<i32>} : memref<20x128xi32, #tpu.memory_space<vmem>>, vector<1x16xi32>,
      %swap3A_1192 = vector.shape_cast %swap3A_1191 : vector<1x16xi32> to vector<16xi32>
      %swap3A_1193 = vector.shape_cast %add3A_1187 : vector<16xi32> to vector<1x16xi32>
      tpu.vector_store %arg6[%swap3A_1189, %swap3A_1190], %swap3A_1193 {strides = array<i32>} : memref<20x128xi32, #tpu.memory_space<vmem>>, vector<1x16xi32>,
      %get3A_1194 = arith.constant 1712 : index
      %get3A_1195 = tpu.vector_load %arg5[%get3A_1194] {strides = array<i32>} : memref<2560xi32, #tpu.memory_space<vmem>>, vector<16xi32>,
      %get3A_1196 = vector.shape_cast %get3A_1195 : vector<16xi32> to vector<16xi32>
      %add3A_1197 = vector.broadcast %mul3A_18 : i32 to vector<16xi32>
      %add3A_1198 = arith.addi %get3A_1196, %add3A_1197 : vector<16xi32>
      %swap3A_1199 = arith.constant 13 : i32
      %swap3A_1200 = arith.index_cast %swap3A_1199 : i32 to index
      %swap3A_1201 = arith.constant 48 : index
      %swap3A_1202 = tpu.vector_load %arg6[%swap3A_1200, %swap3A_1201] {strides = array<i32>} : memref<20x128xi32, #tpu.memory_space<vmem>>, vector<1x16xi32>,
      %swap3A_1203 = vector.shape_cast %swap3A_1202 : vector<1x16xi32> to vector<16xi32>
      %swap3A_1204 = vector.shape_cast %add3A_1198 : vector<16xi32> to vector<1x16xi32>
      tpu.vector_store %arg6[%swap3A_1200, %swap3A_1201], %swap3A_1204 {strides = array<i32>} : memref<20x128xi32, #tpu.memory_space<vmem>>, vector<1x16xi32>,
      %get3A_1205 = arith.constant 1728 : index
      %get3A_1206 = tpu.vector_load %arg5[%get3A_1205] {strides = array<i32>} : memref<2560xi32, #tpu.memory_space<vmem>>, vector<16xi32>,
      %get3A_1207 = vector.shape_cast %get3A_1206 : vector<16xi32> to vector<16xi32>
      %add3A_1208 = vector.broadcast %mul3A_18 : i32 to vector<16xi32>
      %add3A_1209 = arith.addi %get3A_1207, %add3A_1208 : vector<16xi32>
      %swap3A_1210 = arith.constant 13 : i32
      %swap3A_1211 = arith.index_cast %swap3A_1210 : i32 to index
      %swap3A_1212 = arith.constant 64 : index
      %swap3A_1213 = tpu.vector_load %arg6[%swap3A_1211, %swap3A_1212] {strides = array<i32>} : memref<20x128xi32, #tpu.memory_space<vmem>>, vector<1x16xi32>,
      %swap3A_1214 = vector.shape_cast %swap3A_1213 : vector<1x16xi32> to vector<16xi32>
      %swap3A_1215 = vector.shape_cast %add3A_1209 : vector<16xi32> to vector<1x16xi32>
      tpu.vector_store %arg6[%swap3A_1211, %swap3A_1212], %swap3A_1215 {strides = array<i32>} : memref<20x128xi32, #tpu.memory_space<vmem>>, vector<1x16xi32>,
      %get3A_1216 = arith.constant 1744 : index
      %get3A_1217 = tpu.vector_load %arg5[%get3A_1216] {strides = array<i32>} : memref<2560xi32, #tpu.memory_space<vmem>>, vector<16xi32>,
      %get3A_1218 = vector.shape_cast %get3A_1217 : vector<16xi32> to vector<16xi32>
      %add3A_1219 = vector.broadcast %mul3A_18 : i32 to vector<16xi32>
      %add3A_1220 = arith.addi %get3A_1218, %add3A_1219 : vector<16xi32>
      %swap3A_1221 = arith.constant 13 : i32
      %swap3A_1222 = arith.index_cast %swap3A_1221 : i32 to index
      %swap3A_1223 = arith.constant 80 : index
      %swap3A_1224 = tpu.vector_load %arg6[%swap3A_1222, %swap3A_1223] {strides = array<i32>} : memref<20x128xi32, #tpu.memory_space<vmem>>, vector<1x16xi32>,
      %swap3A_1225 = vector.shape_cast %swap3A_1224 : vector<1x16xi32> to vector<16xi32>
      %swap3A_1226 = vector.shape_cast %add3A_1220 : vector<16xi32> to vector<1x16xi32>
      tpu.vector_store %arg6[%swap3A_1222, %swap3A_1223], %swap3A_1226 {strides = array<i32>} : memref<20x128xi32, #tpu.memory_space<vmem>>, vector<1x16xi32>,
      %get3A_1227 = arith.constant 1760 : index
      %get3A_1228 = tpu.vector_load %arg5[%get3A_1227] {strides = array<i32>} : memref<2560xi32, #tpu.memory_space<vmem>>, vector<16xi32>,
      %get3A_1229 = vector.shape_cast %get3A_1228 : vector<16xi32> to vector<16xi32>
      %add3A_1230 = vector.broadcast %mul3A_18 : i32 to vector<16xi32>
      %add3A_1231 = arith.addi %get3A_1229, %add3A_1230 : vector<16xi32>
      %swap3A_1232 = arith.constant 13 : i32
      %swap3A_1233 = arith.index_cast %swap3A_1232 : i32 to index
      %swap3A_1234 = arith.constant 96 : index
      %swap3A_1235 = tpu.vector_load %arg6[%swap3A_1233, %swap3A_1234] {strides = array<i32>} : memref<20x128xi32, #tpu.memory_space<vmem>>, vector<1x16xi32>,
      %swap3A_1236 = vector.shape_cast %swap3A_1235 : vector<1x16xi32> to vector<16xi32>
      %swap3A_1237 = vector.shape_cast %add3A_1231 : vector<16xi32> to vector<1x16xi32>
      tpu.vector_store %arg6[%swap3A_1233, %swap3A_1234], %swap3A_1237 {strides = array<i32>} : memref<20x128xi32, #tpu.memory_space<vmem>>, vector<1x16xi32>,
      %get3A_1238 = arith.constant 1776 : index
      %get3A_1239 = tpu.vector_load %arg5[%get3A_1238] {strides = array<i32>} : memref<2560xi32, #tpu.memory_space<vmem>>, vector<16xi32>,
      %get3A_1240 = vector.shape_cast %get3A_1239 : vector<16xi32> to vector<16xi32>
      %add3A_1241 = vector.broadcast %mul3A_18 : i32 to vector<16xi32>
      %add3A_1242 = arith.addi %get3A_1240, %add3A_1241 : vector<16xi32>
      %swap3A_1243 = arith.constant 13 : i32
      %swap3A_1244 = arith.index_cast %swap3A_1243 : i32 to index
      %swap3A_1245 = arith.constant 112 : index
      %swap3A_1246 = tpu.vector_load %arg6[%swap3A_1244, %swap3A_1245] {strides = array<i32>} : memref<20x128xi32, #tpu.memory_space<vmem>>, vector<1x16xi32>,
      %swap3A_1247 = vector.shape_cast %swap3A_1246 : vector<1x16xi32> to vector<16xi32>
      %swap3A_1248 = vector.shape_cast %add3A_1242 : vector<16xi32> to vector<1x16xi32>
      tpu.vector_store %arg6[%swap3A_1244, %swap3A_1245], %swap3A_1248 {strides = array<i32>} : memref<20x128xi32, #tpu.memory_space<vmem>>, vector<1x16xi32>,
      %get3A_1249 = arith.constant 1792 : index
      %get3A_1250 = tpu.vector_load %arg5[%get3A_1249] {strides = array<i32>} : memref<2560xi32, #tpu.memory_space<vmem>>, vector<16xi32>,
      %get3A_1251 = vector.shape_cast %get3A_1250 : vector<16xi32> to vector<16xi32>
      %add3A_1252 = vector.broadcast %mul3A_18 : i32 to vector<16xi32>
      %add3A_1253 = arith.addi %get3A_1251, %add3A_1252 : vector<16xi32>
      %swap3A_1254 = arith.constant 14 : i32
      %swap3A_1255 = arith.index_cast %swap3A_1254 : i32 to index
      %swap3A_1256 = arith.constant 0 : index
      %swap3A_1257 = tpu.vector_load %arg6[%swap3A_1255, %swap3A_1256] {strides = array<i32>} : memref<20x128xi32, #tpu.memory_space<vmem>>, vector<1x16xi32>,
      %swap3A_1258 = vector.shape_cast %swap3A_1257 : vector<1x16xi32> to vector<16xi32>
      %swap3A_1259 = vector.shape_cast %add3A_1253 : vector<16xi32> to vector<1x16xi32>
      tpu.vector_store %arg6[%swap3A_1255, %swap3A_1256], %swap3A_1259 {strides = array<i32>} : memref<20x128xi32, #tpu.memory_space<vmem>>, vector<1x16xi32>,
      %get3A_1260 = arith.constant 1808 : index
      %get3A_1261 = tpu.vector_load %arg5[%get3A_1260] {strides = array<i32>} : memref<2560xi32, #tpu.memory_space<vmem>>, vector<16xi32>,
      %get3A_1262 = vector.shape_cast %get3A_1261 : vector<16xi32> to vector<16xi32>
      %add3A_1263 = vector.broadcast %mul3A_18 : i32 to vector<16xi32>
      %add3A_1264 = arith.addi %get3A_1262, %add3A_1263 : vector<16xi32>
      %swap3A_1265 = arith.constant 14 : i32
      %swap3A_1266 = arith.index_cast %swap3A_1265 : i32 to index
      %swap3A_1267 = arith.constant 16 : index
      %swap3A_1268 = tpu.vector_load %arg6[%swap3A_1266, %swap3A_1267] {strides = array<i32>} : memref<20x128xi32, #tpu.memory_space<vmem>>, vector<1x16xi32>,
      %swap3A_1269 = vector.shape_cast %swap3A_1268 : vector<1x16xi32> to vector<16xi32>
      %swap3A_1270 = vector.shape_cast %add3A_1264 : vector<16xi32> to vector<1x16xi32>
      tpu.vector_store %arg6[%swap3A_1266, %swap3A_1267], %swap3A_1270 {strides = array<i32>} : memref<20x128xi32, #tpu.memory_space<vmem>>, vector<1x16xi32>,
      %get3A_1271 = arith.constant 1824 : index
      %get3A_1272 = tpu.vector_load %arg5[%get3A_1271] {strides = array<i32>} : memref<2560xi32, #tpu.memory_space<vmem>>, vector<16xi32>,
      %get3A_1273 = vector.shape_cast %get3A_1272 : vector<16xi32> to vector<16xi32>
      %add3A_1274 = vector.broadcast %mul3A_18 : i32 to vector<16xi32>
      %add3A_1275 = arith.addi %get3A_1273, %add3A_1274 : vector<16xi32>
      %swap3A_1276 = arith.constant 14 : i32
      %swap3A_1277 = arith.index_cast %swap3A_1276 : i32 to index
      %swap3A_1278 = arith.constant 32 : index
      %swap3A_1279 = tpu.vector_load %arg6[%swap3A_1277, %swap3A_1278] {strides = array<i32>} : memref<20x128xi32, #tpu.memory_space<vmem>>, vector<1x16xi32>,
      %swap3A_1280 = vector.shape_cast %swap3A_1279 : vector<1x16xi32> to vector<16xi32>
      %swap3A_1281 = vector.shape_cast %add3A_1275 : vector<16xi32> to vector<1x16xi32>
      tpu.vector_store %arg6[%swap3A_1277, %swap3A_1278], %swap3A_1281 {strides = array<i32>} : memref<20x128xi32, #tpu.memory_space<vmem>>, vector<1x16xi32>,
      %get3A_1282 = arith.constant 1840 : index
      %get3A_1283 = tpu.vector_load %arg5[%get3A_1282] {strides = array<i32>} : memref<2560xi32, #tpu.memory_space<vmem>>, vector<16xi32>,
      %get3A_1284 = vector.shape_cast %get3A_1283 : vector<16xi32> to vector<16xi32>
      %add3A_1285 = vector.broadcast %mul3A_18 : i32 to vector<16xi32>
      %add3A_1286 = arith.addi %get3A_1284, %add3A_1285 : vector<16xi32>
      %swap3A_1287 = arith.constant 14 : i32
      %swap3A_1288 = arith.index_cast %swap3A_1287 : i32 to index
      %swap3A_1289 = arith.constant 48 : index
      %swap3A_1290 = tpu.vector_load %arg6[%swap3A_1288, %swap3A_1289] {strides = array<i32>} : memref<20x128xi32, #tpu.memory_space<vmem>>, vector<1x16xi32>,
      %swap3A_1291 = vector.shape_cast %swap3A_1290 : vector<1x16xi32> to vector<16xi32>
      %swap3A_1292 = vector.shape_cast %add3A_1286 : vector<16xi32> to vector<1x16xi32>
      tpu.vector_store %arg6[%swap3A_1288, %swap3A_1289], %swap3A_1292 {strides = array<i32>} : memref<20x128xi32, #tpu.memory_space<vmem>>, vector<1x16xi32>,
      %get3A_1293 = arith.constant 1856 : index
      %get3A_1294 = tpu.vector_load %arg5[%get3A_1293] {strides = array<i32>} : memref<2560xi32, #tpu.memory_space<vmem>>, vector<16xi32>,
      %get3A_1295 = vector.shape_cast %get3A_1294 : vector<16xi32> to vector<16xi32>
      %add3A_1296 = vector.broadcast %mul3A_18 : i32 to vector<16xi32>
      %add3A_1297 = arith.addi %get3A_1295, %add3A_1296 : vector<16xi32>
      %swap3A_1298 = arith.constant 14 : i32
      %swap3A_1299 = arith.index_cast %swap3A_1298 : i32 to index
      %swap3A_1300 = arith.constant 64 : index
      %swap3A_1301 = tpu.vector_load %arg6[%swap3A_1299, %swap3A_1300] {strides = array<i32>} : memref<20x128xi32, #tpu.memory_space<vmem>>, vector<1x16xi32>,
      %swap3A_1302 = vector.shape_cast %swap3A_1301 : vector<1x16xi32> to vector<16xi32>
      %swap3A_1303 = vector.shape_cast %add3A_1297 : vector<16xi32> to vector<1x16xi32>
      tpu.vector_store %arg6[%swap3A_1299, %swap3A_1300], %swap3A_1303 {strides = array<i32>} : memref<20x128xi32, #tpu.memory_space<vmem>>, vector<1x16xi32>,
      %get3A_1304 = arith.constant 1872 : index
      %get3A_1305 = tpu.vector_load %arg5[%get3A_1304] {strides = array<i32>} : memref<2560xi32, #tpu.memory_space<vmem>>, vector<16xi32>,
      %get3A_1306 = vector.shape_cast %get3A_1305 : vector<16xi32> to vector<16xi32>
      %add3A_1307 = vector.broadcast %mul3A_18 : i32 to vector<16xi32>
      %add3A_1308 = arith.addi %get3A_1306, %add3A_1307 : vector<16xi32>
      %swap3A_1309 = arith.constant 14 : i32
      %swap3A_1310 = arith.index_cast %swap3A_1309 : i32 to index
      %swap3A_1311 = arith.constant 80 : index
      %swap3A_1312 = tpu.vector_load %arg6[%swap3A_1310, %swap3A_1311] {strides = array<i32>} : memref<20x128xi32, #tpu.memory_space<vmem>>, vector<1x16xi32>,
      %swap3A_1313 = vector.shape_cast %swap3A_1312 : vector<1x16xi32> to vector<16xi32>
      %swap3A_1314 = vector.shape_cast %add3A_1308 : vector<16xi32> to vector<1x16xi32>
      tpu.vector_store %arg6[%swap3A_1310, %swap3A_1311], %swap3A_1314 {strides = array<i32>} : memref<20x128xi32, #tpu.memory_space<vmem>>, vector<1x16xi32>,
      %get3A_1315 = arith.constant 1888 : index
      %get3A_1316 = tpu.vector_load %arg5[%get3A_1315] {strides = array<i32>} : memref<2560xi32, #tpu.memory_space<vmem>>, vector<16xi32>,
      %get3A_1317 = vector.shape_cast %get3A_1316 : vector<16xi32> to vector<16xi32>
      %add3A_1318 = vector.broadcast %mul3A_18 : i32 to vector<16xi32>
      %add3A_1319 = arith.addi %get3A_1317, %add3A_1318 : vector<16xi32>
      %swap3A_1320 = arith.constant 14 : i32
      %swap3A_1321 = arith.index_cast %swap3A_1320 : i32 to index
      %swap3A_1322 = arith.constant 96 : index
      %swap3A_1323 = tpu.vector_load %arg6[%swap3A_1321, %swap3A_1322] {strides = array<i32>} : memref<20x128xi32, #tpu.memory_space<vmem>>, vector<1x16xi32>,
      %swap3A_1324 = vector.shape_cast %swap3A_1323 : vector<1x16xi32> to vector<16xi32>
      %swap3A_1325 = vector.shape_cast %add3A_1319 : vector<16xi32> to vector<1x16xi32>
      tpu.vector_store %arg6[%swap3A_1321, %swap3A_1322], %swap3A_1325 {strides = array<i32>} : memref<20x128xi32, #tpu.memory_space<vmem>>, vector<1x16xi32>,
      %get3A_1326 = arith.constant 1904 : index
      %get3A_1327 = tpu.vector_load %arg5[%get3A_1326] {strides = array<i32>} : memref<2560xi32, #tpu.memory_space<vmem>>, vector<16xi32>,
      %get3A_1328 = vector.shape_cast %get3A_1327 : vector<16xi32> to vector<16xi32>
      %add3A_1329 = vector.broadcast %mul3A_18 : i32 to vector<16xi32>
      %add3A_1330 = arith.addi %get3A_1328, %add3A_1329 : vector<16xi32>
      %swap3A_1331 = arith.constant 14 : i32
      %swap3A_1332 = arith.index_cast %swap3A_1331 : i32 to index
      %swap3A_1333 = arith.constant 112 : index
      %swap3A_1334 = tpu.vector_load %arg6[%swap3A_1332, %swap3A_1333] {strides = array<i32>} : memref<20x128xi32, #tpu.memory_space<vmem>>, vector<1x16xi32>,
      %swap3A_1335 = vector.shape_cast %swap3A_1334 : vector<1x16xi32> to vector<16xi32>
      %swap3A_1336 = vector.shape_cast %add3A_1330 : vector<16xi32> to vector<1x16xi32>
      tpu.vector_store %arg6[%swap3A_1332, %swap3A_1333], %swap3A_1336 {strides = array<i32>} : memref<20x128xi32, #tpu.memory_space<vmem>>, vector<1x16xi32>,
      %get3A_1337 = arith.constant 1920 : index
      %get3A_1338 = tpu.vector_load %arg5[%get3A_1337] {strides = array<i32>} : memref<2560xi32, #tpu.memory_space<vmem>>, vector<16xi32>,
      %get3A_1339 = vector.shape_cast %get3A_1338 : vector<16xi32> to vector<16xi32>
      %add3A_1340 = vector.broadcast %mul3A_18 : i32 to vector<16xi32>
      %add3A_1341 = arith.addi %get3A_1339, %add3A_1340 : vector<16xi32>
      %swap3A_1342 = arith.constant 15 : i32
      %swap3A_1343 = arith.index_cast %swap3A_1342 : i32 to index
      %swap3A_1344 = arith.constant 0 : index
      %swap3A_1345 = tpu.vector_load %arg6[%swap3A_1343, %swap3A_1344] {strides = array<i32>} : memref<20x128xi32, #tpu.memory_space<vmem>>, vector<1x16xi32>,
      %swap3A_1346 = vector.shape_cast %swap3A_1345 : vector<1x16xi32> to vector<16xi32>
      %swap3A_1347 = vector.shape_cast %add3A_1341 : vector<16xi32> to vector<1x16xi32>
      tpu.vector_store %arg6[%swap3A_1343, %swap3A_1344], %swap3A_1347 {strides = array<i32>} : memref<20x128xi32, #tpu.memory_space<vmem>>, vector<1x16xi32>,
      %get3A_1348 = arith.constant 1936 : index
      %get3A_1349 = tpu.vector_load %arg5[%get3A_1348] {strides = array<i32>} : memref<2560xi32, #tpu.memory_space<vmem>>, vector<16xi32>,
      %get3A_1350 = vector.shape_cast %get3A_1349 : vector<16xi32> to vector<16xi32>
      %add3A_1351 = vector.broadcast %mul3A_18 : i32 to vector<16xi32>
      %add3A_1352 = arith.addi %get3A_1350, %add3A_1351 : vector<16xi32>
      %swap3A_1353 = arith.constant 15 : i32
      %swap3A_1354 = arith.index_cast %swap3A_1353 : i32 to index
      %swap3A_1355 = arith.constant 16 : index
      %swap3A_1356 = tpu.vector_load %arg6[%swap3A_1354, %swap3A_1355] {strides = array<i32>} : memref<20x128xi32, #tpu.memory_space<vmem>>, vector<1x16xi32>,
      %swap3A_1357 = vector.shape_cast %swap3A_1356 : vector<1x16xi32> to vector<16xi32>
      %swap3A_1358 = vector.shape_cast %add3A_1352 : vector<16xi32> to vector<1x16xi32>
      tpu.vector_store %arg6[%swap3A_1354, %swap3A_1355], %swap3A_1358 {strides = array<i32>} : memref<20x128xi32, #tpu.memory_space<vmem>>, vector<1x16xi32>,
      %get3A_1359 = arith.constant 1952 : index
      %get3A_1360 = tpu.vector_load %arg5[%get3A_1359] {strides = array<i32>} : memref<2560xi32, #tpu.memory_space<vmem>>, vector<16xi32>,
      %get3A_1361 = vector.shape_cast %get3A_1360 : vector<16xi32> to vector<16xi32>
      %add3A_1362 = vector.broadcast %mul3A_18 : i32 to vector<16xi32>
      %add3A_1363 = arith.addi %get3A_1361, %add3A_1362 : vector<16xi32>
      %swap3A_1364 = arith.constant 15 : i32
      %swap3A_1365 = arith.index_cast %swap3A_1364 : i32 to index
      %swap3A_1366 = arith.constant 32 : index
      %swap3A_1367 = tpu.vector_load %arg6[%swap3A_1365, %swap3A_1366] {strides = array<i32>} : memref<20x128xi32, #tpu.memory_space<vmem>>, vector<1x16xi32>,
      %swap3A_1368 = vector.shape_cast %swap3A_1367 : vector<1x16xi32> to vector<16xi32>
      %swap3A_1369 = vector.shape_cast %add3A_1363 : vector<16xi32> to vector<1x16xi32>
      tpu.vector_store %arg6[%swap3A_1365, %swap3A_1366], %swap3A_1369 {strides = array<i32>} : memref<20x128xi32, #tpu.memory_space<vmem>>, vector<1x16xi32>,
      %get3A_1370 = arith.constant 1968 : index
      %get3A_1371 = tpu.vector_load %arg5[%get3A_1370] {strides = array<i32>} : memref<2560xi32, #tpu.memory_space<vmem>>, vector<16xi32>,
      %get3A_1372 = vector.shape_cast %get3A_1371 : vector<16xi32> to vector<16xi32>
      %add3A_1373 = vector.broadcast %mul3A_18 : i32 to vector<16xi32>
      %add3A_1374 = arith.addi %get3A_1372, %add3A_1373 : vector<16xi32>
      %swap3A_1375 = arith.constant 15 : i32
      %swap3A_1376 = arith.index_cast %swap3A_1375 : i32 to index
      %swap3A_1377 = arith.constant 48 : index
      %swap3A_1378 = tpu.vector_load %arg6[%swap3A_1376, %swap3A_1377] {strides = array<i32>} : memref<20x128xi32, #tpu.memory_space<vmem>>, vector<1x16xi32>,
      %swap3A_1379 = vector.shape_cast %swap3A_1378 : vector<1x16xi32> to vector<16xi32>
      %swap3A_1380 = vector.shape_cast %add3A_1374 : vector<16xi32> to vector<1x16xi32>
      tpu.vector_store %arg6[%swap3A_1376, %swap3A_1377], %swap3A_1380 {strides = array<i32>} : memref<20x128xi32, #tpu.memory_space<vmem>>, vector<1x16xi32>,
      %get3A_1381 = arith.constant 1984 : index
      %get3A_1382 = tpu.vector_load %arg5[%get3A_1381] {strides = array<i32>} : memref<2560xi32, #tpu.memory_space<vmem>>, vector<16xi32>,
      %get3A_1383 = vector.shape_cast %get3A_1382 : vector<16xi32> to vector<16xi32>
      %add3A_1384 = vector.broadcast %mul3A_18 : i32 to vector<16xi32>
      %add3A_1385 = arith.addi %get3A_1383, %add3A_1384 : vector<16xi32>
      %swap3A_1386 = arith.constant 15 : i32
      %swap3A_1387 = arith.index_cast %swap3A_1386 : i32 to index
      %swap3A_1388 = arith.constant 64 : index
      %swap3A_1389 = tpu.vector_load %arg6[%swap3A_1387, %swap3A_1388] {strides = array<i32>} : memref<20x128xi32, #tpu.memory_space<vmem>>, vector<1x16xi32>,
      %swap3A_1390 = vector.shape_cast %swap3A_1389 : vector<1x16xi32> to vector<16xi32>
      %swap3A_1391 = vector.shape_cast %add3A_1385 : vector<16xi32> to vector<1x16xi32>
      tpu.vector_store %arg6[%swap3A_1387, %swap3A_1388], %swap3A_1391 {strides = array<i32>} : memref<20x128xi32, #tpu.memory_space<vmem>>, vector<1x16xi32>,
      %get3A_1392 = arith.constant 2000 : index
      %get3A_1393 = tpu.vector_load %arg5[%get3A_1392] {strides = array<i32>} : memref<2560xi32, #tpu.memory_space<vmem>>, vector<16xi32>,
      %get3A_1394 = vector.shape_cast %get3A_1393 : vector<16xi32> to vector<16xi32>
      %add3A_1395 = vector.broadcast %mul3A_18 : i32 to vector<16xi32>
      %add3A_1396 = arith.addi %get3A_1394, %add3A_1395 : vector<16xi32>
      %swap3A_1397 = arith.constant 15 : i32
      %swap3A_1398 = arith.index_cast %swap3A_1397 : i32 to index
      %swap3A_1399 = arith.constant 80 : index
      %swap3A_1400 = tpu.vector_load %arg6[%swap3A_1398, %swap3A_1399] {strides = array<i32>} : memref<20x128xi32, #tpu.memory_space<vmem>>, vector<1x16xi32>,
      %swap3A_1401 = vector.shape_cast %swap3A_1400 : vector<1x16xi32> to vector<16xi32>
      %swap3A_1402 = vector.shape_cast %add3A_1396 : vector<16xi32> to vector<1x16xi32>
      tpu.vector_store %arg6[%swap3A_1398, %swap3A_1399], %swap3A_1402 {strides = array<i32>} : memref<20x128xi32, #tpu.memory_space<vmem>>, vector<1x16xi32>,
      %get3A_1403 = arith.constant 2016 : index
      %get3A_1404 = tpu.vector_load %arg5[%get3A_1403] {strides = array<i32>} : memref<2560xi32, #tpu.memory_space<vmem>>, vector<16xi32>,
      %get3A_1405 = vector.shape_cast %get3A_1404 : vector<16xi32> to vector<16xi32>
      %add3A_1406 = vector.broadcast %mul3A_18 : i32 to vector<16xi32>
      %add3A_1407 = arith.addi %get3A_1405, %add3A_1406 : vector<16xi32>
      %swap3A_1408 = arith.constant 15 : i32
      %swap3A_1409 = arith.index_cast %swap3A_1408 : i32 to index
      %swap3A_1410 = arith.constant 96 : index
      %swap3A_1411 = tpu.vector_load %arg6[%swap3A_1409, %swap3A_1410] {strides = array<i32>} : memref<20x128xi32, #tpu.memory_space<vmem>>, vector<1x16xi32>,
      %swap3A_1412 = vector.shape_cast %swap3A_1411 : vector<1x16xi32> to vector<16xi32>
      %swap3A_1413 = vector.shape_cast %add3A_1407 : vector<16xi32> to vector<1x16xi32>
      tpu.vector_store %arg6[%swap3A_1409, %swap3A_1410], %swap3A_1413 {strides = array<i32>} : memref<20x128xi32, #tpu.memory_space<vmem>>, vector<1x16xi32>,
      %get3A_1414 = arith.constant 2032 : index
      %get3A_1415 = tpu.vector_load %arg5[%get3A_1414] {strides = array<i32>} : memref<2560xi32, #tpu.memory_space<vmem>>, vector<16xi32>,
      %get3A_1416 = vector.shape_cast %get3A_1415 : vector<16xi32> to vector<16xi32>
      %add3A_1417 = vector.broadcast %mul3A_18 : i32 to vector<16xi32>
      %add3A_1418 = arith.addi %get3A_1416, %add3A_1417 : vector<16xi32>
      %swap3A_1419 = arith.constant 15 : i32
      %swap3A_1420 = arith.index_cast %swap3A_1419 : i32 to index
      %swap3A_1421 = arith.constant 112 : index
      %swap3A_1422 = tpu.vector_load %arg6[%swap3A_1420, %swap3A_1421] {strides = array<i32>} : memref<20x128xi32, #tpu.memory_space<vmem>>, vector<1x16xi32>,
      %swap3A_1423 = vector.shape_cast %swap3A_1422 : vector<1x16xi32> to vector<16xi32>
      %swap3A_1424 = vector.shape_cast %add3A_1418 : vector<16xi32> to vector<1x16xi32>
      tpu.vector_store %arg6[%swap3A_1420, %swap3A_1421], %swap3A_1424 {strides = array<i32>} : memref<20x128xi32, #tpu.memory_space<vmem>>, vector<1x16xi32>,
      %get3A_1425 = arith.constant 2048 : index
      %get3A_1426 = tpu.vector_load %arg5[%get3A_1425] {strides = array<i32>} : memref<2560xi32, #tpu.memory_space<vmem>>, vector<16xi32>,
      %get3A_1427 = vector.shape_cast %get3A_1426 : vector<16xi32> to vector<16xi32>
      %add3A_1428 = vector.broadcast %mul3A_18 : i32 to vector<16xi32>
      %add3A_1429 = arith.addi %get3A_1427, %add3A_1428 : vector<16xi32>
      %swap3A_1430 = arith.constant 16 : i32
      %swap3A_1431 = arith.index_cast %swap3A_1430 : i32 to index
      %swap3A_1432 = arith.constant 0 : index
      %swap3A_1433 = tpu.vector_load %arg6[%swap3A_1431, %swap3A_1432] {strides = array<i32>} : memref<20x128xi32, #tpu.memory_space<vmem>>, vector<1x16xi32>,
      %swap3A_1434 = vector.shape_cast %swap3A_1433 : vector<1x16xi32> to vector<16xi32>
      %swap3A_1435 = vector.shape_cast %add3A_1429 : vector<16xi32> to vector<1x16xi32>
      tpu.vector_store %arg6[%swap3A_1431, %swap3A_1432], %swap3A_1435 {strides = array<i32>} : memref<20x128xi32, #tpu.memory_space<vmem>>, vector<1x16xi32>,
      %get3A_1436 = arith.constant 2064 : index
      %get3A_1437 = tpu.vector_load %arg5[%get3A_1436] {strides = array<i32>} : memref<2560xi32, #tpu.memory_space<vmem>>, vector<16xi32>,
      %get3A_1438 = vector.shape_cast %get3A_1437 : vector<16xi32> to vector<16xi32>
      %add3A_1439 = vector.broadcast %mul3A_18 : i32 to vector<16xi32>
      %add3A_1440 = arith.addi %get3A_1438, %add3A_1439 : vector<16xi32>
      %swap3A_1441 = arith.constant 16 : i32
      %swap3A_1442 = arith.index_cast %swap3A_1441 : i32 to index
      %swap3A_1443 = arith.constant 16 : index
      %swap3A_1444 = tpu.vector_load %arg6[%swap3A_1442, %swap3A_1443] {strides = array<i32>} : memref<20x128xi32, #tpu.memory_space<vmem>>, vector<1x16xi32>,
      %swap3A_1445 = vector.shape_cast %swap3A_1444 : vector<1x16xi32> to vector<16xi32>
      %swap3A_1446 = vector.shape_cast %add3A_1440 : vector<16xi32> to vector<1x16xi32>
      tpu.vector_store %arg6[%swap3A_1442, %swap3A_1443], %swap3A_1446 {strides = array<i32>} : memref<20x128xi32, #tpu.memory_space<vmem>>, vector<1x16xi32>,
      %get3A_1447 = arith.constant 2080 : index
      %get3A_1448 = tpu.vector_load %arg5[%get3A_1447] {strides = array<i32>} : memref<2560xi32, #tpu.memory_space<vmem>>, vector<16xi32>,
      %get3A_1449 = vector.shape_cast %get3A_1448 : vector<16xi32> to vector<16xi32>
      %add3A_1450 = vector.broadcast %mul3A_18 : i32 to vector<16xi32>
      %add3A_1451 = arith.addi %get3A_1449, %add3A_1450 : vector<16xi32>
      %swap3A_1452 = arith.constant 16 : i32
      %swap3A_1453 = arith.index_cast %swap3A_1452 : i32 to index
      %swap3A_1454 = arith.constant 32 : index
      %swap3A_1455 = tpu.vector_load %arg6[%swap3A_1453, %swap3A_1454] {strides = array<i32>} : memref<20x128xi32, #tpu.memory_space<vmem>>, vector<1x16xi32>,
      %swap3A_1456 = vector.shape_cast %swap3A_1455 : vector<1x16xi32> to vector<16xi32>
      %swap3A_1457 = vector.shape_cast %add3A_1451 : vector<16xi32> to vector<1x16xi32>
      tpu.vector_store %arg6[%swap3A_1453, %swap3A_1454], %swap3A_1457 {strides = array<i32>} : memref<20x128xi32, #tpu.memory_space<vmem>>, vector<1x16xi32>,
      %get3A_1458 = arith.constant 2096 : index
      %get3A_1459 = tpu.vector_load %arg5[%get3A_1458] {strides = array<i32>} : memref<2560xi32, #tpu.memory_space<vmem>>, vector<16xi32>,
      %get3A_1460 = vector.shape_cast %get3A_1459 : vector<16xi32> to vector<16xi32>
      %add3A_1461 = vector.broadcast %mul3A_18 : i32 to vector<16xi32>
      %add3A_1462 = arith.addi %get3A_1460, %add3A_1461 : vector<16xi32>
      %swap3A_1463 = arith.constant 16 : i32
      %swap3A_1464 = arith.index_cast %swap3A_1463 : i32 to index
      %swap3A_1465 = arith.constant 48 : index
      %swap3A_1466 = tpu.vector_load %arg6[%swap3A_1464, %swap3A_1465] {strides = array<i32>} : memref<20x128xi32, #tpu.memory_space<vmem>>, vector<1x16xi32>,
      %swap3A_1467 = vector.shape_cast %swap3A_1466 : vector<1x16xi32> to vector<16xi32>
      %swap3A_1468 = vector.shape_cast %add3A_1462 : vector<16xi32> to vector<1x16xi32>
      tpu.vector_store %arg6[%swap3A_1464, %swap3A_1465], %swap3A_1468 {strides = array<i32>} : memref<20x128xi32, #tpu.memory_space<vmem>>, vector<1x16xi32>,
      %get3A_1469 = arith.constant 2112 : index
      %get3A_1470 = tpu.vector_load %arg5[%get3A_1469] {strides = array<i32>} : memref<2560xi32, #tpu.memory_space<vmem>>, vector<16xi32>,
      %get3A_1471 = vector.shape_cast %get3A_1470 : vector<16xi32> to vector<16xi32>
      %add3A_1472 = vector.broadcast %mul3A_18 : i32 to vector<16xi32>
      %add3A_1473 = arith.addi %get3A_1471, %add3A_1472 : vector<16xi32>
      %swap3A_1474 = arith.constant 16 : i32
      %swap3A_1475 = arith.index_cast %swap3A_1474 : i32 to index
      %swap3A_1476 = arith.constant 64 : index
      %swap3A_1477 = tpu.vector_load %arg6[%swap3A_1475, %swap3A_1476] {strides = array<i32>} : memref<20x128xi32, #tpu.memory_space<vmem>>, vector<1x16xi32>,
      %swap3A_1478 = vector.shape_cast %swap3A_1477 : vector<1x16xi32> to vector<16xi32>
      %swap3A_1479 = vector.shape_cast %add3A_1473 : vector<16xi32> to vector<1x16xi32>
      tpu.vector_store %arg6[%swap3A_1475, %swap3A_1476], %swap3A_1479 {strides = array<i32>} : memref<20x128xi32, #tpu.memory_space<vmem>>, vector<1x16xi32>,
      %get3A_1480 = arith.constant 2128 : index
      %get3A_1481 = tpu.vector_load %arg5[%get3A_1480] {strides = array<i32>} : memref<2560xi32, #tpu.memory_space<vmem>>, vector<16xi32>,
      %get3A_1482 = vector.shape_cast %get3A_1481 : vector<16xi32> to vector<16xi32>
      %add3A_1483 = vector.broadcast %mul3A_18 : i32 to vector<16xi32>
      %add3A_1484 = arith.addi %get3A_1482, %add3A_1483 : vector<16xi32>
      %swap3A_1485 = arith.constant 16 : i32
      %swap3A_1486 = arith.index_cast %swap3A_1485 : i32 to index
      %swap3A_1487 = arith.constant 80 : index
      %swap3A_1488 = tpu.vector_load %arg6[%swap3A_1486, %swap3A_1487] {strides = array<i32>} : memref<20x128xi32, #tpu.memory_space<vmem>>, vector<1x16xi32>,
      %swap3A_1489 = vector.shape_cast %swap3A_1488 : vector<1x16xi32> to vector<16xi32>
      %swap3A_1490 = vector.shape_cast %add3A_1484 : vector<16xi32> to vector<1x16xi32>
      tpu.vector_store %arg6[%swap3A_1486, %swap3A_1487], %swap3A_1490 {strides = array<i32>} : memref<20x128xi32, #tpu.memory_space<vmem>>, vector<1x16xi32>,
      %get3A_1491 = arith.constant 2144 : index
      %get3A_1492 = tpu.vector_load %arg5[%get3A_1491] {strides = array<i32>} : memref<2560xi32, #tpu.memory_space<vmem>>, vector<16xi32>,
      %get3A_1493 = vector.shape_cast %get3A_1492 : vector<16xi32> to vector<16xi32>
      %add3A_1494 = vector.broadcast %mul3A_18 : i32 to vector<16xi32>
      %add3A_1495 = arith.addi %get3A_1493, %add3A_1494 : vector<16xi32>
      %swap3A_1496 = arith.constant 16 : i32
      %swap3A_1497 = arith.index_cast %swap3A_1496 : i32 to index
      %swap3A_1498 = arith.constant 96 : index
      %swap3A_1499 = tpu.vector_load %arg6[%swap3A_1497, %swap3A_1498] {strides = array<i32>} : memref<20x128xi32, #tpu.memory_space<vmem>>, vector<1x16xi32>,
      %swap3A_1500 = vector.shape_cast %swap3A_1499 : vector<1x16xi32> to vector<16xi32>
      %swap3A_1501 = vector.shape_cast %add3A_1495 : vector<16xi32> to vector<1x16xi32>
      tpu.vector_store %arg6[%swap3A_1497, %swap3A_1498], %swap3A_1501 {strides = array<i32>} : memref<20x128xi32, #tpu.memory_space<vmem>>, vector<1x16xi32>,
      %get3A_1502 = arith.constant 2160 : index
      %get3A_1503 = tpu.vector_load %arg5[%get3A_1502] {strides = array<i32>} : memref<2560xi32, #tpu.memory_space<vmem>>, vector<16xi32>,
      %get3A_1504 = vector.shape_cast %get3A_1503 : vector<16xi32> to vector<16xi32>
      %add3A_1505 = vector.broadcast %mul3A_18 : i32 to vector<16xi32>
      %add3A_1506 = arith.addi %get3A_1504, %add3A_1505 : vector<16xi32>
      %swap3A_1507 = arith.constant 16 : i32
      %swap3A_1508 = arith.index_cast %swap3A_1507 : i32 to index
      %swap3A_1509 = arith.constant 112 : index
      %swap3A_1510 = tpu.vector_load %arg6[%swap3A_1508, %swap3A_1509] {strides = array<i32>} : memref<20x128xi32, #tpu.memory_space<vmem>>, vector<1x16xi32>,
      %swap3A_1511 = vector.shape_cast %swap3A_1510 : vector<1x16xi32> to vector<16xi32>
      %swap3A_1512 = vector.shape_cast %add3A_1506 : vector<16xi32> to vector<1x16xi32>
      tpu.vector_store %arg6[%swap3A_1508, %swap3A_1509], %swap3A_1512 {strides = array<i32>} : memref<20x128xi32, #tpu.memory_space<vmem>>, vector<1x16xi32>,
      %get3A_1513 = arith.constant 2176 : index
      %get3A_1514 = tpu.vector_load %arg5[%get3A_1513] {strides = array<i32>} : memref<2560xi32, #tpu.memory_space<vmem>>, vector<16xi32>,
      %get3A_1515 = vector.shape_cast %get3A_1514 : vector<16xi32> to vector<16xi32>
      %add3A_1516 = vector.broadcast %mul3A_18 : i32 to vector<16xi32>
      %add3A_1517 = arith.addi %get3A_1515, %add3A_1516 : vector<16xi32>
      %swap3A_1518 = arith.constant 17 : i32
      %swap3A_1519 = arith.index_cast %swap3A_1518 : i32 to index
      %swap3A_1520 = arith.constant 0 : index
      %swap3A_1521 = tpu.vector_load %arg6[%swap3A_1519, %swap3A_1520] {strides = array<i32>} : memref<20x128xi32, #tpu.memory_space<vmem>>, vector<1x16xi32>,
      %swap3A_1522 = vector.shape_cast %swap3A_1521 : vector<1x16xi32> to vector<16xi32>
      %swap3A_1523 = vector.shape_cast %add3A_1517 : vector<16xi32> to vector<1x16xi32>
      tpu.vector_store %arg6[%swap3A_1519, %swap3A_1520], %swap3A_1523 {strides = array<i32>} : memref<20x128xi32, #tpu.memory_space<vmem>>, vector<1x16xi32>,
      %get3A_1524 = arith.constant 2192 : index
      %get3A_1525 = tpu.vector_load %arg5[%get3A_1524] {strides = array<i32>} : memref<2560xi32, #tpu.memory_space<vmem>>, vector<16xi32>,
      %get3A_1526 = vector.shape_cast %get3A_1525 : vector<16xi32> to vector<16xi32>
      %add3A_1527 = vector.broadcast %mul3A_18 : i32 to vector<16xi32>
      %add3A_1528 = arith.addi %get3A_1526, %add3A_1527 : vector<16xi32>
      %swap3A_1529 = arith.constant 17 : i32
      %swap3A_1530 = arith.index_cast %swap3A_1529 : i32 to index
      %swap3A_1531 = arith.constant 16 : index
      %swap3A_1532 = tpu.vector_load %arg6[%swap3A_1530, %swap3A_1531] {strides = array<i32>} : memref<20x128xi32, #tpu.memory_space<vmem>>, vector<1x16xi32>,
      %swap3A_1533 = vector.shape_cast %swap3A_1532 : vector<1x16xi32> to vector<16xi32>
      %swap3A_1534 = vector.shape_cast %add3A_1528 : vector<16xi32> to vector<1x16xi32>
      tpu.vector_store %arg6[%swap3A_1530, %swap3A_1531], %swap3A_1534 {strides = array<i32>} : memref<20x128xi32, #tpu.memory_space<vmem>>, vector<1x16xi32>,
      %get3A_1535 = arith.constant 2208 : index
      %get3A_1536 = tpu.vector_load %arg5[%get3A_1535] {strides = array<i32>} : memref<2560xi32, #tpu.memory_space<vmem>>, vector<16xi32>,
      %get3A_1537 = vector.shape_cast %get3A_1536 : vector<16xi32> to vector<16xi32>
      %add3A_1538 = vector.broadcast %mul3A_18 : i32 to vector<16xi32>
      %add3A_1539 = arith.addi %get3A_1537, %add3A_1538 : vector<16xi32>
      %swap3A_1540 = arith.constant 17 : i32
      %swap3A_1541 = arith.index_cast %swap3A_1540 : i32 to index
      %swap3A_1542 = arith.constant 32 : index
      %swap3A_1543 = tpu.vector_load %arg6[%swap3A_1541, %swap3A_1542] {strides = array<i32>} : memref<20x128xi32, #tpu.memory_space<vmem>>, vector<1x16xi32>,
      %swap3A_1544 = vector.shape_cast %swap3A_1543 : vector<1x16xi32> to vector<16xi32>
      %swap3A_1545 = vector.shape_cast %add3A_1539 : vector<16xi32> to vector<1x16xi32>
      tpu.vector_store %arg6[%swap3A_1541, %swap3A_1542], %swap3A_1545 {strides = array<i32>} : memref<20x128xi32, #tpu.memory_space<vmem>>, vector<1x16xi32>,
      %get3A_1546 = arith.constant 2224 : index
      %get3A_1547 = tpu.vector_load %arg5[%get3A_1546] {strides = array<i32>} : memref<2560xi32, #tpu.memory_space<vmem>>, vector<16xi32>,
      %get3A_1548 = vector.shape_cast %get3A_1547 : vector<16xi32> to vector<16xi32>
      %add3A_1549 = vector.broadcast %mul3A_18 : i32 to vector<16xi32>
      %add3A_1550 = arith.addi %get3A_1548, %add3A_1549 : vector<16xi32>
      %swap3A_1551 = arith.constant 17 : i32
      %swap3A_1552 = arith.index_cast %swap3A_1551 : i32 to index
      %swap3A_1553 = arith.constant 48 : index
      %swap3A_1554 = tpu.vector_load %arg6[%swap3A_1552, %swap3A_1553] {strides = array<i32>} : memref<20x128xi32, #tpu.memory_space<vmem>>, vector<1x16xi32>,
      %swap3A_1555 = vector.shape_cast %swap3A_1554 : vector<1x16xi32> to vector<16xi32>
      %swap3A_1556 = vector.shape_cast %add3A_1550 : vector<16xi32> to vector<1x16xi32>
      tpu.vector_store %arg6[%swap3A_1552, %swap3A_1553], %swap3A_1556 {strides = array<i32>} : memref<20x128xi32, #tpu.memory_space<vmem>>, vector<1x16xi32>,
      %get3A_1557 = arith.constant 2240 : index
      %get3A_1558 = tpu.vector_load %arg5[%get3A_1557] {strides = array<i32>} : memref<2560xi32, #tpu.memory_space<vmem>>, vector<16xi32>,
      %get3A_1559 = vector.shape_cast %get3A_1558 : vector<16xi32> to vector<16xi32>
      %add3A_1560 = vector.broadcast %mul3A_18 : i32 to vector<16xi32>
      %add3A_1561 = arith.addi %get3A_1559, %add3A_1560 : vector<16xi32>
      %swap3A_1562 = arith.constant 17 : i32
      %swap3A_1563 = arith.index_cast %swap3A_1562 : i32 to index
      %swap3A_1564 = arith.constant 64 : index
      %swap3A_1565 = tpu.vector_load %arg6[%swap3A_1563, %swap3A_1564] {strides = array<i32>} : memref<20x128xi32, #tpu.memory_space<vmem>>, vector<1x16xi32>,
      %swap3A_1566 = vector.shape_cast %swap3A_1565 : vector<1x16xi32> to vector<16xi32>
      %swap3A_1567 = vector.shape_cast %add3A_1561 : vector<16xi32> to vector<1x16xi32>
      tpu.vector_store %arg6[%swap3A_1563, %swap3A_1564], %swap3A_1567 {strides = array<i32>} : memref<20x128xi32, #tpu.memory_space<vmem>>, vector<1x16xi32>,
      %get3A_1568 = arith.constant 2256 : index
      %get3A_1569 = tpu.vector_load %arg5[%get3A_1568] {strides = array<i32>} : memref<2560xi32, #tpu.memory_space<vmem>>, vector<16xi32>,
      %get3A_1570 = vector.shape_cast %get3A_1569 : vector<16xi32> to vector<16xi32>
      %add3A_1571 = vector.broadcast %mul3A_18 : i32 to vector<16xi32>
      %add3A_1572 = arith.addi %get3A_1570, %add3A_1571 : vector<16xi32>
      %swap3A_1573 = arith.constant 17 : i32
      %swap3A_1574 = arith.index_cast %swap3A_1573 : i32 to index
      %swap3A_1575 = arith.constant 80 : index
      %swap3A_1576 = tpu.vector_load %arg6[%swap3A_1574, %swap3A_1575] {strides = array<i32>} : memref<20x128xi32, #tpu.memory_space<vmem>>, vector<1x16xi32>,
      %swap3A_1577 = vector.shape_cast %swap3A_1576 : vector<1x16xi32> to vector<16xi32>
      %swap3A_1578 = vector.shape_cast %add3A_1572 : vector<16xi32> to vector<1x16xi32>
      tpu.vector_store %arg6[%swap3A_1574, %swap3A_1575], %swap3A_1578 {strides = array<i32>} : memref<20x128xi32, #tpu.memory_space<vmem>>, vector<1x16xi32>,
      %get3A_1579 = arith.constant 2272 : index
      %get3A_1580 = tpu.vector_load %arg5[%get3A_1579] {strides = array<i32>} : memref<2560xi32, #tpu.memory_space<vmem>>, vector<16xi32>,
      %get3A_1581 = vector.shape_cast %get3A_1580 : vector<16xi32> to vector<16xi32>
      %add3A_1582 = vector.broadcast %mul3A_18 : i32 to vector<16xi32>
      %add3A_1583 = arith.addi %get3A_1581, %add3A_1582 : vector<16xi32>
      %swap3A_1584 = arith.constant 17 : i32
      %swap3A_1585 = arith.index_cast %swap3A_1584 : i32 to index
      %swap3A_1586 = arith.constant 96 : index
      %swap3A_1587 = tpu.vector_load %arg6[%swap3A_1585, %swap3A_1586] {strides = array<i32>} : memref<20x128xi32, #tpu.memory_space<vmem>>, vector<1x16xi32>,
      %swap3A_1588 = vector.shape_cast %swap3A_1587 : vector<1x16xi32> to vector<16xi32>
      %swap3A_1589 = vector.shape_cast %add3A_1583 : vector<16xi32> to vector<1x16xi32>
      tpu.vector_store %arg6[%swap3A_1585, %swap3A_1586], %swap3A_1589 {strides = array<i32>} : memref<20x128xi32, #tpu.memory_space<vmem>>, vector<1x16xi32>,
      %get3A_1590 = arith.constant 2288 : index
      %get3A_1591 = tpu.vector_load %arg5[%get3A_1590] {strides = array<i32>} : memref<2560xi32, #tpu.memory_space<vmem>>, vector<16xi32>,
      %get3A_1592 = vector.shape_cast %get3A_1591 : vector<16xi32> to vector<16xi32>
      %add3A_1593 = vector.broadcast %mul3A_18 : i32 to vector<16xi32>
      %add3A_1594 = arith.addi %get3A_1592, %add3A_1593 : vector<16xi32>
      %swap3A_1595 = arith.constant 17 : i32
      %swap3A_1596 = arith.index_cast %swap3A_1595 : i32 to index
      %swap3A_1597 = arith.constant 112 : index
      %swap3A_1598 = tpu.vector_load %arg6[%swap3A_1596, %swap3A_1597] {strides = array<i32>} : memref<20x128xi32, #tpu.memory_space<vmem>>, vector<1x16xi32>,
      %swap3A_1599 = vector.shape_cast %swap3A_1598 : vector<1x16xi32> to vector<16xi32>
      %swap3A_1600 = vector.shape_cast %add3A_1594 : vector<16xi32> to vector<1x16xi32>
      tpu.vector_store %arg6[%swap3A_1596, %swap3A_1597], %swap3A_1600 {strides = array<i32>} : memref<20x128xi32, #tpu.memory_space<vmem>>, vector<1x16xi32>,
      %get3A_1601 = arith.constant 2304 : index
      %get3A_1602 = tpu.vector_load %arg5[%get3A_1601] {strides = array<i32>} : memref<2560xi32, #tpu.memory_space<vmem>>, vector<16xi32>,
      %get3A_1603 = vector.shape_cast %get3A_1602 : vector<16xi32> to vector<16xi32>
      %add3A_1604 = vector.broadcast %mul3A_18 : i32 to vector<16xi32>
      %add3A_1605 = arith.addi %get3A_1603, %add3A_1604 : vector<16xi32>
      %swap3A_1606 = arith.constant 18 : i32
      %swap3A_1607 = arith.index_cast %swap3A_1606 : i32 to index
      %swap3A_1608 = arith.constant 0 : index
      %swap3A_1609 = tpu.vector_load %arg6[%swap3A_1607, %swap3A_1608] {strides = array<i32>} : memref<20x128xi32, #tpu.memory_space<vmem>>, vector<1x16xi32>,
      %swap3A_1610 = vector.shape_cast %swap3A_1609 : vector<1x16xi32> to vector<16xi32>
      %swap3A_1611 = vector.shape_cast %add3A_1605 : vector<16xi32> to vector<1x16xi32>
      tpu.vector_store %arg6[%swap3A_1607, %swap3A_1608], %swap3A_1611 {strides = array<i32>} : memref<20x128xi32, #tpu.memory_space<vmem>>, vector<1x16xi32>,
      %get3A_1612 = arith.constant 2320 : index
      %get3A_1613 = tpu.vector_load %arg5[%get3A_1612] {strides = array<i32>} : memref<2560xi32, #tpu.memory_space<vmem>>, vector<16xi32>,
      %get3A_1614 = vector.shape_cast %get3A_1613 : vector<16xi32> to vector<16xi32>
      %add3A_1615 = vector.broadcast %mul3A_18 : i32 to vector<16xi32>
      %add3A_1616 = arith.addi %get3A_1614, %add3A_1615 : vector<16xi32>
      %swap3A_1617 = arith.constant 18 : i32
      %swap3A_1618 = arith.index_cast %swap3A_1617 : i32 to index
      %swap3A_1619 = arith.constant 16 : index
      %swap3A_1620 = tpu.vector_load %arg6[%swap3A_1618, %swap3A_1619] {strides = array<i32>} : memref<20x128xi32, #tpu.memory_space<vmem>>, vector<1x16xi32>,
      %swap3A_1621 = vector.shape_cast %swap3A_1620 : vector<1x16xi32> to vector<16xi32>
      %swap3A_1622 = vector.shape_cast %add3A_1616 : vector<16xi32> to vector<1x16xi32>
      tpu.vector_store %arg6[%swap3A_1618, %swap3A_1619], %swap3A_1622 {strides = array<i32>} : memref<20x128xi32, #tpu.memory_space<vmem>>, vector<1x16xi32>,
      %get3A_1623 = arith.constant 2336 : index
      %get3A_1624 = tpu.vector_load %arg5[%get3A_1623] {strides = array<i32>} : memref<2560xi32, #tpu.memory_space<vmem>>, vector<16xi32>,
      %get3A_1625 = vector.shape_cast %get3A_1624 : vector<16xi32> to vector<16xi32>
      %add3A_1626 = vector.broadcast %mul3A_18 : i32 to vector<16xi32>
      %add3A_1627 = arith.addi %get3A_1625, %add3A_1626 : vector<16xi32>
      %swap3A_1628 = arith.constant 18 : i32
      %swap3A_1629 = arith.index_cast %swap3A_1628 : i32 to index
      %swap3A_1630 = arith.constant 32 : index
      %swap3A_1631 = tpu.vector_load %arg6[%swap3A_1629, %swap3A_1630] {strides = array<i32>} : memref<20x128xi32, #tpu.memory_space<vmem>>, vector<1x16xi32>,
      %swap3A_1632 = vector.shape_cast %swap3A_1631 : vector<1x16xi32> to vector<16xi32>
      %swap3A_1633 = vector.shape_cast %add3A_1627 : vector<16xi32> to vector<1x16xi32>
      tpu.vector_store %arg6[%swap3A_1629, %swap3A_1630], %swap3A_1633 {strides = array<i32>} : memref<20x128xi32, #tpu.memory_space<vmem>>, vector<1x16xi32>,
      %get3A_1634 = arith.constant 2352 : index
      %get3A_1635 = tpu.vector_load %arg5[%get3A_1634] {strides = array<i32>} : memref<2560xi32, #tpu.memory_space<vmem>>, vector<16xi32>,
      %get3A_1636 = vector.shape_cast %get3A_1635 : vector<16xi32> to vector<16xi32>
      %add3A_1637 = vector.broadcast %mul3A_18 : i32 to vector<16xi32>
      %add3A_1638 = arith.addi %get3A_1636, %add3A_1637 : vector<16xi32>
      %swap3A_1639 = arith.constant 18 : i32
      %swap3A_1640 = arith.index_cast %swap3A_1639 : i32 to index
      %swap3A_1641 = arith.constant 48 : index
      %swap3A_1642 = tpu.vector_load %arg6[%swap3A_1640, %swap3A_1641] {strides = array<i32>} : memref<20x128xi32, #tpu.memory_space<vmem>>, vector<1x16xi32>,
      %swap3A_1643 = vector.shape_cast %swap3A_1642 : vector<1x16xi32> to vector<16xi32>
      %swap3A_1644 = vector.shape_cast %add3A_1638 : vector<16xi32> to vector<1x16xi32>
      tpu.vector_store %arg6[%swap3A_1640, %swap3A_1641], %swap3A_1644 {strides = array<i32>} : memref<20x128xi32, #tpu.memory_space<vmem>>, vector<1x16xi32>,
      %get3A_1645 = arith.constant 2368 : index
      %get3A_1646 = tpu.vector_load %arg5[%get3A_1645] {strides = array<i32>} : memref<2560xi32, #tpu.memory_space<vmem>>, vector<16xi32>,
      %get3A_1647 = vector.shape_cast %get3A_1646 : vector<16xi32> to vector<16xi32>
      %add3A_1648 = vector.broadcast %mul3A_18 : i32 to vector<16xi32>
      %add3A_1649 = arith.addi %get3A_1647, %add3A_1648 : vector<16xi32>
      %swap3A_1650 = arith.constant 18 : i32
      %swap3A_1651 = arith.index_cast %swap3A_1650 : i32 to index
      %swap3A_1652 = arith.constant 64 : index
      %swap3A_1653 = tpu.vector_load %arg6[%swap3A_1651, %swap3A_1652] {strides = array<i32>} : memref<20x128xi32, #tpu.memory_space<vmem>>, vector<1x16xi32>,
      %swap3A_1654 = vector.shape_cast %swap3A_1653 : vector<1x16xi32> to vector<16xi32>
      %swap3A_1655 = vector.shape_cast %add3A_1649 : vector<16xi32> to vector<1x16xi32>
      tpu.vector_store %arg6[%swap3A_1651, %swap3A_1652], %swap3A_1655 {strides = array<i32>} : memref<20x128xi32, #tpu.memory_space<vmem>>, vector<1x16xi32>,
      %get3A_1656 = arith.constant 2384 : index
      %get3A_1657 = tpu.vector_load %arg5[%get3A_1656] {strides = array<i32>} : memref<2560xi32, #tpu.memory_space<vmem>>, vector<16xi32>,
      %get3A_1658 = vector.shape_cast %get3A_1657 : vector<16xi32> to vector<16xi32>
      %add3A_1659 = vector.broadcast %mul3A_18 : i32 to vector<16xi32>
      %add3A_1660 = arith.addi %get3A_1658, %add3A_1659 : vector<16xi32>
      %swap3A_1661 = arith.constant 18 : i32
      %swap3A_1662 = arith.index_cast %swap3A_1661 : i32 to index
      %swap3A_1663 = arith.constant 80 : index
      %swap3A_1664 = tpu.vector_load %arg6[%swap3A_1662, %swap3A_1663] {strides = array<i32>} : memref<20x128xi32, #tpu.memory_space<vmem>>, vector<1x16xi32>,
      %swap3A_1665 = vector.shape_cast %swap3A_1664 : vector<1x16xi32> to vector<16xi32>
      %swap3A_1666 = vector.shape_cast %add3A_1660 : vector<16xi32> to vector<1x16xi32>
      tpu.vector_store %arg6[%swap3A_1662, %swap3A_1663], %swap3A_1666 {strides = array<i32>} : memref<20x128xi32, #tpu.memory_space<vmem>>, vector<1x16xi32>,
      %get3A_1667 = arith.constant 2400 : index
      %get3A_1668 = tpu.vector_load %arg5[%get3A_1667] {strides = array<i32>} : memref<2560xi32, #tpu.memory_space<vmem>>, vector<16xi32>,
      %get3A_1669 = vector.shape_cast %get3A_1668 : vector<16xi32> to vector<16xi32>
      %add3A_1670 = vector.broadcast %mul3A_18 : i32 to vector<16xi32>
      %add3A_1671 = arith.addi %get3A_1669, %add3A_1670 : vector<16xi32>
      %swap3A_1672 = arith.constant 18 : i32
      %swap3A_1673 = arith.index_cast %swap3A_1672 : i32 to index
      %swap3A_1674 = arith.constant 96 : index
      %swap3A_1675 = tpu.vector_load %arg6[%swap3A_1673, %swap3A_1674] {strides = array<i32>} : memref<20x128xi32, #tpu.memory_space<vmem>>, vector<1x16xi32>,
      %swap3A_1676 = vector.shape_cast %swap3A_1675 : vector<1x16xi32> to vector<16xi32>
      %swap3A_1677 = vector.shape_cast %add3A_1671 : vector<16xi32> to vector<1x16xi32>
      tpu.vector_store %arg6[%swap3A_1673, %swap3A_1674], %swap3A_1677 {strides = array<i32>} : memref<20x128xi32, #tpu.memory_space<vmem>>, vector<1x16xi32>,
      %get3A_1678 = arith.constant 2416 : index
      %get3A_1679 = tpu.vector_load %arg5[%get3A_1678] {strides = array<i32>} : memref<2560xi32, #tpu.memory_space<vmem>>, vector<16xi32>,
      %get3A_1680 = vector.shape_cast %get3A_1679 : vector<16xi32> to vector<16xi32>
      %add3A_1681 = vector.broadcast %mul3A_18 : i32 to vector<16xi32>
      %add3A_1682 = arith.addi %get3A_1680, %add3A_1681 : vector<16xi32>
      %swap3A_1683 = arith.constant 18 : i32
      %swap3A_1684 = arith.index_cast %swap3A_1683 : i32 to index
      %swap3A_1685 = arith.constant 112 : index
      %swap3A_1686 = tpu.vector_load %arg6[%swap3A_1684, %swap3A_1685] {strides = array<i32>} : memref<20x128xi32, #tpu.memory_space<vmem>>, vector<1x16xi32>,
      %swap3A_1687 = vector.shape_cast %swap3A_1686 : vector<1x16xi32> to vector<16xi32>
      %swap3A_1688 = vector.shape_cast %add3A_1682 : vector<16xi32> to vector<1x16xi32>
      tpu.vector_store %arg6[%swap3A_1684, %swap3A_1685], %swap3A_1688 {strides = array<i32>} : memref<20x128xi32, #tpu.memory_space<vmem>>, vector<1x16xi32>,
      %get3A_1689 = arith.constant 2432 : index
      %get3A_1690 = tpu.vector_load %arg5[%get3A_1689] {strides = array<i32>} : memref<2560xi32, #tpu.memory_space<vmem>>, vector<16xi32>,
      %get3A_1691 = vector.shape_cast %get3A_1690 : vector<16xi32> to vector<16xi32>
      %add3A_1692 = vector.broadcast %mul3A_18 : i32 to vector<16xi32>
      %add3A_1693 = arith.addi %get3A_1691, %add3A_1692 : vector<16xi32>
      %swap3A_1694 = arith.constant 19 : i32
      %swap3A_1695 = arith.index_cast %swap3A_1694 : i32 to index
      %swap3A_1696 = arith.constant 0 : index
      %swap3A_1697 = tpu.vector_load %arg6[%swap3A_1695, %swap3A_1696] {strides = array<i32>} : memref<20x128xi32, #tpu.memory_space<vmem>>, vector<1x16xi32>,
      %swap3A_1698 = vector.shape_cast %swap3A_1697 : vector<1x16xi32> to vector<16xi32>
      %swap3A_1699 = vector.shape_cast %add3A_1693 : vector<16xi32> to vector<1x16xi32>
      tpu.vector_store %arg6[%swap3A_1695, %swap3A_1696], %swap3A_1699 {strides = array<i32>} : memref<20x128xi32, #tpu.memory_space<vmem>>, vector<1x16xi32>,
      %get3A_1700 = arith.constant 2448 : index
      %get3A_1701 = tpu.vector_load %arg5[%get3A_1700] {strides = array<i32>} : memref<2560xi32, #tpu.memory_space<vmem>>, vector<16xi32>,
      %get3A_1702 = vector.shape_cast %get3A_1701 : vector<16xi32> to vector<16xi32>
      %add3A_1703 = vector.broadcast %mul3A_18 : i32 to vector<16xi32>
      %add3A_1704 = arith.addi %get3A_1702, %add3A_1703 : vector<16xi32>
      %swap3A_1705 = arith.constant 19 : i32
      %swap3A_1706 = arith.index_cast %swap3A_1705 : i32 to index
      %swap3A_1707 = arith.constant 16 : index
      %swap3A_1708 = tpu.vector_load %arg6[%swap3A_1706, %swap3A_1707] {strides = array<i32>} : memref<20x128xi32, #tpu.memory_space<vmem>>, vector<1x16xi32>,
      %swap3A_1709 = vector.shape_cast %swap3A_1708 : vector<1x16xi32> to vector<16xi32>
      %swap3A_1710 = vector.shape_cast %add3A_1704 : vector<16xi32> to vector<1x16xi32>
      tpu.vector_store %arg6[%swap3A_1706, %swap3A_1707], %swap3A_1710 {strides = array<i32>} : memref<20x128xi32, #tpu.memory_space<vmem>>, vector<1x16xi32>,
      %get3A_1711 = arith.constant 2464 : index
      %get3A_1712 = tpu.vector_load %arg5[%get3A_1711] {strides = array<i32>} : memref<2560xi32, #tpu.memory_space<vmem>>, vector<16xi32>,
      %get3A_1713 = vector.shape_cast %get3A_1712 : vector<16xi32> to vector<16xi32>
      %add3A_1714 = vector.broadcast %mul3A_18 : i32 to vector<16xi32>
      %add3A_1715 = arith.addi %get3A_1713, %add3A_1714 : vector<16xi32>
      %swap3A_1716 = arith.constant 19 : i32
      %swap3A_1717 = arith.index_cast %swap3A_1716 : i32 to index
      %swap3A_1718 = arith.constant 32 : index
      %swap3A_1719 = tpu.vector_load %arg6[%swap3A_1717, %swap3A_1718] {strides = array<i32>} : memref<20x128xi32, #tpu.memory_space<vmem>>, vector<1x16xi32>,
      %swap3A_1720 = vector.shape_cast %swap3A_1719 : vector<1x16xi32> to vector<16xi32>
      %swap3A_1721 = vector.shape_cast %add3A_1715 : vector<16xi32> to vector<1x16xi32>
      tpu.vector_store %arg6[%swap3A_1717, %swap3A_1718], %swap3A_1721 {strides = array<i32>} : memref<20x128xi32, #tpu.memory_space<vmem>>, vector<1x16xi32>,
      %get3A_1722 = arith.constant 2480 : index
      %get3A_1723 = tpu.vector_load %arg5[%get3A_1722] {strides = array<i32>} : memref<2560xi32, #tpu.memory_space<vmem>>, vector<16xi32>,
      %get3A_1724 = vector.shape_cast %get3A_1723 : vector<16xi32> to vector<16xi32>
      %add3A_1725 = vector.broadcast %mul3A_18 : i32 to vector<16xi32>
      %add3A_1726 = arith.addi %get3A_1724, %add3A_1725 : vector<16xi32>
      %swap3A_1727 = arith.constant 19 : i32
      %swap3A_1728 = arith.index_cast %swap3A_1727 : i32 to index
      %swap3A_1729 = arith.constant 48 : index
      %swap3A_1730 = tpu.vector_load %arg6[%swap3A_1728, %swap3A_1729] {strides = array<i32>} : memref<20x128xi32, #tpu.memory_space<vmem>>, vector<1x16xi32>,
      %swap3A_1731 = vector.shape_cast %swap3A_1730 : vector<1x16xi32> to vector<16xi32>
      %swap3A_1732 = vector.shape_cast %add3A_1726 : vector<16xi32> to vector<1x16xi32>
      tpu.vector_store %arg6[%swap3A_1728, %swap3A_1729], %swap3A_1732 {strides = array<i32>} : memref<20x128xi32, #tpu.memory_space<vmem>>, vector<1x16xi32>,
      %get3A_1733 = arith.constant 2496 : index
      %get3A_1734 = tpu.vector_load %arg5[%get3A_1733] {strides = array<i32>} : memref<2560xi32, #tpu.memory_space<vmem>>, vector<16xi32>,
      %get3A_1735 = vector.shape_cast %get3A_1734 : vector<16xi32> to vector<16xi32>
      %add3A_1736 = vector.broadcast %mul3A_18 : i32 to vector<16xi32>
      %add3A_1737 = arith.addi %get3A_1735, %add3A_1736 : vector<16xi32>
      %swap3A_1738 = arith.constant 19 : i32
      %swap3A_1739 = arith.index_cast %swap3A_1738 : i32 to index
      %swap3A_1740 = arith.constant 64 : index
      %swap3A_1741 = tpu.vector_load %arg6[%swap3A_1739, %swap3A_1740] {strides = array<i32>} : memref<20x128xi32, #tpu.memory_space<vmem>>, vector<1x16xi32>,
      %swap3A_1742 = vector.shape_cast %swap3A_1741 : vector<1x16xi32> to vector<16xi32>
      %swap3A_1743 = vector.shape_cast %add3A_1737 : vector<16xi32> to vector<1x16xi32>
      tpu.vector_store %arg6[%swap3A_1739, %swap3A_1740], %swap3A_1743 {strides = array<i32>} : memref<20x128xi32, #tpu.memory_space<vmem>>, vector<1x16xi32>,
      %get3A_1744 = arith.constant 2512 : index
      %get3A_1745 = tpu.vector_load %arg5[%get3A_1744] {strides = array<i32>} : memref<2560xi32, #tpu.memory_space<vmem>>, vector<16xi32>,
      %get3A_1746 = vector.shape_cast %get3A_1745 : vector<16xi32> to vector<16xi32>
      %add3A_1747 = vector.broadcast %mul3A_18 : i32 to vector<16xi32>
      %add3A_1748 = arith.addi %get3A_1746, %add3A_1747 : vector<16xi32>
      %swap3A_1749 = arith.constant 19 : i32
      %swap3A_1750 = arith.index_cast %swap3A_1749 : i32 to index
      %swap3A_1751 = arith.constant 80 : index
      %swap3A_1752 = tpu.vector_load %arg6[%swap3A_1750, %swap3A_1751] {strides = array<i32>} : memref<20x128xi32, #tpu.memory_space<vmem>>, vector<1x16xi32>,
      %swap3A_1753 = vector.shape_cast %swap3A_1752 : vector<1x16xi32> to vector<16xi32>
      %swap3A_1754 = vector.shape_cast %add3A_1748 : vector<16xi32> to vector<1x16xi32>
      tpu.vector_store %arg6[%swap3A_1750, %swap3A_1751], %swap3A_1754 {strides = array<i32>} : memref<20x128xi32, #tpu.memory_space<vmem>>, vector<1x16xi32>,
      %get3A_1755 = arith.constant 2528 : index
      %get3A_1756 = tpu.vector_load %arg5[%get3A_1755] {strides = array<i32>} : memref<2560xi32, #tpu.memory_space<vmem>>, vector<16xi32>,
      %get3A_1757 = vector.shape_cast %get3A_1756 : vector<16xi32> to vector<16xi32>
      %add3A_1758 = vector.broadcast %mul3A_18 : i32 to vector<16xi32>
      %add3A_1759 = arith.addi %get3A_1757, %add3A_1758 : vector<16xi32>
      %swap3A_1760 = arith.constant 19 : i32
      %swap3A_1761 = arith.index_cast %swap3A_1760 : i32 to index
      %swap3A_1762 = arith.constant 96 : index
      %swap3A_1763 = tpu.vector_load %arg6[%swap3A_1761, %swap3A_1762] {strides = array<i32>} : memref<20x128xi32, #tpu.memory_space<vmem>>, vector<1x16xi32>,
      %swap3A_1764 = vector.shape_cast %swap3A_1763 : vector<1x16xi32> to vector<16xi32>
      %swap3A_1765 = vector.shape_cast %add3A_1759 : vector<16xi32> to vector<1x16xi32>
      tpu.vector_store %arg6[%swap3A_1761, %swap3A_1762], %swap3A_1765 {strides = array<i32>} : memref<20x128xi32, #tpu.memory_space<vmem>>, vector<1x16xi32>,
      %get3A_1766 = arith.constant 2544 : index
      %get3A_1767 = tpu.vector_load %arg5[%get3A_1766] {strides = array<i32>} : memref<2560xi32, #tpu.memory_space<vmem>>, vector<16xi32>,
      %get3A_1768 = vector.shape_cast %get3A_1767 : vector<16xi32> to vector<16xi32>
      %add3A_1769 = vector.broadcast %mul3A_18 : i32 to vector<16xi32>
      %add3A_1770 = arith.addi %get3A_1768, %add3A_1769 : vector<16xi32>
      %swap3A_1771 = arith.constant 19 : i32
      %swap3A_1772 = arith.index_cast %swap3A_1771 : i32 to index
      %swap3A_1773 = arith.constant 112 : index
      %swap3A_1774 = tpu.vector_load %arg6[%swap3A_1772, %swap3A_1773] {strides = array<i32>} : memref<20x128xi32, #tpu.memory_space<vmem>>, vector<1x16xi32>,
      %swap3A_1775 = vector.shape_cast %swap3A_1774 : vector<1x16xi32> to vector<16xi32>
      %swap3A_1776 = vector.shape_cast %add3A_1770 : vector<16xi32> to vector<1x16xi32>
      tpu.vector_store %arg6[%swap3A_1772, %swap3A_1773], %swap3A_1776 {strides = array<i32>} : memref<20x128xi32, #tpu.memory_space<vmem>>, vector<1x16xi32>,
      %dma_start3A = arith.constant 0 : i32
      %dma_start3A_1777 = arith.constant 0 : i32
      %dma_start3A_1778 = arith.constant 0 : i32
      %dma_start3A_1779 = tpu.memref_slice %arg7[%dma_start3A_1777, %dma_start3A_1778] : memref<2560x16xf32, #tpu.memory_space<vmem>> -> memref<128x16xf32, #tpu.memory_space<vmem>>
      %dma_start3A_1780 = arith.constant 0 : i32
      %dma_start3A_1781 = tpu.memref_slice %arg6[%dma_start3A, %dma_start3A_1780] : memref<20x128xi32, #tpu.memory_space<vmem>> -> memref<1x128xi32, #tpu.memory_space<vmem>>
      %dma_start3A_1782 = tpu.memref_squeeze %dma_start3A_1781 : memref<1x128xi32, #tpu.memory_space<vmem>> -> memref<128xi32, #tpu.memory_space<vmem>>
      %dma_start3A_1783 = arith.constant 0 : i32
      %dma_start3A_1784 = arith.constant 0 : i32
      %dma_start3A_1785 = tpu.memref_slice %arg3[%dma_start3A_1783, %dma_start3A_1784] : memref<2600000x16xf32, #tpu.memory_space<hbm>> -> memref<2600000x16xf32, #tpu.memory_space<hbm>>
      tpu.enqueue_indirect_dma source(%dma_start3A_1785 : memref<2600000x16xf32, #tpu.memory_space<hbm>>) target(%dma_start3A_1779 : memref<128x16xf32, #tpu.memory_space<vmem>>) offsets(%dma_start3A_1782 : memref<128xi32, #tpu.memory_space<vmem>>) semaphore(%arg9 : memref<!tpu.dma_semaphore, #tpu.memory_space<semaphore_mem>>)
      %dma_start3A_1786 = arith.constant 1 : i32
      %dma_start3A_1787 = arith.constant 128 : i32
      %dma_start3A_1788 = arith.constant 0 : i32
      %dma_start3A_1789 = tpu.memref_slice %arg7[%dma_start3A_1787, %dma_start3A_1788] : memref<2560x16xf32, #tpu.memory_space<vmem>> -> memref<128x16xf32, #tpu.memory_space<vmem>>
      %dma_start3A_1790 = arith.constant 0 : i32
      %dma_start3A_1791 = tpu.memref_slice %arg6[%dma_start3A_1786, %dma_start3A_1790] : memref<20x128xi32, #tpu.memory_space<vmem>> -> memref<1x128xi32, #tpu.memory_space<vmem>>
      %dma_start3A_1792 = tpu.memref_squeeze %dma_start3A_1791 : memref<1x128xi32, #tpu.memory_space<vmem>> -> memref<128xi32, #tpu.memory_space<vmem>>
      %dma_start3A_1793 = arith.constant 0 : i32
      %dma_start3A_1794 = arith.constant 0 : i32
      %dma_start3A_1795 = tpu.memref_slice %arg3[%dma_start3A_1793, %dma_start3A_1794] : memref<2600000x16xf32, #tpu.memory_space<hbm>> -> memref<2600000x16xf32, #tpu.memory_space<hbm>>
      tpu.enqueue_indirect_dma source(%dma_start3A_1795 : memref<2600000x16xf32, #tpu.memory_space<hbm>>) target(%dma_start3A_1789 : memref<128x16xf32, #tpu.memory_space<vmem>>) offsets(%dma_start3A_1792 : memref<128xi32, #tpu.memory_space<vmem>>) semaphore(%arg9 : memref<!tpu.dma_semaphore, #tpu.memory_space<semaphore_mem>>)
      %dma_start3A_1796 = arith.constant 2 : i32
      %dma_start3A_1797 = arith.constant 256 : i32
      %dma_start3A_1798 = arith.constant 0 : i32
      %dma_start3A_1799 = tpu.memref_slice %arg7[%dma_start3A_1797, %dma_start3A_1798] : memref<2560x16xf32, #tpu.memory_space<vmem>> -> memref<128x16xf32, #tpu.memory_space<vmem>>
      %dma_start3A_1800 = arith.constant 0 : i32
      %dma_start3A_1801 = tpu.memref_slice %arg6[%dma_start3A_1796, %dma_start3A_1800] : memref<20x128xi32, #tpu.memory_space<vmem>> -> memref<1x128xi32, #tpu.memory_space<vmem>>
      %dma_start3A_1802 = tpu.memref_squeeze %dma_start3A_1801 : memref<1x128xi32, #tpu.memory_space<vmem>> -> memref<128xi32, #tpu.memory_space<vmem>>
      %dma_start3A_1803 = arith.constant 0 : i32
      %dma_start3A_1804 = arith.constant 0 : i32
      %dma_start3A_1805 = tpu.memref_slice %arg3[%dma_start3A_1803, %dma_start3A_1804] : memref<2600000x16xf32, #tpu.memory_space<hbm>> -> memref<2600000x16xf32, #tpu.memory_space<hbm>>
      tpu.enqueue_indirect_dma source(%dma_start3A_1805 : memref<2600000x16xf32, #tpu.memory_space<hbm>>) target(%dma_start3A_1799 : memref<128x16xf32, #tpu.memory_space<vmem>>) offsets(%dma_start3A_1802 : memref<128xi32, #tpu.memory_space<vmem>>) semaphore(%arg9 : memref<!tpu.dma_semaphore, #tpu.memory_space<semaphore_mem>>)
      %dma_start3A_1806 = arith.constant 3 : i32
      %dma_start3A_1807 = arith.constant 384 : i32
      %dma_start3A_1808 = arith.constant 0 : i32
      %dma_start3A_1809 = tpu.memref_slice %arg7[%dma_start3A_1807, %dma_start3A_1808] : memref<2560x16xf32, #tpu.memory_space<vmem>> -> memref<128x16xf32, #tpu.memory_space<vmem>>
      %dma_start3A_1810 = arith.constant 0 : i32
      %dma_start3A_1811 = tpu.memref_slice %arg6[%dma_start3A_1806, %dma_start3A_1810] : memref<20x128xi32, #tpu.memory_space<vmem>> -> memref<1x128xi32, #tpu.memory_space<vmem>>
      %dma_start3A_1812 = tpu.memref_squeeze %dma_start3A_1811 : memref<1x128xi32, #tpu.memory_space<vmem>> -> memref<128xi32, #tpu.memory_space<vmem>>
      %dma_start3A_1813 = arith.constant 0 : i32
      %dma_start3A_1814 = arith.constant 0 : i32
      %dma_start3A_1815 = tpu.memref_slice %arg3[%dma_start3A_1813, %dma_start3A_1814] : memref<2600000x16xf32, #tpu.memory_space<hbm>> -> memref<2600000x16xf32, #tpu.memory_space<hbm>>
      tpu.enqueue_indirect_dma source(%dma_start3A_1815 : memref<2600000x16xf32, #tpu.memory_space<hbm>>) target(%dma_start3A_1809 : memref<128x16xf32, #tpu.memory_space<vmem>>) offsets(%dma_start3A_1812 : memref<128xi32, #tpu.memory_space<vmem>>) semaphore(%arg9 : memref<!tpu.dma_semaphore, #tpu.memory_space<semaphore_mem>>)
      %dma_start3A_1816 = arith.constant 4 : i32
      %dma_start3A_1817 = arith.constant 512 : i32
      %dma_start3A_1818 = arith.constant 0 : i32
      %dma_start3A_1819 = tpu.memref_slice %arg7[%dma_start3A_1817, %dma_start3A_1818] : memref<2560x16xf32, #tpu.memory_space<vmem>> -> memref<128x16xf32, #tpu.memory_space<vmem>>
      %dma_start3A_1820 = arith.constant 0 : i32
      %dma_start3A_1821 = tpu.memref_slice %arg6[%dma_start3A_1816, %dma_start3A_1820] : memref<20x128xi32, #tpu.memory_space<vmem>> -> memref<1x128xi32, #tpu.memory_space<vmem>>
      %dma_start3A_1822 = tpu.memref_squeeze %dma_start3A_1821 : memref<1x128xi32, #tpu.memory_space<vmem>> -> memref<128xi32, #tpu.memory_space<vmem>>
      %dma_start3A_1823 = arith.constant 0 : i32
      %dma_start3A_1824 = arith.constant 0 : i32
      %dma_start3A_1825 = tpu.memref_slice %arg3[%dma_start3A_1823, %dma_start3A_1824] : memref<2600000x16xf32, #tpu.memory_space<hbm>> -> memref<2600000x16xf32, #tpu.memory_space<hbm>>
      tpu.enqueue_indirect_dma source(%dma_start3A_1825 : memref<2600000x16xf32, #tpu.memory_space<hbm>>) target(%dma_start3A_1819 : memref<128x16xf32, #tpu.memory_space<vmem>>) offsets(%dma_start3A_1822 : memref<128xi32, #tpu.memory_space<vmem>>) semaphore(%arg9 : memref<!tpu.dma_semaphore, #tpu.memory_space<semaphore_mem>>)
      %dma_start3A_1826 = arith.constant 5 : i32
      %dma_start3A_1827 = arith.constant 640 : i32
      %dma_start3A_1828 = arith.constant 0 : i32
      %dma_start3A_1829 = tpu.memref_slice %arg7[%dma_start3A_1827, %dma_start3A_1828] : memref<2560x16xf32, #tpu.memory_space<vmem>> -> memref<128x16xf32, #tpu.memory_space<vmem>>
      %dma_start3A_1830 = arith.constant 0 : i32
      %dma_start3A_1831 = tpu.memref_slice %arg6[%dma_start3A_1826, %dma_start3A_1830] : memref<20x128xi32, #tpu.memory_space<vmem>> -> memref<1x128xi32, #tpu.memory_space<vmem>>
      %dma_start3A_1832 = tpu.memref_squeeze %dma_start3A_1831 : memref<1x128xi32, #tpu.memory_space<vmem>> -> memref<128xi32, #tpu.memory_space<vmem>>
      %dma_start3A_1833 = arith.constant 0 : i32
      %dma_start3A_1834 = arith.constant 0 : i32
      %dma_start3A_1835 = tpu.memref_slice %arg3[%dma_start3A_1833, %dma_start3A_1834] : memref<2600000x16xf32, #tpu.memory_space<hbm>> -> memref<2600000x16xf32, #tpu.memory_space<hbm>>
      tpu.enqueue_indirect_dma source(%dma_start3A_1835 : memref<2600000x16xf32, #tpu.memory_space<hbm>>) target(%dma_start3A_1829 : memref<128x16xf32, #tpu.memory_space<vmem>>) offsets(%dma_start3A_1832 : memref<128xi32, #tpu.memory_space<vmem>>) semaphore(%arg9 : memref<!tpu.dma_semaphore, #tpu.memory_space<semaphore_mem>>)
      %dma_start3A_1836 = arith.constant 6 : i32
      %dma_start3A_1837 = arith.constant 768 : i32
      %dma_start3A_1838 = arith.constant 0 : i32
      %dma_start3A_1839 = tpu.memref_slice %arg7[%dma_start3A_1837, %dma_start3A_1838] : memref<2560x16xf32, #tpu.memory_space<vmem>> -> memref<128x16xf32, #tpu.memory_space<vmem>>
      %dma_start3A_1840 = arith.constant 0 : i32
      %dma_start3A_1841 = tpu.memref_slice %arg6[%dma_start3A_1836, %dma_start3A_1840] : memref<20x128xi32, #tpu.memory_space<vmem>> -> memref<1x128xi32, #tpu.memory_space<vmem>>
      %dma_start3A_1842 = tpu.memref_squeeze %dma_start3A_1841 : memref<1x128xi32, #tpu.memory_space<vmem>> -> memref<128xi32, #tpu.memory_space<vmem>>
      %dma_start3A_1843 = arith.constant 0 : i32
      %dma_start3A_1844 = arith.constant 0 : i32
      %dma_start3A_1845 = tpu.memref_slice %arg3[%dma_start3A_1843, %dma_start3A_1844] : memref<2600000x16xf32, #tpu.memory_space<hbm>> -> memref<2600000x16xf32, #tpu.memory_space<hbm>>
      tpu.enqueue_indirect_dma source(%dma_start3A_1845 : memref<2600000x16xf32, #tpu.memory_space<hbm>>) target(%dma_start3A_1839 : memref<128x16xf32, #tpu.memory_space<vmem>>) offsets(%dma_start3A_1842 : memref<128xi32, #tpu.memory_space<vmem>>) semaphore(%arg9 : memref<!tpu.dma_semaphore, #tpu.memory_space<semaphore_mem>>)
      %dma_start3A_1846 = arith.constant 7 : i32
      %dma_start3A_1847 = arith.constant 896 : i32
      %dma_start3A_1848 = arith.constant 0 : i32
      %dma_start3A_1849 = tpu.memref_slice %arg7[%dma_start3A_1847, %dma_start3A_1848] : memref<2560x16xf32, #tpu.memory_space<vmem>> -> memref<128x16xf32, #tpu.memory_space<vmem>>
      %dma_start3A_1850 = arith.constant 0 : i32
      %dma_start3A_1851 = tpu.memref_slice %arg6[%dma_start3A_1846, %dma_start3A_1850] : memref<20x128xi32, #tpu.memory_space<vmem>> -> memref<1x128xi32, #tpu.memory_space<vmem>>
      %dma_start3A_1852 = tpu.memref_squeeze %dma_start3A_1851 : memref<1x128xi32, #tpu.memory_space<vmem>> -> memref<128xi32, #tpu.memory_space<vmem>>
      %dma_start3A_1853 = arith.constant 0 : i32
      %dma_start3A_1854 = arith.constant 0 : i32
      %dma_start3A_1855 = tpu.memref_slice %arg3[%dma_start3A_1853, %dma_start3A_1854] : memref<2600000x16xf32, #tpu.memory_space<hbm>> -> memref<2600000x16xf32, #tpu.memory_space<hbm>>
      tpu.enqueue_indirect_dma source(%dma_start3A_1855 : memref<2600000x16xf32, #tpu.memory_space<hbm>>) target(%dma_start3A_1849 : memref<128x16xf32, #tpu.memory_space<vmem>>) offsets(%dma_start3A_1852 : memref<128xi32, #tpu.memory_space<vmem>>) semaphore(%arg9 : memref<!tpu.dma_semaphore, #tpu.memory_space<semaphore_mem>>)
      %dma_start3A_1856 = arith.constant 8 : i32
      %dma_start3A_1857 = arith.constant 1024 : i32
      %dma_start3A_1858 = arith.constant 0 : i32
      %dma_start3A_1859 = tpu.memref_slice %arg7[%dma_start3A_1857, %dma_start3A_1858] : memref<2560x16xf32, #tpu.memory_space<vmem>> -> memref<128x16xf32, #tpu.memory_space<vmem>>
      %dma_start3A_1860 = arith.constant 0 : i32
      %dma_start3A_1861 = tpu.memref_slice %arg6[%dma_start3A_1856, %dma_start3A_1860] : memref<20x128xi32, #tpu.memory_space<vmem>> -> memref<1x128xi32, #tpu.memory_space<vmem>>
      %dma_start3A_1862 = tpu.memref_squeeze %dma_start3A_1861 : memref<1x128xi32, #tpu.memory_space<vmem>> -> memref<128xi32, #tpu.memory_space<vmem>>
      %dma_start3A_1863 = arith.constant 0 : i32
      %dma_start3A_1864 = arith.constant 0 : i32
      %dma_start3A_1865 = tpu.memref_slice %arg3[%dma_start3A_1863, %dma_start3A_1864] : memref<2600000x16xf32, #tpu.memory_space<hbm>> -> memref<2600000x16xf32, #tpu.memory_space<hbm>>
      tpu.enqueue_indirect_dma source(%dma_start3A_1865 : memref<2600000x16xf32, #tpu.memory_space<hbm>>) target(%dma_start3A_1859 : memref<128x16xf32, #tpu.memory_space<vmem>>) offsets(%dma_start3A_1862 : memref<128xi32, #tpu.memory_space<vmem>>) semaphore(%arg9 : memref<!tpu.dma_semaphore, #tpu.memory_space<semaphore_mem>>)
      %dma_start3A_1866 = arith.constant 9 : i32
      %dma_start3A_1867 = arith.constant 1152 : i32
      %dma_start3A_1868 = arith.constant 0 : i32
      %dma_start3A_1869 = tpu.memref_slice %arg7[%dma_start3A_1867, %dma_start3A_1868] : memref<2560x16xf32, #tpu.memory_space<vmem>> -> memref<128x16xf32, #tpu.memory_space<vmem>>
      %dma_start3A_1870 = arith.constant 0 : i32
      %dma_start3A_1871 = tpu.memref_slice %arg6[%dma_start3A_1866, %dma_start3A_1870] : memref<20x128xi32, #tpu.memory_space<vmem>> -> memref<1x128xi32, #tpu.memory_space<vmem>>
      %dma_start3A_1872 = tpu.memref_squeeze %dma_start3A_1871 : memref<1x128xi32, #tpu.memory_space<vmem>> -> memref<128xi32, #tpu.memory_space<vmem>>
      %dma_start3A_1873 = arith.constant 0 : i32
      %dma_start3A_1874 = arith.constant 0 : i32
      %dma_start3A_1875 = tpu.memref_slice %arg3[%dma_start3A_1873, %dma_start3A_1874] : memref<2600000x16xf32, #tpu.memory_space<hbm>> -> memref<2600000x16xf32, #tpu.memory_space<hbm>>
      tpu.enqueue_indirect_dma source(%dma_start3A_1875 : memref<2600000x16xf32, #tpu.memory_space<hbm>>) target(%dma_start3A_1869 : memref<128x16xf32, #tpu.memory_space<vmem>>) offsets(%dma_start3A_1872 : memref<128xi32, #tpu.memory_space<vmem>>) semaphore(%arg9 : memref<!tpu.dma_semaphore, #tpu.memory_space<semaphore_mem>>)
      %dma_start3A_1876 = arith.constant 10 : i32
      %dma_start3A_1877 = arith.constant 1280 : i32
      %dma_start3A_1878 = arith.constant 0 : i32
      %dma_start3A_1879 = tpu.memref_slice %arg7[%dma_start3A_1877, %dma_start3A_1878] : memref<2560x16xf32, #tpu.memory_space<vmem>> -> memref<128x16xf32, #tpu.memory_space<vmem>>
      %dma_start3A_1880 = arith.constant 0 : i32
      %dma_start3A_1881 = tpu.memref_slice %arg6[%dma_start3A_1876, %dma_start3A_1880] : memref<20x128xi32, #tpu.memory_space<vmem>> -> memref<1x128xi32, #tpu.memory_space<vmem>>
      %dma_start3A_1882 = tpu.memref_squeeze %dma_start3A_1881 : memref<1x128xi32, #tpu.memory_space<vmem>> -> memref<128xi32, #tpu.memory_space<vmem>>
      %dma_start3A_1883 = arith.constant 0 : i32
      %dma_start3A_1884 = arith.constant 0 : i32
      %dma_start3A_1885 = tpu.memref_slice %arg3[%dma_start3A_1883, %dma_start3A_1884] : memref<2600000x16xf32, #tpu.memory_space<hbm>> -> memref<2600000x16xf32, #tpu.memory_space<hbm>>
      tpu.enqueue_indirect_dma source(%dma_start3A_1885 : memref<2600000x16xf32, #tpu.memory_space<hbm>>) target(%dma_start3A_1879 : memref<128x16xf32, #tpu.memory_space<vmem>>) offsets(%dma_start3A_1882 : memref<128xi32, #tpu.memory_space<vmem>>) semaphore(%arg9 : memref<!tpu.dma_semaphore, #tpu.memory_space<semaphore_mem>>)
      %dma_start3A_1886 = arith.constant 11 : i32
      %dma_start3A_1887 = arith.constant 1408 : i32
      %dma_start3A_1888 = arith.constant 0 : i32
      %dma_start3A_1889 = tpu.memref_slice %arg7[%dma_start3A_1887, %dma_start3A_1888] : memref<2560x16xf32, #tpu.memory_space<vmem>> -> memref<128x16xf32, #tpu.memory_space<vmem>>
      %dma_start3A_1890 = arith.constant 0 : i32
      %dma_start3A_1891 = tpu.memref_slice %arg6[%dma_start3A_1886, %dma_start3A_1890] : memref<20x128xi32, #tpu.memory_space<vmem>> -> memref<1x128xi32, #tpu.memory_space<vmem>>
      %dma_start3A_1892 = tpu.memref_squeeze %dma_start3A_1891 : memref<1x128xi32, #tpu.memory_space<vmem>> -> memref<128xi32, #tpu.memory_space<vmem>>
      %dma_start3A_1893 = arith.constant 0 : i32
      %dma_start3A_1894 = arith.constant 0 : i32
      %dma_start3A_1895 = tpu.memref_slice %arg3[%dma_start3A_1893, %dma_start3A_1894] : memref<2600000x16xf32, #tpu.memory_space<hbm>> -> memref<2600000x16xf32, #tpu.memory_space<hbm>>
      tpu.enqueue_indirect_dma source(%dma_start3A_1895 : memref<2600000x16xf32, #tpu.memory_space<hbm>>) target(%dma_start3A_1889 : memref<128x16xf32, #tpu.memory_space<vmem>>) offsets(%dma_start3A_1892 : memref<128xi32, #tpu.memory_space<vmem>>) semaphore(%arg9 : memref<!tpu.dma_semaphore, #tpu.memory_space<semaphore_mem>>)
      %dma_start3A_1896 = arith.constant 12 : i32
      %dma_start3A_1897 = arith.constant 1536 : i32
      %dma_start3A_1898 = arith.constant 0 : i32
      %dma_start3A_1899 = tpu.memref_slice %arg7[%dma_start3A_1897, %dma_start3A_1898] : memref<2560x16xf32, #tpu.memory_space<vmem>> -> memref<128x16xf32, #tpu.memory_space<vmem>>
      %dma_start3A_1900 = arith.constant 0 : i32
      %dma_start3A_1901 = tpu.memref_slice %arg6[%dma_start3A_1896, %dma_start3A_1900] : memref<20x128xi32, #tpu.memory_space<vmem>> -> memref<1x128xi32, #tpu.memory_space<vmem>>
      %dma_start3A_1902 = tpu.memref_squeeze %dma_start3A_1901 : memref<1x128xi32, #tpu.memory_space<vmem>> -> memref<128xi32, #tpu.memory_space<vmem>>
      %dma_start3A_1903 = arith.constant 0 : i32
      %dma_start3A_1904 = arith.constant 0 : i32
      %dma_start3A_1905 = tpu.memref_slice %arg3[%dma_start3A_1903, %dma_start3A_1904] : memref<2600000x16xf32, #tpu.memory_space<hbm>> -> memref<2600000x16xf32, #tpu.memory_space<hbm>>
      tpu.enqueue_indirect_dma source(%dma_start3A_1905 : memref<2600000x16xf32, #tpu.memory_space<hbm>>) target(%dma_start3A_1899 : memref<128x16xf32, #tpu.memory_space<vmem>>) offsets(%dma_start3A_1902 : memref<128xi32, #tpu.memory_space<vmem>>) semaphore(%arg9 : memref<!tpu.dma_semaphore, #tpu.memory_space<semaphore_mem>>)
      %dma_start3A_1906 = arith.constant 13 : i32
      %dma_start3A_1907 = arith.constant 1664 : i32
      %dma_start3A_1908 = arith.constant 0 : i32
      %dma_start3A_1909 = tpu.memref_slice %arg7[%dma_start3A_1907, %dma_start3A_1908] : memref<2560x16xf32, #tpu.memory_space<vmem>> -> memref<128x16xf32, #tpu.memory_space<vmem>>
      %dma_start3A_1910 = arith.constant 0 : i32
      %dma_start3A_1911 = tpu.memref_slice %arg6[%dma_start3A_1906, %dma_start3A_1910] : memref<20x128xi32, #tpu.memory_space<vmem>> -> memref<1x128xi32, #tpu.memory_space<vmem>>
      %dma_start3A_1912 = tpu.memref_squeeze %dma_start3A_1911 : memref<1x128xi32, #tpu.memory_space<vmem>> -> memref<128xi32, #tpu.memory_space<vmem>>
      %dma_start3A_1913 = arith.constant 0 : i32
      %dma_start3A_1914 = arith.constant 0 : i32
      %dma_start3A_1915 = tpu.memref_slice %arg3[%dma_start3A_1913, %dma_start3A_1914] : memref<2600000x16xf32, #tpu.memory_space<hbm>> -> memref<2600000x16xf32, #tpu.memory_space<hbm>>
      tpu.enqueue_indirect_dma source(%dma_start3A_1915 : memref<2600000x16xf32, #tpu.memory_space<hbm>>) target(%dma_start3A_1909 : memref<128x16xf32, #tpu.memory_space<vmem>>) offsets(%dma_start3A_1912 : memref<128xi32, #tpu.memory_space<vmem>>) semaphore(%arg9 : memref<!tpu.dma_semaphore, #tpu.memory_space<semaphore_mem>>)
      %dma_start3A_1916 = arith.constant 14 : i32
      %dma_start3A_1917 = arith.constant 1792 : i32
      %dma_start3A_1918 = arith.constant 0 : i32
      %dma_start3A_1919 = tpu.memref_slice %arg7[%dma_start3A_1917, %dma_start3A_1918] : memref<2560x16xf32, #tpu.memory_space<vmem>> -> memref<128x16xf32, #tpu.memory_space<vmem>>
      %dma_start3A_1920 = arith.constant 0 : i32
      %dma_start3A_1921 = tpu.memref_slice %arg6[%dma_start3A_1916, %dma_start3A_1920] : memref<20x128xi32, #tpu.memory_space<vmem>> -> memref<1x128xi32, #tpu.memory_space<vmem>>
      %dma_start3A_1922 = tpu.memref_squeeze %dma_start3A_1921 : memref<1x128xi32, #tpu.memory_space<vmem>> -> memref<128xi32, #tpu.memory_space<vmem>>
      %dma_start3A_1923 = arith.constant 0 : i32
      %dma_start3A_1924 = arith.constant 0 : i32
      %dma_start3A_1925 = tpu.memref_slice %arg3[%dma_start3A_1923, %dma_start3A_1924] : memref<2600000x16xf32, #tpu.memory_space<hbm>> -> memref<2600000x16xf32, #tpu.memory_space<hbm>>
      tpu.enqueue_indirect_dma source(%dma_start3A_1925 : memref<2600000x16xf32, #tpu.memory_space<hbm>>) target(%dma_start3A_1919 : memref<128x16xf32, #tpu.memory_space<vmem>>) offsets(%dma_start3A_1922 : memref<128xi32, #tpu.memory_space<vmem>>) semaphore(%arg9 : memref<!tpu.dma_semaphore, #tpu.memory_space<semaphore_mem>>)
      %dma_start3A_1926 = arith.constant 15 : i32
      %dma_start3A_1927 = arith.constant 1920 : i32
      %dma_start3A_1928 = arith.constant 0 : i32
      %dma_start3A_1929 = tpu.memref_slice %arg7[%dma_start3A_1927, %dma_start3A_1928] : memref<2560x16xf32, #tpu.memory_space<vmem>> -> memref<128x16xf32, #tpu.memory_space<vmem>>
      %dma_start3A_1930 = arith.constant 0 : i32
      %dma_start3A_1931 = tpu.memref_slice %arg6[%dma_start3A_1926, %dma_start3A_1930] : memref<20x128xi32, #tpu.memory_space<vmem>> -> memref<1x128xi32, #tpu.memory_space<vmem>>
      %dma_start3A_1932 = tpu.memref_squeeze %dma_start3A_1931 : memref<1x128xi32, #tpu.memory_space<vmem>> -> memref<128xi32, #tpu.memory_space<vmem>>
      %dma_start3A_1933 = arith.constant 0 : i32
      %dma_start3A_1934 = arith.constant 0 : i32
      %dma_start3A_1935 = tpu.memref_slice %arg3[%dma_start3A_1933, %dma_start3A_1934] : memref<2600000x16xf32, #tpu.memory_space<hbm>> -> memref<2600000x16xf32, #tpu.memory_space<hbm>>
      tpu.enqueue_indirect_dma source(%dma_start3A_1935 : memref<2600000x16xf32, #tpu.memory_space<hbm>>) target(%dma_start3A_1929 : memref<128x16xf32, #tpu.memory_space<vmem>>) offsets(%dma_start3A_1932 : memref<128xi32, #tpu.memory_space<vmem>>) semaphore(%arg9 : memref<!tpu.dma_semaphore, #tpu.memory_space<semaphore_mem>>)
      %dma_start3A_1936 = arith.constant 16 : i32
      %dma_start3A_1937 = arith.constant 2048 : i32
      %dma_start3A_1938 = arith.constant 0 : i32
      %dma_start3A_1939 = tpu.memref_slice %arg7[%dma_start3A_1937, %dma_start3A_1938] : memref<2560x16xf32, #tpu.memory_space<vmem>> -> memref<128x16xf32, #tpu.memory_space<vmem>>
      %dma_start3A_1940 = arith.constant 0 : i32
      %dma_start3A_1941 = tpu.memref_slice %arg6[%dma_start3A_1936, %dma_start3A_1940] : memref<20x128xi32, #tpu.memory_space<vmem>> -> memref<1x128xi32, #tpu.memory_space<vmem>>
      %dma_start3A_1942 = tpu.memref_squeeze %dma_start3A_1941 : memref<1x128xi32, #tpu.memory_space<vmem>> -> memref<128xi32, #tpu.memory_space<vmem>>
      %dma_start3A_1943 = arith.constant 0 : i32
      %dma_start3A_1944 = arith.constant 0 : i32
      %dma_start3A_1945 = tpu.memref_slice %arg3[%dma_start3A_1943, %dma_start3A_1944] : memref<2600000x16xf32, #tpu.memory_space<hbm>> -> memref<2600000x16xf32, #tpu.memory_space<hbm>>
      tpu.enqueue_indirect_dma source(%dma_start3A_1945 : memref<2600000x16xf32, #tpu.memory_space<hbm>>) target(%dma_start3A_1939 : memref<128x16xf32, #tpu.memory_space<vmem>>) offsets(%dma_start3A_1942 : memref<128xi32, #tpu.memory_space<vmem>>) semaphore(%arg9 : memref<!tpu.dma_semaphore, #tpu.memory_space<semaphore_mem>>)
      %dma_start3A_1946 = arith.constant 17 : i32
      %dma_start3A_1947 = arith.constant 2176 : i32
      %dma_start3A_1948 = arith.constant 0 : i32
      %dma_start3A_1949 = tpu.memref_slice %arg7[%dma_start3A_1947, %dma_start3A_1948] : memref<2560x16xf32, #tpu.memory_space<vmem>> -> memref<128x16xf32, #tpu.memory_space<vmem>>
      %dma_start3A_1950 = arith.constant 0 : i32
      %dma_start3A_1951 = tpu.memref_slice %arg6[%dma_start3A_1946, %dma_start3A_1950] : memref<20x128xi32, #tpu.memory_space<vmem>> -> memref<1x128xi32, #tpu.memory_space<vmem>>
      %dma_start3A_1952 = tpu.memref_squeeze %dma_start3A_1951 : memref<1x128xi32, #tpu.memory_space<vmem>> -> memref<128xi32, #tpu.memory_space<vmem>>
      %dma_start3A_1953 = arith.constant 0 : i32
      %dma_start3A_1954 = arith.constant 0 : i32
      %dma_start3A_1955 = tpu.memref_slice %arg3[%dma_start3A_1953, %dma_start3A_1954] : memref<2600000x16xf32, #tpu.memory_space<hbm>> -> memref<2600000x16xf32, #tpu.memory_space<hbm>>
      tpu.enqueue_indirect_dma source(%dma_start3A_1955 : memref<2600000x16xf32, #tpu.memory_space<hbm>>) target(%dma_start3A_1949 : memref<128x16xf32, #tpu.memory_space<vmem>>) offsets(%dma_start3A_1952 : memref<128xi32, #tpu.memory_space<vmem>>) semaphore(%arg9 : memref<!tpu.dma_semaphore, #tpu.memory_space<semaphore_mem>>)
      %dma_start3A_1956 = arith.constant 18 : i32
      %dma_start3A_1957 = arith.constant 2304 : i32
      %dma_start3A_1958 = arith.constant 0 : i32
      %dma_start3A_1959 = tpu.memref_slice %arg7[%dma_start3A_1957, %dma_start3A_1958] : memref<2560x16xf32, #tpu.memory_space<vmem>> -> memref<128x16xf32, #tpu.memory_space<vmem>>
      %dma_start3A_1960 = arith.constant 0 : i32
      %dma_start3A_1961 = tpu.memref_slice %arg6[%dma_start3A_1956, %dma_start3A_1960] : memref<20x128xi32, #tpu.memory_space<vmem>> -> memref<1x128xi32, #tpu.memory_space<vmem>>
      %dma_start3A_1962 = tpu.memref_squeeze %dma_start3A_1961 : memref<1x128xi32, #tpu.memory_space<vmem>> -> memref<128xi32, #tpu.memory_space<vmem>>
      %dma_start3A_1963 = arith.constant 0 : i32
      %dma_start3A_1964 = arith.constant 0 : i32
      %dma_start3A_1965 = tpu.memref_slice %arg3[%dma_start3A_1963, %dma_start3A_1964] : memref<2600000x16xf32, #tpu.memory_space<hbm>> -> memref<2600000x16xf32, #tpu.memory_space<hbm>>
      tpu.enqueue_indirect_dma source(%dma_start3A_1965 : memref<2600000x16xf32, #tpu.memory_space<hbm>>) target(%dma_start3A_1959 : memref<128x16xf32, #tpu.memory_space<vmem>>) offsets(%dma_start3A_1962 : memref<128xi32, #tpu.memory_space<vmem>>) semaphore(%arg9 : memref<!tpu.dma_semaphore, #tpu.memory_space<semaphore_mem>>)
      %dma_start3A_1966 = arith.constant 19 : i32
      %dma_start3A_1967 = arith.constant 2432 : i32
      %dma_start3A_1968 = arith.constant 0 : i32
      %dma_start3A_1969 = tpu.memref_slice %arg7[%dma_start3A_1967, %dma_start3A_1968] : memref<2560x16xf32, #tpu.memory_space<vmem>> -> memref<128x16xf32, #tpu.memory_space<vmem>>
      %dma_start3A_1970 = arith.constant 0 : i32
      %dma_start3A_1971 = tpu.memref_slice %arg6[%dma_start3A_1966, %dma_start3A_1970] : memref<20x128xi32, #tpu.memory_space<vmem>> -> memref<1x128xi32, #tpu.memory_space<vmem>>
      %dma_start3A_1972 = tpu.memref_squeeze %dma_start3A_1971 : memref<1x128xi32, #tpu.memory_space<vmem>> -> memref<128xi32, #tpu.memory_space<vmem>>
      %dma_start3A_1973 = arith.constant 0 : i32
      %dma_start3A_1974 = arith.constant 0 : i32
      %dma_start3A_1975 = tpu.memref_slice %arg3[%dma_start3A_1973, %dma_start3A_1974] : memref<2600000x16xf32, #tpu.memory_space<hbm>> -> memref<2600000x16xf32, #tpu.memory_space<hbm>>
      tpu.enqueue_indirect_dma source(%dma_start3A_1975 : memref<2600000x16xf32, #tpu.memory_space<hbm>>) target(%dma_start3A_1969 : memref<128x16xf32, #tpu.memory_space<vmem>>) offsets(%dma_start3A_1972 : memref<128xi32, #tpu.memory_space<vmem>>) semaphore(%arg9 : memref<!tpu.dma_semaphore, #tpu.memory_space<semaphore_mem>>)
      %dma_wait3A = arith.constant 0 : i32
      %dma_wait3A_1976 = arith.constant 0 : i32
      %dma_wait3A_1977 = arith.constant 0 : i32
      %dma_wait3A_1978 = tpu.memref_slice %arg7[%dma_wait3A_1976, %dma_wait3A_1977] : memref<2560x16xf32, #tpu.memory_space<vmem>> -> memref<128x16xf32, #tpu.memory_space<vmem>>
      %dma_wait3A_1979 = arith.constant 0 : i32
      %dma_wait3A_1980 = tpu.memref_slice %arg6[%dma_wait3A, %dma_wait3A_1979] : memref<20x128xi32, #tpu.memory_space<vmem>> -> memref<1x128xi32, #tpu.memory_space<vmem>>
      %dma_wait3A_1981 = tpu.memref_squeeze %dma_wait3A_1980 : memref<1x128xi32, #tpu.memory_space<vmem>> -> memref<128xi32, #tpu.memory_space<vmem>>
      %dma_wait3A_1982 = arith.constant 0 : i32
      %dma_wait3A_1983 = arith.constant 0 : i32
      %dma_wait3A_1984 = tpu.memref_slice %arg3[%dma_wait3A_1982, %dma_wait3A_1983] : memref<2600000x16xf32, #tpu.memory_space<hbm>> -> memref<2600000x16xf32, #tpu.memory_space<hbm>>
      tpu.wait_indirect_dma semaphore(%arg9 : memref<!tpu.dma_semaphore, #tpu.memory_space<semaphore_mem>>) src(%dma_wait3A_1984 : memref<2600000x16xf32, #tpu.memory_space<hbm>>) dst(%dma_wait3A_1978 : memref<128x16xf32, #tpu.memory_space<vmem>>)
      %dma_wait3A_1985 = arith.constant 1 : i32
      %dma_wait3A_1986 = arith.constant 128 : i32
      %dma_wait3A_1987 = arith.constant 0 : i32
      %dma_wait3A_1988 = tpu.memref_slice %arg7[%dma_wait3A_1986, %dma_wait3A_1987] : memref<2560x16xf32, #tpu.memory_space<vmem>> -> memref<128x16xf32, #tpu.memory_space<vmem>>
      %dma_wait3A_1989 = arith.constant 0 : i32
      %dma_wait3A_1990 = tpu.memref_slice %arg6[%dma_wait3A_1985, %dma_wait3A_1989] : memref<20x128xi32, #tpu.memory_space<vmem>> -> memref<1x128xi32, #tpu.memory_space<vmem>>
      %dma_wait3A_1991 = tpu.memref_squeeze %dma_wait3A_1990 : memref<1x128xi32, #tpu.memory_space<vmem>> -> memref<128xi32, #tpu.memory_space<vmem>>
      %dma_wait3A_1992 = arith.constant 0 : i32
      %dma_wait3A_1993 = arith.constant 0 : i32
      %dma_wait3A_1994 = tpu.memref_slice %arg3[%dma_wait3A_1992, %dma_wait3A_1993] : memref<2600000x16xf32, #tpu.memory_space<hbm>> -> memref<2600000x16xf32, #tpu.memory_space<hbm>>
      tpu.wait_indirect_dma semaphore(%arg9 : memref<!tpu.dma_semaphore, #tpu.memory_space<semaphore_mem>>) src(%dma_wait3A_1994 : memref<2600000x16xf32, #tpu.memory_space<hbm>>) dst(%dma_wait3A_1988 : memref<128x16xf32, #tpu.memory_space<vmem>>)
      %dma_wait3A_1995 = arith.constant 2 : i32
      %dma_wait3A_1996 = arith.constant 256 : i32
      %dma_wait3A_1997 = arith.constant 0 : i32
      %dma_wait3A_1998 = tpu.memref_slice %arg7[%dma_wait3A_1996, %dma_wait3A_1997] : memref<2560x16xf32, #tpu.memory_space<vmem>> -> memref<128x16xf32, #tpu.memory_space<vmem>>
      %dma_wait3A_1999 = arith.constant 0 : i32
      %dma_wait3A_2000 = tpu.memref_slice %arg6[%dma_wait3A_1995, %dma_wait3A_1999] : memref<20x128xi32, #tpu.memory_space<vmem>> -> memref<1x128xi32, #tpu.memory_space<vmem>>
      %dma_wait3A_2001 = tpu.memref_squeeze %dma_wait3A_2000 : memref<1x128xi32, #tpu.memory_space<vmem>> -> memref<128xi32, #tpu.memory_space<vmem>>
      %dma_wait3A_2002 = arith.constant 0 : i32
      %dma_wait3A_2003 = arith.constant 0 : i32
      %dma_wait3A_2004 = tpu.memref_slice %arg3[%dma_wait3A_2002, %dma_wait3A_2003] : memref<2600000x16xf32, #tpu.memory_space<hbm>> -> memref<2600000x16xf32, #tpu.memory_space<hbm>>
      tpu.wait_indirect_dma semaphore(%arg9 : memref<!tpu.dma_semaphore, #tpu.memory_space<semaphore_mem>>) src(%dma_wait3A_2004 : memref<2600000x16xf32, #tpu.memory_space<hbm>>) dst(%dma_wait3A_1998 : memref<128x16xf32, #tpu.memory_space<vmem>>)
      %dma_wait3A_2005 = arith.constant 3 : i32
      %dma_wait3A_2006 = arith.constant 384 : i32
      %dma_wait3A_2007 = arith.constant 0 : i32
      %dma_wait3A_2008 = tpu.memref_slice %arg7[%dma_wait3A_2006, %dma_wait3A_2007] : memref<2560x16xf32, #tpu.memory_space<vmem>> -> memref<128x16xf32, #tpu.memory_space<vmem>>
      %dma_wait3A_2009 = arith.constant 0 : i32
      %dma_wait3A_2010 = tpu.memref_slice %arg6[%dma_wait3A_2005, %dma_wait3A_2009] : memref<20x128xi32, #tpu.memory_space<vmem>> -> memref<1x128xi32, #tpu.memory_space<vmem>>
      %dma_wait3A_2011 = tpu.memref_squeeze %dma_wait3A_2010 : memref<1x128xi32, #tpu.memory_space<vmem>> -> memref<128xi32, #tpu.memory_space<vmem>>
      %dma_wait3A_2012 = arith.constant 0 : i32
      %dma_wait3A_2013 = arith.constant 0 : i32
      %dma_wait3A_2014 = tpu.memref_slice %arg3[%dma_wait3A_2012, %dma_wait3A_2013] : memref<2600000x16xf32, #tpu.memory_space<hbm>> -> memref<2600000x16xf32, #tpu.memory_space<hbm>>
      tpu.wait_indirect_dma semaphore(%arg9 : memref<!tpu.dma_semaphore, #tpu.memory_space<semaphore_mem>>) src(%dma_wait3A_2014 : memref<2600000x16xf32, #tpu.memory_space<hbm>>) dst(%dma_wait3A_2008 : memref<128x16xf32, #tpu.memory_space<vmem>>)
      %dma_wait3A_2015 = arith.constant 4 : i32
      %dma_wait3A_2016 = arith.constant 512 : i32
      %dma_wait3A_2017 = arith.constant 0 : i32
      %dma_wait3A_2018 = tpu.memref_slice %arg7[%dma_wait3A_2016, %dma_wait3A_2017] : memref<2560x16xf32, #tpu.memory_space<vmem>> -> memref<128x16xf32, #tpu.memory_space<vmem>>
      %dma_wait3A_2019 = arith.constant 0 : i32
      %dma_wait3A_2020 = tpu.memref_slice %arg6[%dma_wait3A_2015, %dma_wait3A_2019] : memref<20x128xi32, #tpu.memory_space<vmem>> -> memref<1x128xi32, #tpu.memory_space<vmem>>
      %dma_wait3A_2021 = tpu.memref_squeeze %dma_wait3A_2020 : memref<1x128xi32, #tpu.memory_space<vmem>> -> memref<128xi32, #tpu.memory_space<vmem>>
      %dma_wait3A_2022 = arith.constant 0 : i32
      %dma_wait3A_2023 = arith.constant 0 : i32
      %dma_wait3A_2024 = tpu.memref_slice %arg3[%dma_wait3A_2022, %dma_wait3A_2023] : memref<2600000x16xf32, #tpu.memory_space<hbm>> -> memref<2600000x16xf32, #tpu.memory_space<hbm>>
      tpu.wait_indirect_dma semaphore(%arg9 : memref<!tpu.dma_semaphore, #tpu.memory_space<semaphore_mem>>) src(%dma_wait3A_2024 : memref<2600000x16xf32, #tpu.memory_space<hbm>>) dst(%dma_wait3A_2018 : memref<128x16xf32, #tpu.memory_space<vmem>>)
      %dma_wait3A_2025 = arith.constant 5 : i32
      %dma_wait3A_2026 = arith.constant 640 : i32
      %dma_wait3A_2027 = arith.constant 0 : i32
      %dma_wait3A_2028 = tpu.memref_slice %arg7[%dma_wait3A_2026, %dma_wait3A_2027] : memref<2560x16xf32, #tpu.memory_space<vmem>> -> memref<128x16xf32, #tpu.memory_space<vmem>>
      %dma_wait3A_2029 = arith.constant 0 : i32
      %dma_wait3A_2030 = tpu.memref_slice %arg6[%dma_wait3A_2025, %dma_wait3A_2029] : memref<20x128xi32, #tpu.memory_space<vmem>> -> memref<1x128xi32, #tpu.memory_space<vmem>>
      %dma_wait3A_2031 = tpu.memref_squeeze %dma_wait3A_2030 : memref<1x128xi32, #tpu.memory_space<vmem>> -> memref<128xi32, #tpu.memory_space<vmem>>
      %dma_wait3A_2032 = arith.constant 0 : i32
      %dma_wait3A_2033 = arith.constant 0 : i32
      %dma_wait3A_2034 = tpu.memref_slice %arg3[%dma_wait3A_2032, %dma_wait3A_2033] : memref<2600000x16xf32, #tpu.memory_space<hbm>> -> memref<2600000x16xf32, #tpu.memory_space<hbm>>
      tpu.wait_indirect_dma semaphore(%arg9 : memref<!tpu.dma_semaphore, #tpu.memory_space<semaphore_mem>>) src(%dma_wait3A_2034 : memref<2600000x16xf32, #tpu.memory_space<hbm>>) dst(%dma_wait3A_2028 : memref<128x16xf32, #tpu.memory_space<vmem>>)
      %dma_wait3A_2035 = arith.constant 6 : i32
      %dma_wait3A_2036 = arith.constant 768 : i32
      %dma_wait3A_2037 = arith.constant 0 : i32
      %dma_wait3A_2038 = tpu.memref_slice %arg7[%dma_wait3A_2036, %dma_wait3A_2037] : memref<2560x16xf32, #tpu.memory_space<vmem>> -> memref<128x16xf32, #tpu.memory_space<vmem>>
      %dma_wait3A_2039 = arith.constant 0 : i32
      %dma_wait3A_2040 = tpu.memref_slice %arg6[%dma_wait3A_2035, %dma_wait3A_2039] : memref<20x128xi32, #tpu.memory_space<vmem>> -> memref<1x128xi32, #tpu.memory_space<vmem>>
      %dma_wait3A_2041 = tpu.memref_squeeze %dma_wait3A_2040 : memref<1x128xi32, #tpu.memory_space<vmem>> -> memref<128xi32, #tpu.memory_space<vmem>>
      %dma_wait3A_2042 = arith.constant 0 : i32
      %dma_wait3A_2043 = arith.constant 0 : i32
      %dma_wait3A_2044 = tpu.memref_slice %arg3[%dma_wait3A_2042, %dma_wait3A_2043] : memref<2600000x16xf32, #tpu.memory_space<hbm>> -> memref<2600000x16xf32, #tpu.memory_space<hbm>>
      tpu.wait_indirect_dma semaphore(%arg9 : memref<!tpu.dma_semaphore, #tpu.memory_space<semaphore_mem>>) src(%dma_wait3A_2044 : memref<2600000x16xf32, #tpu.memory_space<hbm>>) dst(%dma_wait3A_2038 : memref<128x16xf32, #tpu.memory_space<vmem>>)
      %dma_wait3A_2045 = arith.constant 7 : i32
      %dma_wait3A_2046 = arith.constant 896 : i32
      %dma_wait3A_2047 = arith.constant 0 : i32
      %dma_wait3A_2048 = tpu.memref_slice %arg7[%dma_wait3A_2046, %dma_wait3A_2047] : memref<2560x16xf32, #tpu.memory_space<vmem>> -> memref<128x16xf32, #tpu.memory_space<vmem>>
      %dma_wait3A_2049 = arith.constant 0 : i32
      %dma_wait3A_2050 = tpu.memref_slice %arg6[%dma_wait3A_2045, %dma_wait3A_2049] : memref<20x128xi32, #tpu.memory_space<vmem>> -> memref<1x128xi32, #tpu.memory_space<vmem>>
      %dma_wait3A_2051 = tpu.memref_squeeze %dma_wait3A_2050 : memref<1x128xi32, #tpu.memory_space<vmem>> -> memref<128xi32, #tpu.memory_space<vmem>>
      %dma_wait3A_2052 = arith.constant 0 : i32
      %dma_wait3A_2053 = arith.constant 0 : i32
      %dma_wait3A_2054 = tpu.memref_slice %arg3[%dma_wait3A_2052, %dma_wait3A_2053] : memref<2600000x16xf32, #tpu.memory_space<hbm>> -> memref<2600000x16xf32, #tpu.memory_space<hbm>>
      tpu.wait_indirect_dma semaphore(%arg9 : memref<!tpu.dma_semaphore, #tpu.memory_space<semaphore_mem>>) src(%dma_wait3A_2054 : memref<2600000x16xf32, #tpu.memory_space<hbm>>) dst(%dma_wait3A_2048 : memref<128x16xf32, #tpu.memory_space<vmem>>)
      %dma_wait3A_2055 = arith.constant 8 : i32
      %dma_wait3A_2056 = arith.constant 1024 : i32
      %dma_wait3A_2057 = arith.constant 0 : i32
      %dma_wait3A_2058 = tpu.memref_slice %arg7[%dma_wait3A_2056, %dma_wait3A_2057] : memref<2560x16xf32, #tpu.memory_space<vmem>> -> memref<128x16xf32, #tpu.memory_space<vmem>>
      %dma_wait3A_2059 = arith.constant 0 : i32
      %dma_wait3A_2060 = tpu.memref_slice %arg6[%dma_wait3A_2055, %dma_wait3A_2059] : memref<20x128xi32, #tpu.memory_space<vmem>> -> memref<1x128xi32, #tpu.memory_space<vmem>>
      %dma_wait3A_2061 = tpu.memref_squeeze %dma_wait3A_2060 : memref<1x128xi32, #tpu.memory_space<vmem>> -> memref<128xi32, #tpu.memory_space<vmem>>
      %dma_wait3A_2062 = arith.constant 0 : i32
      %dma_wait3A_2063 = arith.constant 0 : i32
      %dma_wait3A_2064 = tpu.memref_slice %arg3[%dma_wait3A_2062, %dma_wait3A_2063] : memref<2600000x16xf32, #tpu.memory_space<hbm>> -> memref<2600000x16xf32, #tpu.memory_space<hbm>>
      tpu.wait_indirect_dma semaphore(%arg9 : memref<!tpu.dma_semaphore, #tpu.memory_space<semaphore_mem>>) src(%dma_wait3A_2064 : memref<2600000x16xf32, #tpu.memory_space<hbm>>) dst(%dma_wait3A_2058 : memref<128x16xf32, #tpu.memory_space<vmem>>)
      %dma_wait3A_2065 = arith.constant 9 : i32
      %dma_wait3A_2066 = arith.constant 1152 : i32
      %dma_wait3A_2067 = arith.constant 0 : i32
      %dma_wait3A_2068 = tpu.memref_slice %arg7[%dma_wait3A_2066, %dma_wait3A_2067] : memref<2560x16xf32, #tpu.memory_space<vmem>> -> memref<128x16xf32, #tpu.memory_space<vmem>>
      %dma_wait3A_2069 = arith.constant 0 : i32
      %dma_wait3A_2070 = tpu.memref_slice %arg6[%dma_wait3A_2065, %dma_wait3A_2069] : memref<20x128xi32, #tpu.memory_space<vmem>> -> memref<1x128xi32, #tpu.memory_space<vmem>>
      %dma_wait3A_2071 = tpu.memref_squeeze %dma_wait3A_2070 : memref<1x128xi32, #tpu.memory_space<vmem>> -> memref<128xi32, #tpu.memory_space<vmem>>
      %dma_wait3A_2072 = arith.constant 0 : i32
      %dma_wait3A_2073 = arith.constant 0 : i32
      %dma_wait3A_2074 = tpu.memref_slice %arg3[%dma_wait3A_2072, %dma_wait3A_2073] : memref<2600000x16xf32, #tpu.memory_space<hbm>> -> memref<2600000x16xf32, #tpu.memory_space<hbm>>
      tpu.wait_indirect_dma semaphore(%arg9 : memref<!tpu.dma_semaphore, #tpu.memory_space<semaphore_mem>>) src(%dma_wait3A_2074 : memref<2600000x16xf32, #tpu.memory_space<hbm>>) dst(%dma_wait3A_2068 : memref<128x16xf32, #tpu.memory_space<vmem>>)
      %dma_wait3A_2075 = arith.constant 10 : i32
      %dma_wait3A_2076 = arith.constant 1280 : i32
      %dma_wait3A_2077 = arith.constant 0 : i32
      %dma_wait3A_2078 = tpu.memref_slice %arg7[%dma_wait3A_2076, %dma_wait3A_2077] : memref<2560x16xf32, #tpu.memory_space<vmem>> -> memref<128x16xf32, #tpu.memory_space<vmem>>
      %dma_wait3A_2079 = arith.constant 0 : i32
      %dma_wait3A_2080 = tpu.memref_slice %arg6[%dma_wait3A_2075, %dma_wait3A_2079] : memref<20x128xi32, #tpu.memory_space<vmem>> -> memref<1x128xi32, #tpu.memory_space<vmem>>
      %dma_wait3A_2081 = tpu.memref_squeeze %dma_wait3A_2080 : memref<1x128xi32, #tpu.memory_space<vmem>> -> memref<128xi32, #tpu.memory_space<vmem>>
      %dma_wait3A_2082 = arith.constant 0 : i32
      %dma_wait3A_2083 = arith.constant 0 : i32
      %dma_wait3A_2084 = tpu.memref_slice %arg3[%dma_wait3A_2082, %dma_wait3A_2083] : memref<2600000x16xf32, #tpu.memory_space<hbm>> -> memref<2600000x16xf32, #tpu.memory_space<hbm>>
      tpu.wait_indirect_dma semaphore(%arg9 : memref<!tpu.dma_semaphore, #tpu.memory_space<semaphore_mem>>) src(%dma_wait3A_2084 : memref<2600000x16xf32, #tpu.memory_space<hbm>>) dst(%dma_wait3A_2078 : memref<128x16xf32, #tpu.memory_space<vmem>>)
      %dma_wait3A_2085 = arith.constant 11 : i32
      %dma_wait3A_2086 = arith.constant 1408 : i32
      %dma_wait3A_2087 = arith.constant 0 : i32
      %dma_wait3A_2088 = tpu.memref_slice %arg7[%dma_wait3A_2086, %dma_wait3A_2087] : memref<2560x16xf32, #tpu.memory_space<vmem>> -> memref<128x16xf32, #tpu.memory_space<vmem>>
      %dma_wait3A_2089 = arith.constant 0 : i32
      %dma_wait3A_2090 = tpu.memref_slice %arg6[%dma_wait3A_2085, %dma_wait3A_2089] : memref<20x128xi32, #tpu.memory_space<vmem>> -> memref<1x128xi32, #tpu.memory_space<vmem>>
      %dma_wait3A_2091 = tpu.memref_squeeze %dma_wait3A_2090 : memref<1x128xi32, #tpu.memory_space<vmem>> -> memref<128xi32, #tpu.memory_space<vmem>>
      %dma_wait3A_2092 = arith.constant 0 : i32
      %dma_wait3A_2093 = arith.constant 0 : i32
      %dma_wait3A_2094 = tpu.memref_slice %arg3[%dma_wait3A_2092, %dma_wait3A_2093] : memref<2600000x16xf32, #tpu.memory_space<hbm>> -> memref<2600000x16xf32, #tpu.memory_space<hbm>>
      tpu.wait_indirect_dma semaphore(%arg9 : memref<!tpu.dma_semaphore, #tpu.memory_space<semaphore_mem>>) src(%dma_wait3A_2094 : memref<2600000x16xf32, #tpu.memory_space<hbm>>) dst(%dma_wait3A_2088 : memref<128x16xf32, #tpu.memory_space<vmem>>)
      %dma_wait3A_2095 = arith.constant 12 : i32
      %dma_wait3A_2096 = arith.constant 1536 : i32
      %dma_wait3A_2097 = arith.constant 0 : i32
      %dma_wait3A_2098 = tpu.memref_slice %arg7[%dma_wait3A_2096, %dma_wait3A_2097] : memref<2560x16xf32, #tpu.memory_space<vmem>> -> memref<128x16xf32, #tpu.memory_space<vmem>>
      %dma_wait3A_2099 = arith.constant 0 : i32
      %dma_wait3A_2100 = tpu.memref_slice %arg6[%dma_wait3A_2095, %dma_wait3A_2099] : memref<20x128xi32, #tpu.memory_space<vmem>> -> memref<1x128xi32, #tpu.memory_space<vmem>>
      %dma_wait3A_2101 = tpu.memref_squeeze %dma_wait3A_2100 : memref<1x128xi32, #tpu.memory_space<vmem>> -> memref<128xi32, #tpu.memory_space<vmem>>
      %dma_wait3A_2102 = arith.constant 0 : i32
      %dma_wait3A_2103 = arith.constant 0 : i32
      %dma_wait3A_2104 = tpu.memref_slice %arg3[%dma_wait3A_2102, %dma_wait3A_2103] : memref<2600000x16xf32, #tpu.memory_space<hbm>> -> memref<2600000x16xf32, #tpu.memory_space<hbm>>
      tpu.wait_indirect_dma semaphore(%arg9 : memref<!tpu.dma_semaphore, #tpu.memory_space<semaphore_mem>>) src(%dma_wait3A_2104 : memref<2600000x16xf32, #tpu.memory_space<hbm>>) dst(%dma_wait3A_2098 : memref<128x16xf32, #tpu.memory_space<vmem>>)
      %dma_wait3A_2105 = arith.constant 13 : i32
      %dma_wait3A_2106 = arith.constant 1664 : i32
      %dma_wait3A_2107 = arith.constant 0 : i32
      %dma_wait3A_2108 = tpu.memref_slice %arg7[%dma_wait3A_2106, %dma_wait3A_2107] : memref<2560x16xf32, #tpu.memory_space<vmem>> -> memref<128x16xf32, #tpu.memory_space<vmem>>
      %dma_wait3A_2109 = arith.constant 0 : i32
      %dma_wait3A_2110 = tpu.memref_slice %arg6[%dma_wait3A_2105, %dma_wait3A_2109] : memref<20x128xi32, #tpu.memory_space<vmem>> -> memref<1x128xi32, #tpu.memory_space<vmem>>
      %dma_wait3A_2111 = tpu.memref_squeeze %dma_wait3A_2110 : memref<1x128xi32, #tpu.memory_space<vmem>> -> memref<128xi32, #tpu.memory_space<vmem>>
      %dma_wait3A_2112 = arith.constant 0 : i32
      %dma_wait3A_2113 = arith.constant 0 : i32
      %dma_wait3A_2114 = tpu.memref_slice %arg3[%dma_wait3A_2112, %dma_wait3A_2113] : memref<2600000x16xf32, #tpu.memory_space<hbm>> -> memref<2600000x16xf32, #tpu.memory_space<hbm>>
      tpu.wait_indirect_dma semaphore(%arg9 : memref<!tpu.dma_semaphore, #tpu.memory_space<semaphore_mem>>) src(%dma_wait3A_2114 : memref<2600000x16xf32, #tpu.memory_space<hbm>>) dst(%dma_wait3A_2108 : memref<128x16xf32, #tpu.memory_space<vmem>>)
      %dma_wait3A_2115 = arith.constant 14 : i32
      %dma_wait3A_2116 = arith.constant 1792 : i32
      %dma_wait3A_2117 = arith.constant 0 : i32
      %dma_wait3A_2118 = tpu.memref_slice %arg7[%dma_wait3A_2116, %dma_wait3A_2117] : memref<2560x16xf32, #tpu.memory_space<vmem>> -> memref<128x16xf32, #tpu.memory_space<vmem>>
      %dma_wait3A_2119 = arith.constant 0 : i32
      %dma_wait3A_2120 = tpu.memref_slice %arg6[%dma_wait3A_2115, %dma_wait3A_2119] : memref<20x128xi32, #tpu.memory_space<vmem>> -> memref<1x128xi32, #tpu.memory_space<vmem>>
      %dma_wait3A_2121 = tpu.memref_squeeze %dma_wait3A_2120 : memref<1x128xi32, #tpu.memory_space<vmem>> -> memref<128xi32, #tpu.memory_space<vmem>>
      %dma_wait3A_2122 = arith.constant 0 : i32
      %dma_wait3A_2123 = arith.constant 0 : i32
      %dma_wait3A_2124 = tpu.memref_slice %arg3[%dma_wait3A_2122, %dma_wait3A_2123] : memref<2600000x16xf32, #tpu.memory_space<hbm>> -> memref<2600000x16xf32, #tpu.memory_space<hbm>>
      tpu.wait_indirect_dma semaphore(%arg9 : memref<!tpu.dma_semaphore, #tpu.memory_space<semaphore_mem>>) src(%dma_wait3A_2124 : memref<2600000x16xf32, #tpu.memory_space<hbm>>) dst(%dma_wait3A_2118 : memref<128x16xf32, #tpu.memory_space<vmem>>)
      %dma_wait3A_2125 = arith.constant 15 : i32
      %dma_wait3A_2126 = arith.constant 1920 : i32
      %dma_wait3A_2127 = arith.constant 0 : i32
      %dma_wait3A_2128 = tpu.memref_slice %arg7[%dma_wait3A_2126, %dma_wait3A_2127] : memref<2560x16xf32, #tpu.memory_space<vmem>> -> memref<128x16xf32, #tpu.memory_space<vmem>>
      %dma_wait3A_2129 = arith.constant 0 : i32
      %dma_wait3A_2130 = tpu.memref_slice %arg6[%dma_wait3A_2125, %dma_wait3A_2129] : memref<20x128xi32, #tpu.memory_space<vmem>> -> memref<1x128xi32, #tpu.memory_space<vmem>>
      %dma_wait3A_2131 = tpu.memref_squeeze %dma_wait3A_2130 : memref<1x128xi32, #tpu.memory_space<vmem>> -> memref<128xi32, #tpu.memory_space<vmem>>
      %dma_wait3A_2132 = arith.constant 0 : i32
      %dma_wait3A_2133 = arith.constant 0 : i32
      %dma_wait3A_2134 = tpu.memref_slice %arg3[%dma_wait3A_2132, %dma_wait3A_2133] : memref<2600000x16xf32, #tpu.memory_space<hbm>> -> memref<2600000x16xf32, #tpu.memory_space<hbm>>
      tpu.wait_indirect_dma semaphore(%arg9 : memref<!tpu.dma_semaphore, #tpu.memory_space<semaphore_mem>>) src(%dma_wait3A_2134 : memref<2600000x16xf32, #tpu.memory_space<hbm>>) dst(%dma_wait3A_2128 : memref<128x16xf32, #tpu.memory_space<vmem>>)
      %dma_wait3A_2135 = arith.constant 16 : i32
      %dma_wait3A_2136 = arith.constant 2048 : i32
      %dma_wait3A_2137 = arith.constant 0 : i32
      %dma_wait3A_2138 = tpu.memref_slice %arg7[%dma_wait3A_2136, %dma_wait3A_2137] : memref<2560x16xf32, #tpu.memory_space<vmem>> -> memref<128x16xf32, #tpu.memory_space<vmem>>
      %dma_wait3A_2139 = arith.constant 0 : i32
      %dma_wait3A_2140 = tpu.memref_slice %arg6[%dma_wait3A_2135, %dma_wait3A_2139] : memref<20x128xi32, #tpu.memory_space<vmem>> -> memref<1x128xi32, #tpu.memory_space<vmem>>
      %dma_wait3A_2141 = tpu.memref_squeeze %dma_wait3A_2140 : memref<1x128xi32, #tpu.memory_space<vmem>> -> memref<128xi32, #tpu.memory_space<vmem>>
      %dma_wait3A_2142 = arith.constant 0 : i32
      %dma_wait3A_2143 = arith.constant 0 : i32
      %dma_wait3A_2144 = tpu.memref_slice %arg3[%dma_wait3A_2142, %dma_wait3A_2143] : memref<2600000x16xf32, #tpu.memory_space<hbm>> -> memref<2600000x16xf32, #tpu.memory_space<hbm>>
      tpu.wait_indirect_dma semaphore(%arg9 : memref<!tpu.dma_semaphore, #tpu.memory_space<semaphore_mem>>) src(%dma_wait3A_2144 : memref<2600000x16xf32, #tpu.memory_space<hbm>>) dst(%dma_wait3A_2138 : memref<128x16xf32, #tpu.memory_space<vmem>>)
      %dma_wait3A_2145 = arith.constant 17 : i32
      %dma_wait3A_2146 = arith.constant 2176 : i32
      %dma_wait3A_2147 = arith.constant 0 : i32
      %dma_wait3A_2148 = tpu.memref_slice %arg7[%dma_wait3A_2146, %dma_wait3A_2147] : memref<2560x16xf32, #tpu.memory_space<vmem>> -> memref<128x16xf32, #tpu.memory_space<vmem>>
      %dma_wait3A_2149 = arith.constant 0 : i32
      %dma_wait3A_2150 = tpu.memref_slice %arg6[%dma_wait3A_2145, %dma_wait3A_2149] : memref<20x128xi32, #tpu.memory_space<vmem>> -> memref<1x128xi32, #tpu.memory_space<vmem>>
      %dma_wait3A_2151 = tpu.memref_squeeze %dma_wait3A_2150 : memref<1x128xi32, #tpu.memory_space<vmem>> -> memref<128xi32, #tpu.memory_space<vmem>>
      %dma_wait3A_2152 = arith.constant 0 : i32
      %dma_wait3A_2153 = arith.constant 0 : i32
      %dma_wait3A_2154 = tpu.memref_slice %arg3[%dma_wait3A_2152, %dma_wait3A_2153] : memref<2600000x16xf32, #tpu.memory_space<hbm>> -> memref<2600000x16xf32, #tpu.memory_space<hbm>>
      tpu.wait_indirect_dma semaphore(%arg9 : memref<!tpu.dma_semaphore, #tpu.memory_space<semaphore_mem>>) src(%dma_wait3A_2154 : memref<2600000x16xf32, #tpu.memory_space<hbm>>) dst(%dma_wait3A_2148 : memref<128x16xf32, #tpu.memory_space<vmem>>)
      %dma_wait3A_2155 = arith.constant 18 : i32
      %dma_wait3A_2156 = arith.constant 2304 : i32
      %dma_wait3A_2157 = arith.constant 0 : i32
      %dma_wait3A_2158 = tpu.memref_slice %arg7[%dma_wait3A_2156, %dma_wait3A_2157] : memref<2560x16xf32, #tpu.memory_space<vmem>> -> memref<128x16xf32, #tpu.memory_space<vmem>>
      %dma_wait3A_2159 = arith.constant 0 : i32
      %dma_wait3A_2160 = tpu.memref_slice %arg6[%dma_wait3A_2155, %dma_wait3A_2159] : memref<20x128xi32, #tpu.memory_space<vmem>> -> memref<1x128xi32, #tpu.memory_space<vmem>>
      %dma_wait3A_2161 = tpu.memref_squeeze %dma_wait3A_2160 : memref<1x128xi32, #tpu.memory_space<vmem>> -> memref<128xi32, #tpu.memory_space<vmem>>
      %dma_wait3A_2162 = arith.constant 0 : i32
      %dma_wait3A_2163 = arith.constant 0 : i32
      %dma_wait3A_2164 = tpu.memref_slice %arg3[%dma_wait3A_2162, %dma_wait3A_2163] : memref<2600000x16xf32, #tpu.memory_space<hbm>> -> memref<2600000x16xf32, #tpu.memory_space<hbm>>
      tpu.wait_indirect_dma semaphore(%arg9 : memref<!tpu.dma_semaphore, #tpu.memory_space<semaphore_mem>>) src(%dma_wait3A_2164 : memref<2600000x16xf32, #tpu.memory_space<hbm>>) dst(%dma_wait3A_2158 : memref<128x16xf32, #tpu.memory_space<vmem>>)
      %dma_wait3A_2165 = arith.constant 19 : i32
      %dma_wait3A_2166 = arith.constant 2432 : i32
      %dma_wait3A_2167 = arith.constant 0 : i32
      %dma_wait3A_2168 = tpu.memref_slice %arg7[%dma_wait3A_2166, %dma_wait3A_2167] : memref<2560x16xf32, #tpu.memory_space<vmem>> -> memref<128x16xf32, #tpu.memory_space<vmem>>
      %dma_wait3A_2169 = arith.constant 0 : i32
      %dma_wait3A_2170 = tpu.memref_slice %arg6[%dma_wait3A_2165, %dma_wait3A_2169] : memref<20x128xi32, #tpu.memory_space<vmem>> -> memref<1x128xi32, #tpu.memory_space<vmem>>
      %dma_wait3A_2171 = tpu.memref_squeeze %dma_wait3A_2170 : memref<1x128xi32, #tpu.memory_space<vmem>> -> memref<128xi32, #tpu.memory_space<vmem>>
      %dma_wait3A_2172 = arith.constant 0 : i32
      %dma_wait3A_2173 = arith.constant 0 : i32
      %dma_wait3A_2174 = tpu.memref_slice %arg3[%dma_wait3A_2172, %dma_wait3A_2173] : memref<2600000x16xf32, #tpu.memory_space<hbm>> -> memref<2600000x16xf32, #tpu.memory_space<hbm>>
      tpu.wait_indirect_dma semaphore(%arg9 : memref<!tpu.dma_semaphore, #tpu.memory_space<semaphore_mem>>) src(%dma_wait3A_2174 : memref<2600000x16xf32, #tpu.memory_space<hbm>>) dst(%dma_wait3A_2168 : memref<128x16xf32, #tpu.memory_space<vmem>>)
      %mul3A_2175 = arith.constant 16 : i32
      %mul3A_2176 = arith.muli %add3A_11, %mul3A_2175 : i32
      %scan3A_2177 = arith.constant 0 : i32
      %scan3A_2178 = arith.constant 128 : i32
      %scan3A_2179 = arith.addi %scan3A_2177, %scan3A_2178 : i32
      %scan3A_2180 = arith.constant 1 : i32
      scf.for %scan3A_2182 = %scan3A_2177 to %scan3A_2179 step %scan3A_2180  : i32 {
        %mul3A_2183 = arith.constant 1 : i32
        %mul3A_2184 = arith.muli %scan3A_2182, %mul3A_2183 : i32
        %add3A_2185 = arith.constant 0 : i32
        %add3A_2186 = arith.addi %add3A_2185, %mul3A_2184 : i32
        %mul3A_2187 = arith.constant 20 : i32
        %mul3A_2188 = arith.muli %add3A_2186, %mul3A_2187 : i32
        %get3A_2189 = arith.index_cast %mul3A_2188 : i32 to index
        %get3A_2190 = arith.constant 0 : index
        %get3A_2191 = tpu.vector_load %arg7[%get3A_2189, %get3A_2190] {strides = array<i32>} : memref<2560x16xf32, #tpu.memory_space<vmem>>, vector<1x16xf32>,
        %get3A_2192 = vector.shape_cast %get3A_2191 : vector<1x16xf32> to vector<16xf32>
        %add3A_2193 = arith.constant 1 : i32
        %add3A_2194 = arith.addi %mul3A_2188, %add3A_2193 : i32
        %get3A_2195 = arith.index_cast %add3A_2194 : i32 to index
        %get3A_2196 = arith.constant 0 : index
        %get3A_2197 = tpu.vector_load %arg7[%get3A_2195, %get3A_2196] {strides = array<i32>} : memref<2560x16xf32, #tpu.memory_space<vmem>>, vector<1x16xf32>,
        %get3A_2198 = vector.shape_cast %get3A_2197 : vector<1x16xf32> to vector<16xf32>
        %add3A_2199 = arith.addf %get3A_2192, %get3A_2198 : vector<16xf32>
        %add3A_2200 = arith.constant 2 : i32
        %add3A_2201 = arith.addi %mul3A_2188, %add3A_2200 : i32
        %get3A_2202 = arith.index_cast %add3A_2201 : i32 to index
        %get3A_2203 = arith.constant 0 : index
        %get3A_2204 = tpu.vector_load %arg7[%get3A_2202, %get3A_2203] {strides = array<i32>} : memref<2560x16xf32, #tpu.memory_space<vmem>>, vector<1x16xf32>,
        %get3A_2205 = vector.shape_cast %get3A_2204 : vector<1x16xf32> to vector<16xf32>
        %add3A_2206 = arith.addf %add3A_2199, %get3A_2205 : vector<16xf32>
        %add3A_2207 = arith.constant 3 : i32
        %add3A_2208 = arith.addi %mul3A_2188, %add3A_2207 : i32
        %get3A_2209 = arith.index_cast %add3A_2208 : i32 to index
        %get3A_2210 = arith.constant 0 : index
        %get3A_2211 = tpu.vector_load %arg7[%get3A_2209, %get3A_2210] {strides = array<i32>} : memref<2560x16xf32, #tpu.memory_space<vmem>>, vector<1x16xf32>,
        %get3A_2212 = vector.shape_cast %get3A_2211 : vector<1x16xf32> to vector<16xf32>
        %add3A_2213 = arith.addf %add3A_2206, %get3A_2212 : vector<16xf32>
        %add3A_2214 = arith.constant 4 : i32
        %add3A_2215 = arith.addi %mul3A_2188, %add3A_2214 : i32
        %get3A_2216 = arith.index_cast %add3A_2215 : i32 to index
        %get3A_2217 = arith.constant 0 : index
        %get3A_2218 = tpu.vector_load %arg7[%get3A_2216, %get3A_2217] {strides = array<i32>} : memref<2560x16xf32, #tpu.memory_space<vmem>>, vector<1x16xf32>,
        %get3A_2219 = vector.shape_cast %get3A_2218 : vector<1x16xf32> to vector<16xf32>
        %add3A_2220 = arith.addf %add3A_2213, %get3A_2219 : vector<16xf32>
        %add3A_2221 = arith.constant 5 : i32
        %add3A_2222 = arith.addi %mul3A_2188, %add3A_2221 : i32
        %get3A_2223 = arith.index_cast %add3A_2222 : i32 to index
        %get3A_2224 = arith.constant 0 : index
        %get3A_2225 = tpu.vector_load %arg7[%get3A_2223, %get3A_2224] {strides = array<i32>} : memref<2560x16xf32, #tpu.memory_space<vmem>>, vector<1x16xf32>,
        %get3A_2226 = vector.shape_cast %get3A_2225 : vector<1x16xf32> to vector<16xf32>
        %add3A_2227 = arith.addf %add3A_2220, %get3A_2226 : vector<16xf32>
        %add3A_2228 = arith.constant 6 : i32
        %add3A_2229 = arith.addi %mul3A_2188, %add3A_2228 : i32
        %get3A_2230 = arith.index_cast %add3A_2229 : i32 to index
        %get3A_2231 = arith.constant 0 : index
        %get3A_2232 = tpu.vector_load %arg7[%get3A_2230, %get3A_2231] {strides = array<i32>} : memref<2560x16xf32, #tpu.memory_space<vmem>>, vector<1x16xf32>,
        %get3A_2233 = vector.shape_cast %get3A_2232 : vector<1x16xf32> to vector<16xf32>
        %add3A_2234 = arith.addf %add3A_2227, %get3A_2233 : vector<16xf32>
        %add3A_2235 = arith.constant 7 : i32
        %add3A_2236 = arith.addi %mul3A_2188, %add3A_2235 : i32
        %get3A_2237 = arith.index_cast %add3A_2236 : i32 to index
        %get3A_2238 = arith.constant 0 : index
        %get3A_2239 = tpu.vector_load %arg7[%get3A_2237, %get3A_2238] {strides = array<i32>} : memref<2560x16xf32, #tpu.memory_space<vmem>>, vector<1x16xf32>,
        %get3A_2240 = vector.shape_cast %get3A_2239 : vector<1x16xf32> to vector<16xf32>
        %add3A_2241 = arith.addf %add3A_2234, %get3A_2240 : vector<16xf32>
        %add3A_2242 = arith.constant 8 : i32
        %add3A_2243 = arith.addi %mul3A_2188, %add3A_2242 : i32
        %get3A_2244 = arith.index_cast %add3A_2243 : i32 to index
        %get3A_2245 = arith.constant 0 : index
        %get3A_2246 = tpu.vector_load %arg7[%get3A_2244, %get3A_2245] {strides = array<i32>} : memref<2560x16xf32, #tpu.memory_space<vmem>>, vector<1x16xf32>,
        %get3A_2247 = vector.shape_cast %get3A_2246 : vector<1x16xf32> to vector<16xf32>
        %add3A_2248 = arith.addf %add3A_2241, %get3A_2247 : vector<16xf32>
        %add3A_2249 = arith.constant 9 : i32
        %add3A_2250 = arith.addi %mul3A_2188, %add3A_2249 : i32
        %get3A_2251 = arith.index_cast %add3A_2250 : i32 to index
        %get3A_2252 = arith.constant 0 : index
        %get3A_2253 = tpu.vector_load %arg7[%get3A_2251, %get3A_2252] {strides = array<i32>} : memref<2560x16xf32, #tpu.memory_space<vmem>>, vector<1x16xf32>,
        %get3A_2254 = vector.shape_cast %get3A_2253 : vector<1x16xf32> to vector<16xf32>
        %add3A_2255 = arith.addf %add3A_2248, %get3A_2254 : vector<16xf32>
        %add3A_2256 = arith.constant 10 : i32
        %add3A_2257 = arith.addi %mul3A_2188, %add3A_2256 : i32
        %get3A_2258 = arith.index_cast %add3A_2257 : i32 to index
        %get3A_2259 = arith.constant 0 : index
        %get3A_2260 = tpu.vector_load %arg7[%get3A_2258, %get3A_2259] {strides = array<i32>} : memref<2560x16xf32, #tpu.memory_space<vmem>>, vector<1x16xf32>,
        %get3A_2261 = vector.shape_cast %get3A_2260 : vector<1x16xf32> to vector<16xf32>
        %add3A_2262 = arith.addf %add3A_2255, %get3A_2261 : vector<16xf32>
        %add3A_2263 = arith.constant 11 : i32
        %add3A_2264 = arith.addi %mul3A_2188, %add3A_2263 : i32
        %get3A_2265 = arith.index_cast %add3A_2264 : i32 to index
        %get3A_2266 = arith.constant 0 : index
        %get3A_2267 = tpu.vector_load %arg7[%get3A_2265, %get3A_2266] {strides = array<i32>} : memref<2560x16xf32, #tpu.memory_space<vmem>>, vector<1x16xf32>,
        %get3A_2268 = vector.shape_cast %get3A_2267 : vector<1x16xf32> to vector<16xf32>
        %add3A_2269 = arith.addf %add3A_2262, %get3A_2268 : vector<16xf32>
        %add3A_2270 = arith.constant 12 : i32
        %add3A_2271 = arith.addi %mul3A_2188, %add3A_2270 : i32
        %get3A_2272 = arith.index_cast %add3A_2271 : i32 to index
        %get3A_2273 = arith.constant 0 : index
        %get3A_2274 = tpu.vector_load %arg7[%get3A_2272, %get3A_2273] {strides = array<i32>} : memref<2560x16xf32, #tpu.memory_space<vmem>>, vector<1x16xf32>,
        %get3A_2275 = vector.shape_cast %get3A_2274 : vector<1x16xf32> to vector<16xf32>
        %add3A_2276 = arith.addf %add3A_2269, %get3A_2275 : vector<16xf32>
        %add3A_2277 = arith.constant 13 : i32
        %add3A_2278 = arith.addi %mul3A_2188, %add3A_2277 : i32
        %get3A_2279 = arith.index_cast %add3A_2278 : i32 to index
        %get3A_2280 = arith.constant 0 : index
        %get3A_2281 = tpu.vector_load %arg7[%get3A_2279, %get3A_2280] {strides = array<i32>} : memref<2560x16xf32, #tpu.memory_space<vmem>>, vector<1x16xf32>,
        %get3A_2282 = vector.shape_cast %get3A_2281 : vector<1x16xf32> to vector<16xf32>
        %add3A_2283 = arith.addf %add3A_2276, %get3A_2282 : vector<16xf32>
        %add3A_2284 = arith.constant 14 : i32
        %add3A_2285 = arith.addi %mul3A_2188, %add3A_2284 : i32
        %get3A_2286 = arith.index_cast %add3A_2285 : i32 to index
        %get3A_2287 = arith.constant 0 : index
        %get3A_2288 = tpu.vector_load %arg7[%get3A_2286, %get3A_2287] {strides = array<i32>} : memref<2560x16xf32, #tpu.memory_space<vmem>>, vector<1x16xf32>,
        %get3A_2289 = vector.shape_cast %get3A_2288 : vector<1x16xf32> to vector<16xf32>
        %add3A_2290 = arith.addf %add3A_2283, %get3A_2289 : vector<16xf32>
        %add3A_2291 = arith.constant 15 : i32
        %add3A_2292 = arith.addi %mul3A_2188, %add3A_2291 : i32
        %get3A_2293 = arith.index_cast %add3A_2292 : i32 to index
        %get3A_2294 = arith.constant 0 : index
        %get3A_2295 = tpu.vector_load %arg7[%get3A_2293, %get3A_2294] {strides = array<i32>} : memref<2560x16xf32, #tpu.memory_space<vmem>>, vector<1x16xf32>,
        %get3A_2296 = vector.shape_cast %get3A_2295 : vector<1x16xf32> to vector<16xf32>
        %add3A_2297 = arith.addf %add3A_2290, %get3A_2296 : vector<16xf32>
        %add3A_2298 = arith.constant 16 : i32
        %add3A_2299 = arith.addi %mul3A_2188, %add3A_2298 : i32
        %get3A_2300 = arith.index_cast %add3A_2299 : i32 to index
        %get3A_2301 = arith.constant 0 : index
        %get3A_2302 = tpu.vector_load %arg7[%get3A_2300, %get3A_2301] {strides = array<i32>} : memref<2560x16xf32, #tpu.memory_space<vmem>>, vector<1x16xf32>,
        %get3A_2303 = vector.shape_cast %get3A_2302 : vector<1x16xf32> to vector<16xf32>
        %add3A_2304 = arith.addf %add3A_2297, %get3A_2303 : vector<16xf32>
        %add3A_2305 = arith.constant 17 : i32
        %add3A_2306 = arith.addi %mul3A_2188, %add3A_2305 : i32
        %get3A_2307 = arith.index_cast %add3A_2306 : i32 to index
        %get3A_2308 = arith.constant 0 : index
        %get3A_2309 = tpu.vector_load %arg7[%get3A_2307, %get3A_2308] {strides = array<i32>} : memref<2560x16xf32, #tpu.memory_space<vmem>>, vector<1x16xf32>,
        %get3A_2310 = vector.shape_cast %get3A_2309 : vector<1x16xf32> to vector<16xf32>
        %add3A_2311 = arith.addf %add3A_2304, %get3A_2310 : vector<16xf32>
        %add3A_2312 = arith.constant 18 : i32
        %add3A_2313 = arith.addi %mul3A_2188, %add3A_2312 : i32
        %get3A_2314 = arith.index_cast %add3A_2313 : i32 to index
        %get3A_2315 = arith.constant 0 : index
        %get3A_2316 = tpu.vector_load %arg7[%get3A_2314, %get3A_2315] {strides = array<i32>} : memref<2560x16xf32, #tpu.memory_space<vmem>>, vector<1x16xf32>,
        %get3A_2317 = vector.shape_cast %get3A_2316 : vector<1x16xf32> to vector<16xf32>
        %add3A_2318 = arith.addf %add3A_2311, %get3A_2317 : vector<16xf32>
        %add3A_2319 = arith.constant 19 : i32
        %add3A_2320 = arith.addi %mul3A_2188, %add3A_2319 : i32
        %get3A_2321 = arith.index_cast %add3A_2320 : i32 to index
        %get3A_2322 = arith.constant 0 : index
        %get3A_2323 = tpu.vector_load %arg7[%get3A_2321, %get3A_2322] {strides = array<i32>} : memref<2560x16xf32, #tpu.memory_space<vmem>>, vector<1x16xf32>,
        %get3A_2324 = vector.shape_cast %get3A_2323 : vector<1x16xf32> to vector<16xf32>
        %add3A_2325 = arith.addf %add3A_2318, %get3A_2324 : vector<16xf32>
        %mul3A_2326 = arith.constant 5.000000e-02 : f32
        %mul3A_2327 = vector.broadcast %mul3A_2326 : f32 to vector<16xf32>
        %mul3A_2328 = arith.mulf %add3A_2325, %mul3A_2327 : vector<16xf32>
        %swap3A_2329 = arith.index_cast %add3A_2186 : i32 to index
        %swap3A_2330 = arith.index_cast %mul3A_2176 : i32 to index
        %swap3A_2331 = tpu.vector_load %arg8[%swap3A_2329, %swap3A_2330] {strides = array<i32>} : memref<128x416xf32, #tpu.memory_space<vmem>>, vector<1x16xf32>,
        %swap3A_2332 = vector.shape_cast %swap3A_2331 : vector<1x16xf32> to vector<16xf32>
        %swap3A_2333 = vector.shape_cast %mul3A_2328 : vector<16xf32> to vector<1x16xf32>
        tpu.vector_store %arg8[%swap3A_2329, %swap3A_2330], %swap3A_2333 {strides = array<i32>} : memref<128x416xf32, #tpu.memory_space<vmem>>, vector<1x16xf32>,
      }
      %scan3A_2181 = arith.constant 128 : i32
    }
    %scan3A_6 = arith.constant 26 : i32
    "tpu.region"() ({
      %run_scoped3A = tpu.sem_alloc : memref<!tpu.dma_semaphore, #tpu.memory_space<semaphore_mem>>
      %dma_start3A = arith.constant 0 : i32
      %dma_start3A_7 = tpu.memref_slice %arg4[%mul3A_2, %dma_start3A] : memref<4096x416xf32, #tpu.memory_space<hbm>> -> memref<128x416xf32, #tpu.memory_space<hbm>>
      %dma_start3A_8 = arith.constant 0 : i32
      %dma_start3A_9 = tpu.memref_slice %arg4[%mul3A_2, %dma_start3A_8] : memref<4096x416xf32, #tpu.memory_space<hbm>> -> memref<128x416xf32, #tpu.memory_space<hbm>>
      tpu.enqueue_dma source(%arg8 : memref<128x416xf32, #tpu.memory_space<vmem>>) target(%dma_start3A_9 : memref<128x416xf32, #tpu.memory_space<hbm>>) target_semaphore(%run_scoped3A : memref<!tpu.dma_semaphore, #tpu.memory_space<semaphore_mem>>)
      %dma_wait3A = arith.constant 0 : i32
      %dma_wait3A_10 = tpu.memref_slice %arg4[%mul3A_2, %dma_wait3A] : memref<4096x416xf32, #tpu.memory_space<hbm>> -> memref<128x416xf32, #tpu.memory_space<hbm>>
      %dma_wait3A_11 = arith.constant 0 : i32
      %dma_wait3A_12 = tpu.memref_slice %arg4[%mul3A_2, %dma_wait3A_11] : memref<4096x416xf32, #tpu.memory_space<hbm>> -> memref<128x416xf32, #tpu.memory_space<hbm>>
      tpu.wait_dma2 semaphore(%run_scoped3A : memref<!tpu.dma_semaphore, #tpu.memory_space<semaphore_mem>>) src(%arg8 : memref<128x416xf32, #tpu.memory_space<vmem>>) dst(%dma_wait3A_12 : memref<128x416xf32, #tpu.memory_space<hbm>>)
      tpu.yield
    }) : () -> ()
    return
  }
}

</mosaic_0001>

<sc_bundles>
// kernel: kernel.3.cloned.1.call-start
scs
__scs_entry_jumppad:
0x0: {  	(pc) =	sbr.rel $0x88, $3  }
0x1: {  	(tag) =	ssettag $0x0;
	lr =	simm.s32 $0x1  }
0x2: {  	[smem:$0x3F9E] =	sst lr;
	_ =	strace $0xD0000000  }
0x3: {  	_ = 	snop  }
0x4: {  	_ = 	snop  }
0x5: {  	_ = 	snop  }
0x6: {  	_ = 	snop  }
0x7: {  	_ = 	snop  }
__scs_overlays_trampoline_lowered:
0x8: {  	[smem:$0x3FAD] =	sst s0  }
0x9: {  	[smem:$0x3FAE] =	sst s1  }
0xa: {  	[smem:$0x3FAF] =	sst s2  }
0xb: {  	[smem:$0x3FB0] =	sst s3  }
0xc: {  	[smem:$0x3FB1] =	sst s4  }
0xd: {  	[smem:$0x3FB2] =	sst s5  }
0xe: {  	[smem:$0x3FB3] =	sst s6  }
0xf: {  	[smem:$0x3FB4] =	sst s7  }
0x10: {  	[smem:$0x3FB5] =	sst s8  }
0x11: {  	[smem:$0x3FB6] =	sst s9;
	s0 =	simm.s32 @!p0 $0x0  }
0x12: {  	s1 =	sld [smem:$0x3F9C];
	s0 =	simm.s32 @p0 $0x1  }
0x13: {  	[smem:$0x3FB7] =	sst s0;
	s0 =	simm.s32 @!p1 $0x0  }
0x14: {  	s2 =	sld [smem:$0x3F9B];
	s0 =	simm.s32 @p1 $0x1  }
0x15: {  	[smem:$0x3FB8] =	sst s0;
	s0 =	simm.s32 @!p2 $0x0  }
0x16: {  	s3 =	sld [smem:$0x3FDB];
	s0 =	simm.s32 @p2 $0x1  }
0x17: {  	s4 =	simm.s32 $0x1BF5;
	[smem:$0x3FBA] =	sst s0  }
0x18: {  	s0 =	sld [smem:$0x3F9D];
	_ =	swait.ge [sflag:s4], $0x0  }
0x19: {  	s7 =	sld [smem:$0x3F9E]  }
0x1a: {  	s8 =	sadd.s32 $0xFFFFE003, lr  }
0x1b: {  	s9 =	sadd.s32 $0xFFFFFEF7, lr;
	s5 =	simm.s32 $0xFFFFFFFF;
	p2 =	slt.u32 s8, $0xFFFFF086  }
0x1c: {  	p1 =	slt.u32 s9, $0xF7A;
	s5 =	simm.s32 @!p2 $0x0  }
0x1d: {  	s5 =	simm.s32 @p1 $0x1;
	p0 =	seq.s32 s7, s2  }
0x1e: {  	s7 =	smul.u32 @!p0 $0xF7A, s2;
	p2 =	seq.s32 @!p0 s5, $0x0  }
0x1f: {  	s9 =	smul.u32 $0xF7A, s1;
	s8 =	simm.s32 @!p0 $0x1BF5;
	p2 =	por !p2, p0  }
0x20: {  	[sflag:s8] =	ssyncset.s32 @!p0 $0xFFFFF086;
	s6 =	sadd.s32 @!p0 s3, s7;
	s7 =	simm.s32 @!p0 $0x108  }
0x21: {  	s3 =	sadd.s32 s3, s9;
	s6 =	sadd.s32 @!p0 $0x88, s6;
	s7 =	simm.s32 @p2 $0x1082  }
0x22: {  	[simem:s7], [sflag:s8] =	dma.local @!p0 [hbm:s6], $0xF7A  }
0x23: {  	s9 =	sor.u32 $0xD0000000, s2;
	s6 =	simm.s32 $0x108;
	_ =	swait.ge @!p0 [sflag:s8], $0x0  }
0x24: {  	s3 =	sadd.s32 $0x88, s3;
	s6 =	simm.s32 @!p1 $0x1082;
	[sflag:s4] =	ssyncset.s32 $0xFFFFF086  }
0x25: {  	[simem:s6], [sflag:s4] =	dma.local [hbm:s3], $0xF7A  }
0x26: {  	[smem:$0x3F9E] =	sst s1;
	(tag) =	ssettag s2;
	_ =	strace s9  }
0x27: {  	s1 =	sld [smem:$0x3FAE]  }
0x28: {  	s2 =	sld [smem:$0x3FAF]  }
0x29: {  	s4 =	sld [smem:$0x3FB1]  }
0x2a: {  	p0 =	seq.s32 s5, $0x0;
	s5 =	sld [smem:$0x3FB2]  }
0x2b: {  	s6 =	sld [smem:$0x3FB3]  }
0x2c: {  	s7 =	sld [smem:$0x3FB4]  }
0x2d: {  	s3 =	simm.s32 $0x108;
	s8 =	sld [smem:$0x3FB5]  }
0x2e: {  	s3 =	simm.s32 @!p0 $0x1082;
	s9 =	sld [smem:$0x3FB6]  }
0x2f: {  	lr =	sadd.s32 s0, s3;
	s0 =	sld [smem:$0x3FAD]  }
0x30: {  	s3 =	sld [smem:$0x3FB0]  }
0x31: {  	[smem:$0x3FB9] =	sst s10  }
0x32: {  	s10 =	sld [smem:$0x3FB7];
	_ =	sdelay $0x3  }
0x33: {  	p0 =	seq.s32 s10, $0x1;
	s10 =	sld [smem:$0x3FB9];
	_ =	sdelay $0x3  }
0x34: {  	[smem:$0x3FB9] =	sst s10  }
0x35: {  	s10 =	sld [smem:$0x3FB8];
	_ =	sdelay $0x3  }
0x36: {  	p1 =	seq.s32 s10, $0x1;
	s10 =	sld [smem:$0x3FB9];
	_ =	sdelay $0x3  }
0x37: {  	[smem:$0x3FB9] =	sst s10  }
0x38: {  	s10 =	sld [smem:$0x3FBA]  }
0x39: {  	_ = 	snop;
	(pc) =	sbr.ind lr, $3  }
0x3a: {  	_ = 	snop  }
0x3b: {  	_ = 	snop  }
0x3c: {  	p2 =	seq.s32 s10, $0x1;
	s10 =	sld [smem:$0x3FB9]  }
0x3d: {  	_ =	shalt  }
0x3e: {  	_ =	shalt  }
0x3f: {  	_ =	shalt  }
0x40: {  	_ =	shalt  }
0x41: {  	_ =	shalt  }
0x42: {  	_ =	shalt  }
0x43: {  	_ =	shalt  }
0x44: {  	_ =	shalt  }
0x45: {  	_ =	shalt  }
0x46: {  	_ =	shalt  }
0x47: {  	_ =	shalt  }
0x48: {  	_ =	shalt  }
0x49: {  	_ =	shalt  }
0x4a: {  	_ =	shalt  }
0x4b: {  	_ =	shalt  }
0x4c: {  	_ =	shalt  }
0x4d: {  	_ =	shalt  }
0x4e: {  	_ =	shalt  }
0x4f: {  	_ =	shalt  }
0x50: {  	_ =	shalt  }
0x51: {  	_ =	shalt  }
0x52: {  	_ =	shalt  }
0x53: {  	_ =	shalt  }
0x54: {  	_ =	shalt  }
0x55: {  	_ =	shalt  }
0x56: {  	_ =	shalt  }
0x57: {  	_ =	shalt  }
0x58: {  	_ =	shalt  }
0x59: {  	_ =	shalt  }
0x5a: {  	_ =	shalt  }
0x5b: {  	_ =	shalt  }
0x5c: {  	_ =	shalt  }
0x5d: {  	_ =	shalt  }
0x5e: {  	_ =	shalt  }
0x5f: {  	_ =	shalt  }
0x60: {  	_ =	shalt  }
0x61: {  	_ =	shalt  }
0x62: {  	_ =	shalt  }
0x63: {  	_ =	shalt  }
0x64: {  	_ =	shalt  }
0x65: {  	_ =	shalt  }
0x66: {  	_ =	shalt  }
0x67: {  	_ =	shalt  }
0x68: {  	_ =	shalt  }
0x69: {  	_ =	shalt  }
0x6a: {  	_ =	shalt  }
0x6b: {  	_ =	shalt  }
0x6c: {  	_ =	shalt  }
0x6d: {  	_ =	shalt  }
0x6e: {  	_ =	shalt  }
0x6f: {  	_ =	shalt  }
0x70: {  	_ =	shalt  }
0x71: {  	_ =	shalt  }
0x72: {  	_ =	shalt  }
0x73: {  	_ =	shalt  }
0x74: {  	_ =	shalt  }
0x75: {  	_ =	shalt  }
0x76: {  	_ =	shalt  }
0x77: {  	_ =	shalt  }
0x78: {  	_ =	shalt  }
0x79: {  	_ =	shalt  }
0x7a: {  	_ =	shalt  }
0x7b: {  	_ =	shalt  }
0x7c: {  	_ =	shalt  }
0x7d: {  	_ =	shalt  }
0x7e: {  	_ =	shalt  }
0x7f: {  	_ =	shalt  }
0x80: {  	_ =	shalt  }
0x81: {  	_ =	shalt  }
0x82: {  	_ =	shalt  }
0x83: {  	_ =	shalt  }
0x84: {  	_ =	shalt  }
0x85: {  	_ =	shalt  }
0x86: {  	_ =	shalt  }
0x87: {  	_ =	shalt  }
.Lfunc_end0:
.L_simem_size_0:
called_computation_lowered:
.L_overlay_start_0:
0x88: {  	s2 =	sld [smem:$0x3FD9]  }
0x89: {  	s3 =	sld [smem:$0x3FFE];
	_ =	sdelay $0x1  }
0x8a: {  	s1 =	srdreg.scid  }
0x8b: {  	s0 =	sand.u32 $0x1, s1  }
0x8c: {  	s17 =	sshll.u32 s0, $0xA;
	s2 =	sadd.s32 s3, s2  }
0x8d: {  	s2 =	sadd.s32 s2, s17  }
0x8e: {  	[smem:$0x3FC5] =	sst s2  }
0x8f: {  	_ = 	snop  }
0x90: {  	s2 =	sld [smem:$0x3FD0];
	(tm) =	ssettm $0x1  }
0x91: {  	s18 =	sld [smem:$0x3FFB];
	_ =	sdelay $0x3  }
0x92: {  	_ =	strace s18  }
0x93: {  	s3 =	sld [smem:$0x3FFC];
	_ =	sdelay $0x3  }
0x94: {  	_ =	strace s3  }
0x95: {  	s3 =	sld [smem:$0x3FFD];
	_ =	sdelay $0x3  }
0x96: {  	_ =	strace s3  }
0x97: {  	_ =	strace $0x8FFFFFFF  }
0x98: {  	s19 =	sld [smem:$0x3FDB];
	_ =	sdelay $0x1  }
0x99: {  	s4 =	simm.s32 $_scs_section_size  }
0x9a: {  	s5 =	simm.s32 $_size__tile_overlayer_lowered;
	s6 =	simm.s32 $_tile_overlayer_lowered  }
0x9b: {  	s22 =	simm.s32 $0x1BFF;
	s21 =	sshll.u32 s6, $0x1;
	s3 =	sadd.s32 s4, s19  }
0x9c: {  	s7 =	simm.s32 $0x0;
	s20 =	sshll.u32 s5, $0x1;
	s5 =	sadd.s32 s21, s3  }
0x9d: {  	[timem:s7], [sflag:s22] =	dma.local [hbm:s5], s20  }
0x9e: {  	_ =	swait.ge [sflag:s22], s20  }
0x9f: {  	s4 =	ssub.s32 $0x0, s20;
	[sflag:s22] =	ssyncset.done $0x0  }
0xa0: {  	[sflag:s22] =	ssyncadd.s32 s4;
	_ =	sdelay $0x1  }
0xa1: {  	s23 =	simm.s32 $0x1B8B  }
0xa2: {  	_ =	swait.ge [sflag:s23], $0x1  }
0xa3: {  	[sflag:s23] =	ssyncset.done $0x0  }
0xa4: {  	s25 =	simm.s32 $0x1B8E;
	s24 =	sld [smem:$0x3FFE];
	[sflag:s23] =	ssyncadd.s32 $0xFFFFFFFF  }
0xa5: {  	s26 =	simm.s32 $execute0_lowered;
	[smem:$0x3FD2] =	sst s25  }
0xa6: {  	s5 =	sshll.u32 s26, $0x1;
	_ =	strace $0x80000046;
	[dreg:$0x1] =	wrdreg $0xFFFFFFFF  }
0xa7: {  	s28 =	simm.s32 $_size_execute0_lowered;
	s3 =	sadd.s32 s3, s5;
	[dreg:$0x0] =	wrdreg $0x0  }
0xa8: {  	s5 =	sshll.u32 s28, $0x1;
	[dreg:$0x2] =	wrdreg s3  }
0xa9: {  	[dreg:$0x3] =	wrdreg s5  }
0xaa: {  	[dreg:$0x4] =	wrdreg $0xC0  }
0xab: {  	_ =	task [dreg:s7], $0x5FFFF  }
0xac: {  	[dreg:$0x1] =	wrdreg $0xFFFFFFFF  }
0xad: {  	[dreg:$0x0] =	wrdreg $0x60  }
0xae: {  	[dreg:$0x2] =	wrdreg s24  }
0xaf: {  	[dreg:$0x3] =	wrdreg s2  }
0xb0: {  	[dreg:$0x4] =	wrdreg $0x9  }
0xb1: {  	_ =	task.clear_ibuf [dreg:s7], $0x5FFFF;
	_ =	strace $0x90000046  }
0xb2: {  	s29 =	simm.s32 $0x9;
	_ =	strace $0x80000048  }
0xb3: {  	_ =	swait.ge [sflag:s29], $0x1  }
0xb4: {  	[sflag:s29] =	ssyncadd.s32 $0xFFFFFFFF  }
0xb5: {  	_ =	strace $0x90000048  }
0xb6: {  	_ =	sfence  }
0xb7: {  	s30 =	sld [smem:$0x0];
	_ =	sdelay $0x2  }
0xb8: {  	s31 =	sshll.u32 s1, $0xD;
	s1 =	sshrl.u32 s1, $0x2  }
0xb9: {  	s3 =	sand.u32 $0x4000, s31;
	s1 =	sadd.s32 s1, s30  }
0xba: {  	s0 =	sor.u32 s3, s0;
	s1 =	sshll.u32 s1, $0x11  }
0xbb: {  	s0 =	sor.u32 s1, s0  }
0xbc: {  	s0 =	sadd.s32 $0x8F2B, s0  }
0xbd: {  	[sflag:s0] =	ssyncadd.remote.s32 $0x1  }
0xbe: {  	_ =	sfence.sel $0xFFFF  }
0xbf: {  	[dreg:$0x0] =	wrdreg $0xFFFFFFFF;
	(pc) =	sbr.abs _section_cstart, $3  }
0xc0: {  	[dreg:$0x1] =	wrdreg $0xFFFFFFFF  }
0xc1: {  	_ =	task.clear_ibuf [dreg:s7], $0x2FFFF;
	_ =	strace $0x9FFFFFFF  }
0xc2: {  	(tm) =	ssettm $0x7FFFFFFF  }
0xc3: {  	_ =	shalt  }
tec
execute0_lowered:
.L_overlay_start_1:
0x0: {  	(tag) =	ssettag $0x1  }
0x1: {  	s0 =	rddreg [dreg:$0x0]  }
0x2: {  	s1 =	rddreg [dreg:$0x1]  }
0x3: {  	s2 =	srdreg.scid;
	s3 =	stileid.u32;
	s4 =	simm.s32 $0x0  }
0x4: {  	s8 =	simm.s32 $0x2;
	s9 =	simm.s32 $0x80;
	s10 =	simm.s32 $0x1080  }
0x5: {  	s11 =	simm.s32 $0x7C00;
	s12 =	simm.s32 $0x1100;
	s13 =	simm.s32 $0x8400  }
0x6: {  	s14 =	simm.s32 $0x1180;
	s15 =	simm.s32 $0x8C00;
	s16 =	simm.s32 $0x1200  }
0x7: {  	s17 =	simm.s32 $0x9400;
	s18 =	simm.s32 $0x1280;
	s19 =	simm.s32 $0x9C00  }
0x8: {  	s20 =	simm.s32 $0x1300;
	s21 =	simm.s32 $0xA400;
	s22 =	simm.s32 $0x1380  }
0x9: {  	s23 =	simm.s32 $0xAC00;
	s24 =	simm.s32 $0x1;
	s26 =	simm.s32 $0x0  }
0xa: {  	s2 =	sand.u32 $0x1, s2;
	s3 =	sshll.u32 s3, $0x1;
	[smem:$0x7FF] =	sst s4  }
0xb: {  	s4 =	sadd.s32 $0x27ACC00, s0;
	s5 =	ssub.s32 $0x2, s2;
	s2 =	sor.u32 s2, s3  }
0xc: {  	_ =	strace $0x80000047;
	s6 =	sshrl.u32 s5, $0x1;
	s7 =	smul.u32 $0x1A00, s2  }
0xd: {  	s3 =	sadd.s32 $0x1A0800, s0;
	s31 =	ssub.s32 s5, s6;
	s5 =	smul.u32 $0xA00, s2  }
0xe: {  	s2 =	simm.s32 $0x6C00;
	s6 =	simm.s32 $0x1000;
	s1 =	sadd.s32 s1, s7  }
0xf: {  	s0 =	smax.u32 s31, $0x1;
	s7 =	simm.s32 $0x7400;
	[dreg:$0x3] =	wrdreg s1  }
0x10: {  	[dreg:$0x4] =	wrdreg s0;
	s0 =	simm.s32 $0x6400;
	s1 =	simm.s32 $0xF80  }
.LBB2_1:
0x11: {  	[dreg:$0x5] =	wrdreg s26;
	s25 =	simm.s32 $0xB400;
	s26 =	simm.s32 $0x0  }
.LBB2_2:
0x12: {  	s28 =	smul.u32 $0x14000, s26;
	_ =	sdelay $0x1  }
0x13: {  	s28 =	sadd.s32 s5, s28  }
0x14: {  	s28 =	sshrl.u32 s28, $0x3  }
0x15: {  	s29 =	sadd.s32 s3, s28;
	s28 =	simm.s32 $0x0  }
0x16: {  	[tilespmem:s28], [sflag:$0x2] =	stream.linear.gather [hbm4b:s29+s28], $0xA00, $0x38;
	[tilespmem:$0x18400] =	vst v63  }
0x17: {  	_ =	swait.ge [sflag:s8], $0xA00  }
0x18: {  	[sflag:s8] =	ssyncset.done $0x0  }
0x19: {  	[sflag:s8] =	ssyncadd.s32 $0xFFFFF600  }
0x1a: {  	v0 =	vld [tilespmem:$0x0]  }
0x1b: {  	v1 =	vld [tilespmem:$0x10]  }
0x1c: {  	v2 =	vld [tilespmem:$0x20]  }
0x1d: {  	s29 =	smul.u32 $0x186A0, s26;
	v3 =	vld [tilespmem:$0x30]  }
0x1e: {  	v4 =	vld [tilespmem:$0x40]  }
0x1f: {  	v5 =	vld [tilespmem:$0x50];
	v0 =	vadd.s32 s29, v0  }
0x20: {  	[tilespmem:$0xA00] =	vst v0;
	v0 =	vadd.s32 s29, v1;
	v1 =	vld [tilespmem:$0x60]  }
0x21: {  	[tilespmem:$0xA10] =	vst v0;
	v0 =	vadd.s32 s29, v2;
	v2 =	vld [tilespmem:$0x70]  }
0x22: {  	[tilespmem:$0xA20] =	vst v0;
	v0 =	vadd.s32 s29, v3;
	v3 =	vld [tilespmem:$0x80]  }
0x23: {  	v59 =	vld [tilespmem:$0x90];
	[tilespmem:$0xA30] =	vst v0;
	v0 =	vadd.s32 s29, v4  }
0x24: {  	v60 =	vld [tilespmem:$0xA0];
	[tilespmem:$0xA40] =	vst v0;
	v0 =	vadd.s32 s29, v5  }
0x25: {  	[tilespmem:$0xA50] =	vst v0;
	v0 =	vadd.s32 s29, v1;
	v1 =	vld [tilespmem:$0xB0]  }
0x26: {  	[tilespmem:$0xA60] =	vst v0;
	v0 =	vadd.s32 s29, v2;
	v2 =	vld [tilespmem:$0xC0]  }
0x27: {  	[tilespmem:$0xA70] =	vst v0;
	v0 =	vadd.s32 s29, v3;
	v3 =	vld [tilespmem:$0xD0]  }
0x28: {  	v61 =	vld [tilespmem:$0xE0];
	[tilespmem:$0xA80] =	vst v0;
	v0 =	vadd.s32 s29, v59  }
0x29: {  	v62 =	vld [tilespmem:$0xF0];
	[tilespmem:$0xA90] =	vst v0;
	v0 =	vadd.s32 s29, v60  }
0x2a: {  	[tilespmem:$0xAA0] =	vst v0;
	v0 =	vadd.s32 s29, v1;
	v1 =	vld [tilespmem:$0x100]  }
0x2b: {  	[tilespmem:$0xAB0] =	vst v0;
	v0 =	vadd.s32 s29, v2;
	v2 =	vld [tilespmem:$0x110]  }
0x2c: {  	[tilespmem:$0xAC0] =	vst v0;
	v0 =	vadd.s32 s29, v3;
	v3 =	vld [tilespmem:$0x120]  }
0x2d: {  	v63 =	vld [tilespmem:$0x130];
	[tilespmem:$0xAD0] =	vst v0;
	v0 =	vadd.s32 s29, v61  }
0x2e: {  	v8 =	vld [tilespmem:$0x140];
	[tilespmem:$0xAE0] =	vst v0;
	v0 =	vadd.s32 s29, v62  }
0x2f: {  	[tilespmem:$0xAF0] =	vst v0;
	v0 =	vadd.s32 s29, v1;
	v1 =	vld [tilespmem:$0x150]  }
0x30: {  	[tilespmem:$0xB00] =	vst v0;
	v0 =	vadd.s32 s29, v2;
	v2 =	vld [tilespmem:$0x160]  }
0x31: {  	[tilespmem:$0xB10] =	vst v0;
	v0 =	vadd.s32 s29, v3;
	v3 =	vld [tilespmem:$0x170]  }
0x32: {  	v9 =	vld [tilespmem:$0x180];
	[tilespmem:$0xB20] =	vst v0;
	v0 =	vadd.s32 s29, v63  }
0x33: {  	v10 =	vld [tilespmem:$0x190];
	[tilespmem:$0xB30] =	vst v0;
	v0 =	vadd.s32 s29, v8  }
0x34: {  	[tilespmem:$0xB40] =	vst v0;
	v0 =	vadd.s32 s29, v1;
	v1 =	vld [tilespmem:$0x1A0]  }
0x35: {  	[tilespmem:$0xB50] =	vst v0;
	v0 =	vadd.s32 s29, v2;
	v2 =	vld [tilespmem:$0x1B0]  }
0x36: {  	[tilespmem:$0xB60] =	vst v0;
	v0 =	vadd.s32 s29, v3;
	v3 =	vld [tilespmem:$0x1C0]  }
0x37: {  	v11 =	vld [tilespmem:$0x1D0];
	[tilespmem:$0xB70] =	vst v0;
	v0 =	vadd.s32 s29, v9  }
0x38: {  	v12 =	vld [tilespmem:$0x1E0];
	[tilespmem:$0xB80] =	vst v0;
	v0 =	vadd.s32 s29, v10  }
0x39: {  	[tilespmem:$0xB90] =	vst v0;
	v0 =	vadd.s32 s29, v1;
	v1 =	vld [tilespmem:$0x1F0]  }
0x3a: {  	[tilespmem:$0xBA0] =	vst v0;
	v0 =	vadd.s32 s29, v2;
	v2 =	vld [tilespmem:$0x200]  }
0x3b: {  	[tilespmem:$0xBB0] =	vst v0;
	v0 =	vadd.s32 s29, v3;
	v3 =	vld [tilespmem:$0x210]  }
0x3c: {  	v13 =	vld [tilespmem:$0x220];
	[tilespmem:$0xBC0] =	vst v0;
	v0 =	vadd.s32 s29, v11  }
0x3d: {  	v14 =	vld [tilespmem:$0x230];
	[tilespmem:$0xBD0] =	vst v0;
	v0 =	vadd.s32 s29, v12  }
0x3e: {  	[tilespmem:$0xBE0] =	vst v0;
	v0 =	vadd.s32 s29, v1;
	v1 =	vld [tilespmem:$0x240]  }
0x3f: {  	[tilespmem:$0xBF0] =	vst v0;
	v0 =	vadd.s32 s29, v2;
	v2 =	vld [tilespmem:$0x250]  }
0x40: {  	[tilespmem:$0xC00] =	vst v0;
	v0 =	vadd.s32 s29, v3;
	v3 =	vld [tilespmem:$0x260]  }
0x41: {  	v15 =	vld [tilespmem:$0x270];
	[tilespmem:$0xC10] =	vst v0;
	v0 =	vadd.s32 s29, v13  }
0x42: {  	v16 =	vld [tilespmem:$0x280];
	[tilespmem:$0xC20] =	vst v0;
	v0 =	vadd.s32 s29, v14  }
0x43: {  	[tilespmem:$0xC30] =	vst v0;
	v0 =	vadd.s32 s29, v1;
	v1 =	vld [tilespmem:$0x290]  }
0x44: {  	[tilespmem:$0xC40] =	vst v0;
	v0 =	vadd.s32 s29, v2;
	v2 =	vld [tilespmem:$0x2A0]  }
0x45: {  	[tilespmem:$0xC50] =	vst v0;
	v0 =	vadd.s32 s29, v3;
	v3 =	vld [tilespmem:$0x2B0]  }
0x46: {  	v17 =	vld [tilespmem:$0x2C0];
	[tilespmem:$0xC60] =	vst v0;
	v0 =	vadd.s32 s29, v15  }
0x47: {  	v18 =	vld [tilespmem:$0x2D0];
	[tilespmem:$0xC70] =	vst v0;
	v0 =	vadd.s32 s29, v16  }
0x48: {  	[tilespmem:$0xC80] =	vst v0;
	v0 =	vadd.s32 s29, v1;
	v1 =	vld [tilespmem:$0x2E0]  }
0x49: {  	[tilespmem:$0xC90] =	vst v0;
	v0 =	vadd.s32 s29, v2;
	v2 =	vld [tilespmem:$0x2F0]  }
0x4a: {  	[tilespmem:$0xCA0] =	vst v0;
	v0 =	vadd.s32 s29, v3;
	v3 =	vld [tilespmem:$0x300]  }
0x4b: {  	v19 =	vld [tilespmem:$0x310];
	[tilespmem:$0xCB0] =	vst v0;
	v0 =	vadd.s32 s29, v17  }
0x4c: {  	v20 =	vld [tilespmem:$0x320];
	[tilespmem:$0xCC0] =	vst v0;
	v0 =	vadd.s32 s29, v18  }
0x4d: {  	[tilespmem:$0xCD0] =	vst v0;
	v0 =	vadd.s32 s29, v1;
	v1 =	vld [tilespmem:$0x330]  }
0x4e: {  	[tilespmem:$0xCE0] =	vst v0;
	v0 =	vadd.s32 s29, v2;
	v2 =	vld [tilespmem:$0x340]  }
0x4f: {  	[tilespmem:$0xCF0] =	vst v0;
	v0 =	vadd.s32 s29, v3;
	v3 =	vld [tilespmem:$0x350]  }
0x50: {  	v21 =	vld [tilespmem:$0x360];
	[tilespmem:$0xD00] =	vst v0;
	v0 =	vadd.s32 s29, v19  }
0x51: {  	v22 =	vld [tilespmem:$0x370];
	[tilespmem:$0xD10] =	vst v0;
	v0 =	vadd.s32 s29, v20  }
0x52: {  	[tilespmem:$0xD20] =	vst v0;
	v0 =	vadd.s32 s29, v1;
	v1 =	vld [tilespmem:$0x380]  }
0x53: {  	[tilespmem:$0xD30] =	vst v0;
	v0 =	vadd.s32 s29, v2;
	v2 =	vld [tilespmem:$0x390]  }
0x54: {  	[tilespmem:$0xD40] =	vst v0;
	v0 =	vadd.s32 s29, v3;
	v3 =	vld [tilespmem:$0x3A0]  }
0x55: {  	v23 =	vld [tilespmem:$0x3B0];
	[tilespmem:$0xD50] =	vst v0;
	v0 =	vadd.s32 s29, v21  }
0x56: {  	v24 =	vld [tilespmem:$0x3C0];
	[tilespmem:$0xD60] =	vst v0;
	v0 =	vadd.s32 s29, v22  }
0x57: {  	[tilespmem:$0xD70] =	vst v0;
	v0 =	vadd.s32 s29, v1;
	v1 =	vld [tilespmem:$0x3D0]  }
0x58: {  	[tilespmem:$0xD80] =	vst v0;
	v0 =	vadd.s32 s29, v2;
	v2 =	vld [tilespmem:$0x3E0]  }
0x59: {  	[tilespmem:$0xD90] =	vst v0;
	v0 =	vadd.s32 s29, v3;
	v3 =	vld [tilespmem:$0x3F0]  }
0x5a: {  	v25 =	vld [tilespmem:$0x400];
	[tilespmem:$0xDA0] =	vst v0;
	v0 =	vadd.s32 s29, v23  }
0x5b: {  	v26 =	vld [tilespmem:$0x410];
	[tilespmem:$0xDB0] =	vst v0;
	v0 =	vadd.s32 s29, v24  }
0x5c: {  	[tilespmem:$0xDC0] =	vst v0;
	v0 =	vadd.s32 s29, v1;
	v1 =	vld [tilespmem:$0x420]  }
0x5d: {  	[tilespmem:$0xDD0] =	vst v0;
	v0 =	vadd.s32 s29, v2;
	v2 =	vld [tilespmem:$0x430]  }
0x5e: {  	[tilespmem:$0xDE0] =	vst v0;
	v0 =	vadd.s32 s29, v3;
	v3 =	vld [tilespmem:$0x440]  }
0x5f: {  	v27 =	vld [tilespmem:$0x450];
	[tilespmem:$0xDF0] =	vst v0;
	v0 =	vadd.s32 s29, v25  }
0x60: {  	v28 =	vld [tilespmem:$0x460];
	[tilespmem:$0xE00] =	vst v0;
	v0 =	vadd.s32 s29, v26  }
0x61: {  	[tilespmem:$0xE10] =	vst v0;
	v0 =	vadd.s32 s29, v1;
	v1 =	vld [tilespmem:$0x470]  }
0x62: {  	[tilespmem:$0xE20] =	vst v0;
	v0 =	vadd.s32 s29, v2;
	v2 =	vld [tilespmem:$0x480]  }
0x63: {  	[tilespmem:$0xE30] =	vst v0;
	v0 =	vadd.s32 s29, v3;
	v3 =	vld [tilespmem:$0x490]  }
0x64: {  	v29 =	vld [tilespmem:$0x4A0];
	[tilespmem:$0xE40] =	vst v0;
	v0 =	vadd.s32 s29, v27  }
0x65: {  	v30 =	vld [tilespmem:$0x4B0];
	[tilespmem:$0xE50] =	vst v0;
	v0 =	vadd.s32 s29, v28  }
0x66: {  	[tilespmem:$0xE60] =	vst v0;
	v0 =	vadd.s32 s29, v1;
	v1 =	vld [tilespmem:$0x4C0]  }
0x67: {  	[tilespmem:$0xE70] =	vst v0;
	v0 =	vadd.s32 s29, v2;
	v2 =	vld [tilespmem:$0x4D0]  }
0x68: {  	[tilespmem:$0xE80] =	vst v0;
	v0 =	vadd.s32 s29, v3;
	v3 =	vld [tilespmem:$0x4E0]  }
0x69: {  	v31 =	vld [tilespmem:$0x4F0];
	[tilespmem:$0xE90] =	vst v0;
	v0 =	vadd.s32 s29, v29  }
0x6a: {  	v32 =	vld [tilespmem:$0x500];
	[tilespmem:$0xEA0] =	vst v0;
	v0 =	vadd.s32 s29, v30  }
0x6b: {  	[tilespmem:$0xEB0] =	vst v0;
	v0 =	vadd.s32 s29, v1;
	v1 =	vld [tilespmem:$0x510]  }
0x6c: {  	[tilespmem:$0xEC0] =	vst v0;
	v0 =	vadd.s32 s29, v2;
	v2 =	vld [tilespmem:$0x520]  }
0x6d: {  	[tilespmem:$0xED0] =	vst v0;
	v0 =	vadd.s32 s29, v3;
	v3 =	vld [tilespmem:$0x530]  }
0x6e: {  	v33 =	vld [tilespmem:$0x540];
	[tilespmem:$0xEE0] =	vst v0;
	v0 =	vadd.s32 s29, v31  }
0x6f: {  	v34 =	vld [tilespmem:$0x550];
	[tilespmem:$0xEF0] =	vst v0;
	v0 =	vadd.s32 s29, v32  }
0x70: {  	[tilespmem:$0xF00] =	vst v0;
	v0 =	vadd.s32 s29, v1;
	v1 =	vld [tilespmem:$0x560]  }
0x71: {  	[tilespmem:$0xF10] =	vst v0;
	v0 =	vadd.s32 s29, v2;
	v2 =	vld [tilespmem:$0x570]  }
0x72: {  	[tilespmem:$0xF20] =	vst v0;
	v0 =	vadd.s32 s29, v3;
	v3 =	vld [tilespmem:$0x580]  }
0x73: {  	v35 =	vld [tilespmem:$0x590];
	[tilespmem:$0xF30] =	vst v0;
	v0 =	vadd.s32 s29, v33  }
0x74: {  	v36 =	vld [tilespmem:$0x5A0];
	[tilespmem:$0xF40] =	vst v0;
	v0 =	vadd.s32 s29, v34  }
0x75: {  	[tilespmem:$0xF50] =	vst v0;
	v0 =	vadd.s32 s29, v1;
	v1 =	vld [tilespmem:$0x5B0]  }
0x76: {  	[tilespmem:$0xF60] =	vst v0;
	v0 =	vadd.s32 s29, v2;
	v2 =	vld [tilespmem:$0x5C0]  }
0x77: {  	[tilespmem:$0xF70] =	vst v0;
	v0 =	vadd.s32 s29, v3;
	v3 =	vld [tilespmem:$0x5D0]  }
0x78: {  	v37 =	vld [tilespmem:$0x5E0];
	[tilespmem:$0xF80] =	vst v0;
	v0 =	vadd.s32 s29, v35  }
0x79: {  	v38 =	vld [tilespmem:$0x5F0];
	[tilespmem:$0xF90] =	vst v0;
	v0 =	vadd.s32 s29, v36  }
0x7a: {  	[tilespmem:$0xFA0] =	vst v0;
	v0 =	vadd.s32 s29, v1;
	v1 =	vld [tilespmem:$0x600]  }
0x7b: {  	[tilespmem:$0xFB0] =	vst v0;
	v0 =	vadd.s32 s29, v2;
	v2 =	vld [tilespmem:$0x610]  }
0x7c: {  	[tilespmem:$0xFC0] =	vst v0;
	v0 =	vadd.s32 s29, v3;
	v3 =	vld [tilespmem:$0x620]  }
0x7d: {  	v39 =	vld [tilespmem:$0x630];
	[tilespmem:$0xFD0] =	vst v0;
	v0 =	vadd.s32 s29, v37  }
0x7e: {  	v40 =	vld [tilespmem:$0x640];
	[tilespmem:$0xFE0] =	vst v0;
	v0 =	vadd.s32 s29, v38  }
0x7f: {  	[tilespmem:$0xFF0] =	vst v0;
	v0 =	vadd.s32 s29, v1;
	v1 =	vld [tilespmem:$0x650]  }
0x80: {  	[tilespmem:$0x1000] =	vst v0;
	v0 =	vadd.s32 s29, v2;
	v2 =	vld [tilespmem:$0x660]  }
0x81: {  	[tilespmem:$0x1010] =	vst v0;
	v0 =	vadd.s32 s29, v3;
	v3 =	vld [tilespmem:$0x670]  }
0x82: {  	v41 =	vld [tilespmem:$0x680];
	[tilespmem:$0x1020] =	vst v0;
	v0 =	vadd.s32 s29, v39  }
0x83: {  	v42 =	vld [tilespmem:$0x690];
	[tilespmem:$0x1030] =	vst v0;
	v0 =	vadd.s32 s29, v40  }
0x84: {  	[tilespmem:$0x1040] =	vst v0;
	v0 =	vadd.s32 s29, v1;
	v1 =	vld [tilespmem:$0x6A0]  }
0x85: {  	[tilespmem:$0x1050] =	vst v0;
	v0 =	vadd.s32 s29, v2;
	v2 =	vld [tilespmem:$0x6B0]  }
0x86: {  	[tilespmem:$0x1060] =	vst v0;
	v0 =	vadd.s32 s29, v3;
	v3 =	vld [tilespmem:$0x6C0]  }
0x87: {  	v43 =	vld [tilespmem:$0x6D0];
	[tilespmem:$0x1070] =	vst v0;
	v0 =	vadd.s32 s29, v41  }
0x88: {  	v44 =	vld [tilespmem:$0x6E0];
	[tilespmem:$0x1080] =	vst v0;
	v0 =	vadd.s32 s29, v42  }
0x89: {  	[tilespmem:$0x1090] =	vst v0;
	v0 =	vadd.s32 s29, v1;
	v1 =	vld [tilespmem:$0x6F0]  }
0x8a: {  	[tilespmem:$0x10A0] =	vst v0;
	v0 =	vadd.s32 s29, v2;
	v2 =	vld [tilespmem:$0x700]  }
0x8b: {  	[tilespmem:$0x10B0] =	vst v0;
	v0 =	vadd.s32 s29, v3;
	v3 =	vld [tilespmem:$0x710]  }
0x8c: {  	v45 =	vld [tilespmem:$0x720];
	[tilespmem:$0x10C0] =	vst v0;
	v0 =	vadd.s32 s29, v43  }
0x8d: {  	v46 =	vld [tilespmem:$0x730];
	[tilespmem:$0x10D0] =	vst v0;
	v0 =	vadd.s32 s29, v44  }
0x8e: {  	[tilespmem:$0x10E0] =	vst v0;
	v0 =	vadd.s32 s29, v1;
	v1 =	vld [tilespmem:$0x740]  }
0x8f: {  	[tilespmem:$0x10F0] =	vst v0;
	v0 =	vadd.s32 s29, v2;
	v2 =	vld [tilespmem:$0x750]  }
0x90: {  	[tilespmem:$0x1100] =	vst v0;
	v0 =	vadd.s32 s29, v3;
	v3 =	vld [tilespmem:$0x760]  }
0x91: {  	v47 =	vld [tilespmem:$0x770];
	[tilespmem:$0x1110] =	vst v0;
	v0 =	vadd.s32 s29, v45  }
0x92: {  	v48 =	vld [tilespmem:$0x780];
	[tilespmem:$0x1120] =	vst v0;
	v0 =	vadd.s32 s29, v46  }
0x93: {  	[tilespmem:$0x1130] =	vst v0;
	v0 =	vadd.s32 s29, v1;
	v1 =	vld [tilespmem:$0x790]  }
0x94: {  	[tilespmem:$0x1140] =	vst v0;
	v0 =	vadd.s32 s29, v2;
	v2 =	vld [tilespmem:$0x7A0]  }
0x95: {  	[tilespmem:$0x1150] =	vst v0;
	v0 =	vadd.s32 s29, v3;
	v3 =	vld [tilespmem:$0x7B0]  }
0x96: {  	v49 =	vld [tilespmem:$0x7C0];
	[tilespmem:$0x1160] =	vst v0;
	v0 =	vadd.s32 s29, v47  }
0x97: {  	v50 =	vld [tilespmem:$0x7D0];
	[tilespmem:$0x1170] =	vst v0;
	v0 =	vadd.s32 s29, v48  }
0x98: {  	[tilespmem:$0x1180] =	vst v0;
	v0 =	vadd.s32 s29, v1;
	v1 =	vld [tilespmem:$0x7E0]  }
0x99: {  	[tilespmem:$0x1190] =	vst v0;
	v0 =	vadd.s32 s29, v2;
	v2 =	vld [tilespmem:$0x7F0]  }
0x9a: {  	[tilespmem:$0x11A0] =	vst v0;
	v0 =	vadd.s32 s29, v3;
	v3 =	vld [tilespmem:$0x800]  }
0x9b: {  	v51 =	vld [tilespmem:$0x810];
	[tilespmem:$0x11B0] =	vst v0;
	v0 =	vadd.s32 s29, v49  }
0x9c: {  	v52 =	vld [tilespmem:$0x820];
	[tilespmem:$0x11C0] =	vst v0;
	v0 =	vadd.s32 s29, v50  }
0x9d: {  	[tilespmem:$0x11D0] =	vst v0;
	v0 =	vadd.s32 s29, v1;
	v1 =	vld [tilespmem:$0x830]  }
0x9e: {  	[tilespmem:$0x11E0] =	vst v0;
	v0 =	vadd.s32 s29, v2;
	v2 =	vld [tilespmem:$0x840]  }
0x9f: {  	[tilespmem:$0x11F0] =	vst v0;
	v0 =	vadd.s32 s29, v3;
	v3 =	vld [tilespmem:$0x850]  }
0xa0: {  	v53 =	vld [tilespmem:$0x860];
	[tilespmem:$0x1200] =	vst v0;
	v0 =	vadd.s32 s29, v51  }
0xa1: {  	v54 =	vld [tilespmem:$0x870];
	[tilespmem:$0x1210] =	vst v0;
	v0 =	vadd.s32 s29, v52  }
0xa2: {  	[tilespmem:$0x1220] =	vst v0;
	v0 =	vadd.s32 s29, v1;
	v1 =	vld [tilespmem:$0x880]  }
0xa3: {  	[tilespmem:$0x1230] =	vst v0;
	v0 =	vadd.s32 s29, v2;
	v2 =	vld [tilespmem:$0x890]  }
0xa4: {  	[tilespmem:$0x1240] =	vst v0;
	v0 =	vadd.s32 s29, v3;
	v3 =	vld [tilespmem:$0x8A0]  }
0xa5: {  	v55 =	vld [tilespmem:$0x8B0];
	[tilespmem:$0x1250] =	vst v0;
	v0 =	vadd.s32 s29, v53  }
0xa6: {  	v56 =	vld [tilespmem:$0x8C0];
	[tilespmem:$0x1260] =	vst v0;
	v0 =	vadd.s32 s29, v54  }
0xa7: {  	[tilespmem:$0x1270] =	vst v0;
	v0 =	vadd.s32 s29, v1;
	v1 =	vld [tilespmem:$0x8D0]  }
0xa8: {  	[tilespmem:$0x1280] =	vst v0;
	v0 =	vadd.s32 s29, v2;
	v2 =	vld [tilespmem:$0x8E0]  }
0xa9: {  	[tilespmem:$0x1290] =	vst v0;
	v0 =	vadd.s32 s29, v3;
	v3 =	vld [tilespmem:$0x8F0]  }
0xaa: {  	v57 =	vld [tilespmem:$0x900];
	[tilespmem:$0x12A0] =	vst v0;
	v0 =	vadd.s32 s29, v55  }
0xab: {  	v58 =	vld [tilespmem:$0x910];
	[tilespmem:$0x12B0] =	vst v0;
	v0 =	vadd.s32 s29, v56  }
0xac: {  	[tilespmem:$0x12C0] =	vst v0;
	v0 =	vadd.s32 s29, v1;
	v1 =	vld [tilespmem:$0x920]  }
0xad: {  	[tilespmem:$0x12D0] =	vst v0;
	v0 =	vadd.s32 s29, v2;
	v2 =	vld [tilespmem:$0x930]  }
0xae: {  	[tilespmem:$0x12E0] =	vst v0;
	v0 =	vadd.s32 s29, v3;
	v3 =	vld [tilespmem:$0x940]  }
0xaf: {  	v59 =	vld [tilespmem:$0x950];
	[tilespmem:$0x12F0] =	vst v0;
	v0 =	vadd.s32 s29, v57  }
0xb0: {  	v60 =	vld [tilespmem:$0x960];
	[tilespmem:$0x1300] =	vst v0;
	v0 =	vadd.s32 s29, v58  }
0xb1: {  	[tilespmem:$0x1310] =	vst v0;
	v0 =	vadd.s32 s29, v1;
	v1 =	vld [tilespmem:$0x970]  }
0xb2: {  	[tilespmem:$0x1320] =	vst v0;
	v0 =	vadd.s32 s29, v2;
	v2 =	vld [tilespmem:$0x980]  }
0xb3: {  	[tilespmem:$0x1330] =	vst v0;
	v0 =	vadd.s32 s29, v3;
	v3 =	vld [tilespmem:$0x990]  }
0xb4: {  	v61 =	vld [tilespmem:$0x9A0];
	[tilespmem:$0x1340] =	vst v0;
	v0 =	vadd.s32 s29, v59  }
0xb5: {  	v62 =	vld [tilespmem:$0x9B0];
	[tilespmem:$0x1350] =	vst v0;
	v0 =	vadd.s32 s29, v60  }
0xb6: {  	[tilespmem:$0x1360] =	vst v0;
	v0 =	vadd.s32 s29, v1;
	v1 =	vld [tilespmem:$0x9C0]  }
0xb7: {  	[tilespmem:$0x1370] =	vst v0;
	v0 =	vadd.s32 s29, v2;
	v2 =	vld [tilespmem:$0x9D0]  }
0xb8: {  	[tilespmem:$0x1380] =	vst v0;
	v0 =	vadd.s32 s29, v3;
	v3 =	vld [tilespmem:$0x9E0]  }
0xb9: {  	v63 =	vld [tilespmem:$0x9F0];
	[tilespmem:$0x1390] =	vst v0;
	v0 =	vadd.s32 s29, v61  }
0xba: {  	[tilespmem:$0x13A0] =	vst v0;
	v0 =	vadd.s32 s29, v62  }
0xbb: {  	[tilespmem:$0x13B0] =	vst v0;
	v0 =	vadd.s32 s29, v1  }
0xbc: {  	[tilespmem:$0x13C0] =	vst v0;
	v0 =	vadd.s32 s29, v2  }
0xbd: {  	[tilespmem:$0x13D0] =	vst v0;
	v0 =	vadd.s32 s29, v3  }
0xbe: {  	[tilespmem:$0x13E0] =	vst v0;
	v0 =	vadd.s32 s29, v63  }
0xbf: {  	s30 =	simm.s32 $0x1400;
	s29 =	simm.s32 $0xA00;
	[tilespmem:$0x13F0] =	vst v0  }
0xc0: {  	[tilespmem:s30], [sflag:$0x1] =	stream.indirect.gather [hbm4b:s4+s9], $0x10, s29, s9, $0xb8;
	[tilespmem:$0x18400] =	vst v63  }
0xc1: {  	s29 =	simm.s32 $0xA80;
	s30 =	simm.s32 $0x1C00  }
0xc2: {  	[tilespmem:s30], [sflag:$0x1] =	stream.indirect.gather [hbm4b:s4+s9], $0x10, s29, s9, $0xb8;
	[tilespmem:$0x18400] =	vst v63  }
0xc3: {  	s29 =	simm.s32 $0xB00;
	s30 =	simm.s32 $0x2400  }
0xc4: {  	[tilespmem:s30], [sflag:$0x1] =	stream.indirect.gather [hbm4b:s4+s9], $0x10, s29, s9, $0xb8;
	[tilespmem:$0x18400] =	vst v63  }
0xc5: {  	s29 =	simm.s32 $0xB80;
	s30 =	simm.s32 $0x2C00  }
0xc6: {  	[tilespmem:s30], [sflag:$0x1] =	stream.indirect.gather [hbm4b:s4+s9], $0x10, s29, s9, $0xb8;
	[tilespmem:$0x18400] =	vst v63  }
0xc7: {  	s29 =	simm.s32 $0xC00;
	s30 =	simm.s32 $0x3400  }
0xc8: {  	[tilespmem:s30], [sflag:$0x1] =	stream.indirect.gather [hbm4b:s4+s9], $0x10, s29, s9, $0xb8;
	[tilespmem:$0x18400] =	vst v63  }
0xc9: {  	s29 =	simm.s32 $0xC80;
	s30 =	simm.s32 $0x3C00  }
0xca: {  	[tilespmem:s30], [sflag:$0x1] =	stream.indirect.gather [hbm4b:s4+s9], $0x10, s29, s9, $0xb8;
	[tilespmem:$0x18400] =	vst v63  }
0xcb: {  	s29 =	simm.s32 $0xD00;
	s30 =	simm.s32 $0x4400  }
0xcc: {  	[tilespmem:s30], [sflag:$0x1] =	stream.indirect.gather [hbm4b:s4+s9], $0x10, s29, s9, $0xb8;
	[tilespmem:$0x18400] =	vst v63  }
0xcd: {  	s29 =	simm.s32 $0xD80;
	s30 =	simm.s32 $0x4C00  }
0xce: {  	[tilespmem:s30], [sflag:$0x1] =	stream.indirect.gather [hbm4b:s4+s9], $0x10, s29, s9, $0xb8;
	[tilespmem:$0x18400] =	vst v63  }
0xcf: {  	s29 =	simm.s32 $0xE00;
	s30 =	simm.s32 $0x5400  }
0xd0: {  	[tilespmem:s30], [sflag:$0x1] =	stream.indirect.gather [hbm4b:s4+s9], $0x10, s29, s9, $0xb8;
	[tilespmem:$0x18400] =	vst v63  }
0xd1: {  	s29 =	simm.s32 $0xE80;
	s30 =	simm.s32 $0x5C00  }
0xd2: {  	[tilespmem:s30], [sflag:$0x1] =	stream.indirect.gather [hbm4b:s4+s9], $0x10, s29, s9, $0xb8;
	[tilespmem:$0x18400] =	vst v63  }
0xd3: {  	s29 =	simm.s32 $0xF00  }
0xd4: {  	[tilespmem:s0], [sflag:$0x1] =	stream.indirect.gather [hbm4b:s4+s9], $0x10, s29, s9, $0xb8;
	[tilespmem:$0x18400] =	vst v63  }
0xd5: {  	_ = 	snop  }
0xd6: {  	[tilespmem:s2], [sflag:$0x1] =	stream.indirect.gather [hbm4b:s4+s9], $0x10, s1, s9, $0xb8;
	[tilespmem:$0x18400] =	vst v63  }
0xd7: {  	_ = 	snop  }
0xd8: {  	[tilespmem:s7], [sflag:$0x1] =	stream.indirect.gather [hbm4b:s4+s9], $0x10, s6, s9, $0xb8;
	[tilespmem:$0x18400] =	vst v63  }
0xd9: {  	_ = 	snop  }
0xda: {  	[tilespmem:s11], [sflag:$0x1] =	stream.indirect.gather [hbm4b:s4+s9], $0x10, s10, s9, $0xb8;
	[tilespmem:$0x18400] =	vst v63  }
0xdb: {  	_ = 	snop  }
0xdc: {  	[tilespmem:s13], [sflag:$0x1] =	stream.indirect.gather [hbm4b:s4+s9], $0x10, s12, s9, $0xb8;
	[tilespmem:$0x18400] =	vst v63  }
0xdd: {  	_ = 	snop  }
0xde: {  	[tilespmem:s15], [sflag:$0x1] =	stream.indirect.gather [hbm4b:s4+s9], $0x10, s14, s9, $0xb8;
	[tilespmem:$0x18400] =	vst v63  }
0xdf: {  	_ = 	snop  }
0xe0: {  	[tilespmem:s17], [sflag:$0x1] =	stream.indirect.gather [hbm4b:s4+s9], $0x10, s16, s9, $0xb8;
	[tilespmem:$0x18400] =	vst v63  }
0xe1: {  	_ = 	snop  }
0xe2: {  	[tilespmem:s19], [sflag:$0x1] =	stream.indirect.gather [hbm4b:s4+s9], $0x10, s18, s9, $0xb8;
	[tilespmem:$0x18400] =	vst v63  }
0xe3: {  	_ = 	snop  }
0xe4: {  	[tilespmem:s21], [sflag:$0x1] =	stream.indirect.gather [hbm4b:s4+s9], $0x10, s20, s9, $0xb8;
	[tilespmem:$0x18400] =	vst v63  }
0xe5: {  	_ = 	snop  }
0xe6: {  	[tilespmem:s23], [sflag:$0x1] =	stream.indirect.gather [hbm4b:s4+s9], $0x10, s22, s9, $0xb8;
	[tilespmem:$0x18400] =	vst v63  }
0xe7: {  	_ =	swait.ge [sflag:s24], $0x800  }
0xe8: {  	[sflag:s24] =	ssyncset.done $0x0  }
0xe9: {  	[sflag:s24] =	ssyncadd.s32 $0xFFFFF800  }
0xea: {  	_ =	swait.ge [sflag:s24], $0x800  }
0xeb: {  	[sflag:s24] =	ssyncset.done $0x0  }
0xec: {  	[sflag:s24] =	ssyncadd.s32 $0xFFFFF800  }
0xed: {  	_ =	swait.ge [sflag:s24], $0x800  }
0xee: {  	[sflag:s24] =	ssyncset.done $0x0  }
0xef: {  	[sflag:s24] =	ssyncadd.s32 $0xFFFFF800  }
0xf0: {  	_ =	swait.ge [sflag:s24], $0x800  }
0xf1: {  	[sflag:s24] =	ssyncset.done $0x0  }
0xf2: {  	[sflag:s24] =	ssyncadd.s32 $0xFFFFF800  }
0xf3: {  	_ =	swait.ge [sflag:s24], $0x800  }
0xf4: {  	[sflag:s24] =	ssyncset.done $0x0  }
0xf5: {  	[sflag:s24] =	ssyncadd.s32 $0xFFFFF800  }
0xf6: {  	_ =	swait.ge [sflag:s24], $0x800  }
0xf7: {  	[sflag:s24] =	ssyncset.done $0x0  }
0xf8: {  	[sflag:s24] =	ssyncadd.s32 $0xFFFFF800  }
0xf9: {  	_ =	swait.ge [sflag:s24], $0x800  }
0xfa: {  	[sflag:s24] =	ssyncset.done $0x0  }
0xfb: {  	[sflag:s24] =	ssyncadd.s32 $0xFFFFF800  }
0xfc: {  	_ =	swait.ge [sflag:s24], $0x800  }
0xfd: {  	[sflag:s24] =	ssyncset.done $0x0  }
0xfe: {  	[sflag:s24] =	ssyncadd.s32 $0xFFFFF800  }
0xff: {  	_ =	swait.ge [sflag:s24], $0x800  }
0x100: {  	[sflag:s24] =	ssyncset.done $0x0  }
0x101: {  	[sflag:s24] =	ssyncadd.s32 $0xFFFFF800  }
0x102: {  	_ =	swait.ge [sflag:s24], $0x800  }
0x103: {  	[sflag:s24] =	ssyncset.done $0x0  }
0x104: {  	[sflag:s24] =	ssyncadd.s32 $0xFFFFF800  }
0x105: {  	_ =	swait.ge [sflag:s24], $0x800  }
0x106: {  	[sflag:s24] =	ssyncset.done $0x0  }
0x107: {  	[sflag:s24] =	ssyncadd.s32 $0xFFFFF800  }
0x108: {  	_ =	swait.ge [sflag:s24], $0x800  }
0x109: {  	[sflag:s24] =	ssyncset.done $0x0  }
0x10a: {  	[sflag:s24] =	ssyncadd.s32 $0xFFFFF800  }
0x10b: {  	_ =	swait.ge [sflag:s24], $0x800  }
0x10c: {  	[sflag:s24] =	ssyncset.done $0x0  }
0x10d: {  	[sflag:s24] =	ssyncadd.s32 $0xFFFFF800  }
0x10e: {  	_ =	swait.ge [sflag:s24], $0x800  }
0x10f: {  	[sflag:s24] =	ssyncset.done $0x0  }
0x110: {  	[sflag:s24] =	ssyncadd.s32 $0xFFFFF800  }
0x111: {  	_ =	swait.ge [sflag:s24], $0x800  }
0x112: {  	[sflag:s24] =	ssyncset.done $0x0  }
0x113: {  	[sflag:s24] =	ssyncadd.s32 $0xFFFFF800  }
0x114: {  	_ =	swait.ge [sflag:s24], $0x800  }
0x115: {  	[sflag:s24] =	ssyncset.done $0x0  }
0x116: {  	[sflag:s24] =	ssyncadd.s32 $0xFFFFF800  }
0x117: {  	_ =	swait.ge [sflag:s24], $0x800  }
0x118: {  	[sflag:s24] =	ssyncset.done $0x0  }
0x119: {  	[sflag:s24] =	ssyncadd.s32 $0xFFFFF800  }
0x11a: {  	_ =	swait.ge [sflag:s24], $0x800  }
0x11b: {  	[sflag:s24] =	ssyncset.done $0x0  }
0x11c: {  	[sflag:s24] =	ssyncadd.s32 $0xFFFFF800  }
0x11d: {  	_ =	swait.ge [sflag:s24], $0x800  }
0x11e: {  	[sflag:s24] =	ssyncset.done $0x0  }
0x11f: {  	[sflag:s24] =	ssyncadd.s32 $0xFFFFF800  }
0x120: {  	_ =	swait.ge [sflag:s24], $0x800  }
0x121: {  	[sflag:s24] =	ssyncset.done $0x0  }
0x122: {  	s29 =	simm.s32 $0x14A0;
	[sflag:s24] =	ssyncadd.s32 $0xFFFFF800  }
0x123: {  	v1 =	vld [tilespmem:s29+$0xFFFFFF70]  }
0x124: {  	v0 =	vmov s25;
	s30 =	simm.s32 $0x680;
	v2 =	vld [tilespmem:s29+$0xFFFFFF60]  }
.LBB2_3:
0x125: {  	p0 =	sne.s32 s30, $0x33980  }
0x126: {  	v3 =	vld [tilespmem:s29+$0xFFFFFF80];
	_ =	sdelay $0x1  }
0x127: {  	v4 =	vld [tilespmem:s29+$0xFFFFFF90]  }
0x128: {  	v1 =	vadd.f32 v1, v2  }
0x129: {  	v2 =	vld [tilespmem:s29+$0xFFFFFFA0]  }
0x12a: {  	v1 =	vadd.f32 v3, v1  }
0x12b: {  	v3 =	vld [tilespmem:s29+$0xFFFFFFB0]  }
0x12c: {  	v1 =	vadd.f32 v4, v1  }
0x12d: {  	v4 =	vld [tilespmem:s29+$0xFFFFFFC0]  }
0x12e: {  	v1 =	vadd.f32 v2, v1  }
0x12f: {  	v2 =	vld [tilespmem:s29+$0xFFFFFFD0]  }
0x130: {  	v1 =	vadd.f32 v3, v1  }
0x131: {  	v3 =	vld [tilespmem:s29+$0xFFFFFFE0]  }
0x132: {  	v1 =	vadd.f32 v4, v1  }
0x133: {  	v4 =	vld [tilespmem:s29+$0xFFFFFFF0]  }
0x134: {  	v1 =	vadd.f32 v2, v1  }
0x135: {  	v2 =	vld [tilespmem:s29+$0x0]  }
0x136: {  	v1 =	vadd.f32 v3, v1  }
0x137: {  	v3 =	vld [tilespmem:s29+$0x10]  }
0x138: {  	v1 =	vadd.f32 v4, v1  }
0x139: {  	v4 =	vld [tilespmem:s29+$0x20]  }
0x13a: {  	v1 =	vadd.f32 v2, v1  }
0x13b: {  	v2 =	vld [tilespmem:s29+$0x30]  }
0x13c: {  	v1 =	vadd.f32 v3, v1  }
0x13d: {  	v3 =	vld [tilespmem:s29+$0x40]  }
0x13e: {  	v1 =	vadd.f32 v4, v1  }
0x13f: {  	v4 =	vld [tilespmem:s29+$0x50]  }
0x140: {  	v1 =	vadd.f32 v2, v1  }
0x141: {  	v2 =	vld [tilespmem:s29+$0x60]  }
0x142: {  	v1 =	vadd.f32 v3, v1  }
0x143: {  	v3 =	vld [tilespmem:s29+$0x70]  }
0x144: {  	v1 =	vadd.f32 v4, v1  }
0x145: {  	v4 =	vld [tilespmem:s29+$0x80]  }
0x146: {  	v1 =	vadd.f32 v2, v1  }
0x147: {  	v2 =	vld [tilespmem:s29+$0x90]  }
0x148: {  	v1 =	vadd.f32 v3, v1;
	_ =	sdelay $0x1  }
0x149: {  	v1 =	vadd.f32 v4, v1;
	_ =	sdelay $0x1  }
0x14a: {  	v1 =	vadd.f32 v2, v1;
	_ =	sdelay $0x1  }
.Ltmp0:
0x14b: {  	v1 =	vmul.f32 $5.000000070e-02, v1;
	(pc) =	sbr.rel @p0 .LBB2_3-.Ltmp0, $4  }
0x14c: {  	s31 =	sshra.s32 s28, $0x2;
	s28 =	smov.u32 s30  }
0x14d: {  	s29 =	sadd.s32 $0x140, s29;
	[tilespmem:v0+s31+$0x0 ss:$0x1] =	vst.idx.msk $0xffff, v1  }
0x14e: {  	v1 =	vld [tilespmem:s29+$0xFFFFFF70]  }
0x14f: {  	s30 =	sadd.s32 $0x680, s30;
	v2 =	vld [tilespmem:s29+$0xFFFFFF60]  }
0x150: {  	_ = 	snop  }
0x151: {  	v3 =	vld [tilespmem:s29+$0xFFFFFF80];
	_ =	sdelay $0x1  }
0x152: {  	v4 =	vld [tilespmem:s29+$0xFFFFFF90]  }
0x153: {  	v1 =	vadd.f32 v1, v2  }
0x154: {  	v48 =	vld [tilespmem:s29+$0xFFFFFFA0]  }
0x155: {  	v1 =	vadd.f32 v3, v1  }
0x156: {  	v49 =	vld [tilespmem:s29+$0xFFFFFFB0]  }
0x157: {  	v1 =	vadd.f32 v4, v1  }
0x158: {  	v50 =	vld [tilespmem:s29+$0xFFFFFFC0]  }
0x159: {  	v1 =	vadd.f32 v48, v1  }
0x15a: {  	v51 =	vld [tilespmem:s29+$0xFFFFFFD0]  }
0x15b: {  	v1 =	vadd.f32 v49, v1  }
0x15c: {  	v52 =	vld [tilespmem:s29+$0xFFFFFFE0]  }
0x15d: {  	v1 =	vadd.f32 v50, v1  }
0x15e: {  	v53 =	vld [tilespmem:s29+$0xFFFFFFF0]  }
0x15f: {  	v1 =	vadd.f32 v51, v1  }
0x160: {  	v54 =	vld [tilespmem:s29+$0x0]  }
0x161: {  	v1 =	vadd.f32 v52, v1  }
0x162: {  	v55 =	vld [tilespmem:s29+$0x10]  }
0x163: {  	v1 =	vadd.f32 v53, v1  }
0x164: {  	v56 =	vld [tilespmem:s29+$0x20]  }
0x165: {  	v1 =	vadd.f32 v54, v1  }
0x166: {  	v57 =	vld [tilespmem:s29+$0x30]  }
0x167: {  	v1 =	vadd.f32 v55, v1  }
0x168: {  	v58 =	vld [tilespmem:s29+$0x40]  }
0x169: {  	v1 =	vadd.f32 v56, v1  }
0x16a: {  	v59 =	vld [tilespmem:s29+$0x50]  }
0x16b: {  	v1 =	vadd.f32 v57, v1  }
0x16c: {  	v60 =	vld [tilespmem:s29+$0x60]  }
0x16d: {  	v1 =	vadd.f32 v58, v1  }
0x16e: {  	v61 =	vld [tilespmem:s29+$0x70]  }
0x16f: {  	v1 =	vadd.f32 v59, v1  }
0x170: {  	v62 =	vld [tilespmem:s29+$0x80]  }
0x171: {  	v1 =	vadd.f32 v60, v1  }
0x172: {  	v63 =	vld [tilespmem:s29+$0x90]  }
0x173: {  	v1 =	vadd.f32 v61, v1;
	_ =	sdelay $0x1  }
0x174: {  	s26 =	sadd.s32 $0x1, s26;
	v1 =	vadd.f32 v62, v1  }
0x175: {  	p0 =	sne.s32 s26, $0x1A  }
.Ltmp1:
0x176: {  	v1 =	vadd.f32 v63, v1;
	(pc) =	sbr.rel @p0 .LBB2_2-.Ltmp1, $4  }
0x177: {  	_ = 	snop  }
0x178: {  	v1 =	vmul.f32 $5.000000070e-02, v1  }
0x179: {  	s28 =	sshra.s32 s28, $0x2  }
0x17a: {  	s25 =	sadd.s32 $0x10, s25;
	[tilespmem:v0+s28+$0x0 ss:$0x1] =	vst.idx.msk $0xffff, v1  }
0x17b: {  	s25 =	simm.s32 $0x0;
	s26 =	rddreg [dreg:$0x3];
	s28 =	simm.s32 $0xB400  }
0x17c: {  	[hbm4b:s26+s25] =	stream.linear.scatter [tilespmem:s28], [sflag:$0x2], $0xD000, $0x38;
	[tilespmem:$0x18400] =	vst v63  }
0x17d: {  	_ =	swait.ge [sflag:s8], $0xD000  }
0x17e: {  	s30 =	rddreg [dreg:$0x5]  }
0x17f: {  	s31 =	rddreg [dreg:$0x4];
	s26 =	sadd.s32 $0x1, s30  }
0x180: {  	p0 =	sne.s32 s26, s31  }
.Ltmp2:
0x181: {  	_ = 	snop;
	(pc) =	sbr.rel @p0 .LBB2_1-.Ltmp2, $3  }
0x182: {  	_ =	sdelay $0x1  }
0x183: {  	[sflag:s8] =	ssyncset.done $0x0  }
0x184: {  	[sflag:s8] =	ssyncadd.s32 $0xFFFF3000  }
0x185: {  	_ =	sfence.sel $0x180000  }
0x186: {  	[bflag:$0x0] =	sbarrier.arrive $0xFFFF  }
0x187: {  	_ =	strace $0x90000047  }
0x188: {  	s0 =	stileid.u32;
	[bflag:$0x2] =	sbarrier.arrive $0xFFFF  }
0x189: {  	p0 =	sne.s32 s0, $0x0;
	s0 =	rddreg [dreg:$0x2]  }
0x18a: {  	s0 =	sadd.s32 @!p0 $0x100000, s0  }
0x18b: {  	[sflag:s0] =	ssyncadd.tile.s32 @!p0 $0x1;
	_ =	shalt  }
.Lfunc_end2:
_tile_overlayer_lowered:
.L_overlay_start_2:
0x18c: {  	(tag) =	ssettag $0x2  }
0x18d: {  	s0 =	rddreg [dreg:$0x0];
	s2 =	stileid.u32  }
0x18e: {  	s1 =	rddreg [dreg:$0x1];
	p0 =	sne.s32 s2, $0x0  }
0x18f: {  	s3 =	rddreg [dreg:$0x2];
	[bflag:$0x3] =	sbarrier.arrive $0xFFFF;
	s2 =	simm.s32 @!p0 $0x1C02  }
0x190: {  	[timem:s3], [sflag:s2] =	dma.local @!p0 [hbm:s0], s1  }
0x191: {  	s0 =	simm.s32 @!p0 $0x2  }
0x192: {  	_ =	swait.ge @!p0 [sflag:s0], s1  }
0x193: {  	s1 =	ssub.s32 @!p0 $0x0, s1;
	[sflag:s0] =	ssyncset.done @!p0 $0x0  }
0x194: {  	[sflag:s0] =	ssyncadd.s32 @!p0 s1  }
0x195: {  	[bflag:$0x3] =	sbarrier.arrive $0xFFFF  }
0x196: {  	_ =	shalt  }

</sc_bundles>
